<compile_context>
chip_gen: v7x
topology: tpu7x:2x2x1
jax: 0.10.2.dev20260603
libtpu: 0.0.44.dev20260713+nightly
codegen_flags: <defaults>
</compile_context>

<pallas_src>
import functools

import jax
import jax.numpy as jnp
from jax import lax
from jax.experimental import pallas as pl
from jax.experimental.pallas import tpu as pltpu
from jax.experimental.pallas import tpu_sc as plsc

N = 10000
NP = 10240
NS = 16
D = 128
WD = 16
KVH = 3 * D
EPS = 1e-5
M = float(N * NS)
PADC = 1e4
BIG = 3e38



def _proj_body(x_ref, p_ref, wq_ref, bq_ref, wkv_ref, bkv_ref, wp1_ref,
               bp1_ref, q_ref, kvh_ref):
    x = x_ref[...]
    q_ref[...] = (
        jnp.dot(x, wq_ref[...], preferred_element_type=jnp.float32)
        + bq_ref[...]
    )
    kv = (jnp.dot(x, wkv_ref[...], preferred_element_type=jnp.float32)
          + bkv_ref[...])
    h = lax.dot_general(p_ref[...], wp1_ref[...], (((1,), (0,)), ((), ())),
                        preferred_element_type=jnp.float32) + bp1_ref[...]
    hp = jnp.concatenate(
        [h, jnp.zeros((h.shape[0], D - 3), jnp.float32)], axis=1)
    kvh_ref[...] = jnp.concatenate([kv, hp], axis=1)


def _proj(xp, pp, wq, bq, wkv, bkv, wp1, bp1):
    R = 512
    return pl.pallas_call(
        _proj_body,
        grid=(NP // R,),
        in_specs=[
            pl.BlockSpec((R, D), lambda i: (i, 0)),
            pl.BlockSpec((R, 3), lambda i: (i, 0)),
            pl.BlockSpec((D, D), lambda i: (0, 0)),
            pl.BlockSpec((1, D), lambda i: (0, 0)),
            pl.BlockSpec((D, 2 * D), lambda i: (0, 0)),
            pl.BlockSpec((1, 2 * D), lambda i: (0, 0)),
            pl.BlockSpec((3, 3), lambda i: (0, 0)),
            pl.BlockSpec((1, 3), lambda i: (0, 0)),
        ],
        out_specs=[
            pl.BlockSpec((R, D), lambda i: (i, 0)),
            pl.BlockSpec((R, KVH), lambda i: (i, 0)),
        ],
        out_shape=[
            jax.ShapeDtypeStruct((NP, D), jnp.float32),
            jax.ShapeDtypeStruct((NP, KVH), jnp.float32),
        ],
    )(xp, pp, wq, bq, wkv, bkv, wp1, bp1)



_KR = 128
_CW = 128
_NCH = NP // _CW
_K1 = 4


def _knn_body(pb_ref, pt_ref, o_ref, scr, colscr):
    pb = pb_ref[...]
    pt = pt_ref[...]
    sqr = jnp.sum(pb * pb, axis=1, keepdims=True)
    sqc = jnp.sum(pt * pt, axis=0, keepdims=True)
    mm = lax.dot_general(pb, pt, (((1,), (0,)), ((), ())),
                         preferred_element_type=jnp.float32)
    scr[...] = (sqr + sqc - 2.0 * mm).reshape(_KR, _NCH, _CW)
    colscr[...] = (
        lax.broadcasted_iota(jnp.int32, (_KR, _NCH, _CW), 1) * _CW
        + lax.broadcasted_iota(jnp.int32, (_KR, _NCH, _CW), 2)
    ).astype(jnp.float32)
    vals, idxs = [], []
    for t in range(_K1):
        d = scr[...]
        cols3 = colscr[...]
        m = jnp.min(d, axis=1, keepdims=True)
        j = jnp.min(jnp.where(d == m, cols3, BIG), axis=1, keepdims=True)
        vals.append(m[:, 0, :])
        idxs.append(j[:, 0, :])
        if t + 1 < _K1:
            scr[...] = jnp.where(cols3 == j, BIG, d)
    cv = jnp.concatenate(vals, axis=1)
    ci = jnp.concatenate(idxs, axis=1)
    outs = []
    for _ in range(NS):
        m = jnp.min(cv, axis=1, keepdims=True)
        j = jnp.min(jnp.where(cv == m, ci, BIG), axis=1, keepdims=True)
        outs.append(j)
        cv = jnp.where(ci == j, BIG, cv)
    o_ref[...] = jnp.concatenate(outs, axis=1).astype(jnp.int32)


def _knn(pp_half, ppt):
    nrows = pp_half.shape[0]
    return pl.pallas_call(
        _knn_body,
        grid=(nrows // _KR,),
        in_specs=[
            pl.BlockSpec((_KR, 3), lambda i: (i, 0)),
            pl.BlockSpec((3, NP), lambda i: (0, 0)),
        ],
        out_specs=pl.BlockSpec((_KR, NS), lambda i: (i, 0)),
        out_shape=jax.ShapeDtypeStruct((nrows, NS), jnp.int32),
        scratch_shapes=[pltpu.VMEM((_KR, _NCH, _CW), jnp.float32),
                        pltpu.VMEM((_KR, _NCH, _CW), jnp.float32)],
    )(pp_half, ppt)




def _sc_gather(kvh, idxp):
    total = idxp.shape[0]
    nw = 32
    bpw = total // nw
    ch = 128
    nch = bpw // ch
    mesh = plsc.VectorSubcoreMesh(core_axis_name="c", subcore_axis_name="s")

    @functools.partial(
        pl.kernel,
        mesh=mesh,
        out_type=jax.ShapeDtypeStruct((total, KVH), jnp.float32),
        scratch_types=[
            pltpu.VMEM((bpw,), jnp.int32),
            pltpu.VMEM((ch, KVH), jnp.float32),
            pltpu.VMEM((ch, KVH), jnp.float32),
            pltpu.SemaphoreType.DMA,
            pltpu.SemaphoreType.DMA,
        ],
    )
    def k(t_hbm, idx_hbm, out_hbm, idx_all, rows_a, rows_b, sem_a, sem_b):
        wid = lax.axis_index("s") * 2 + lax.axis_index("c")
        base = wid * bpw
        pltpu.sync_copy(idx_hbm.at[pl.ds(base, bpw)], idx_all)

        def gcopy(c, buf, sem):
            return pltpu.make_async_copy(
                t_hbm.at[idx_all.at[pl.ds(c * ch, ch)]], buf, sem)

        gcopy(0, rows_a, sem_a).start()

        def pair(i, carry):
            c = 2 * i

            @pl.when(c + 1 < nch)
            def _():
                gcopy(c + 1, rows_b, sem_b).start()

            gcopy(c, rows_a, sem_a).wait()
            pltpu.sync_copy(rows_a, out_hbm.at[pl.ds(base + c * ch, ch)])

            @pl.when(c + 2 < nch)
            def _():
                gcopy(c + 2, rows_a, sem_a).start()

            @pl.when(c + 1 < nch)
            def _():
                gcopy(c + 1, rows_b, sem_b).wait()
                pltpu.sync_copy(
                    rows_b, out_hbm.at[pl.ds(base + (c + 1) * ch, ch)])

            return carry

        lax.fori_loop(0, (nch + 1) // 2, pair, 0)

    return k(kvh, idxp)



_BR = 200


def _statsp_body(g_ref, o_ref):
    h = g_ref[:, :, 0:3]
    s0 = jnp.sum(h, axis=(0, 1))[None, :]
    s1 = jnp.sum(h * h, axis=(0, 1))[None, :]
    z = jnp.zeros((1, 16 - 3), jnp.float32)
    part = jnp.concatenate(
        [jnp.concatenate([s0, z], axis=1),
         jnp.concatenate([s1, z], axis=1),
         jnp.zeros((6, 16), jnp.float32)], axis=0)

    @pl.when(pl.program_id(0) == 0)
    def _():
        o_ref[...] = jnp.zeros_like(o_ref)

    o_ref[...] += part


def _statsp(g3):
    return pl.pallas_call(
        _statsp_body,
        grid=(N // _BR,),
        in_specs=[pl.BlockSpec((_BR, NS, D), lambda i: (i, 0, 2))],
        out_specs=pl.BlockSpec((8, 16), lambda i: (0, 0)),
        out_shape=jax.ShapeDtypeStruct((8, 16), jnp.float32),
    )(g3)


def _pos_term(h_ref, sp, wp2_ref, bp2_ref, gp_ref, bP_ref):
    mu = sp[0:1, 0:3] / M
    var = sp[1:2, 0:3] / M - mu * mu
    alpha = gp_ref[...] * lax.rsqrt(var + EPS)
    shift = bP_ref[...] - mu * alpha
    h = h_ref[:, :, 0:3].reshape(_BR * NS, 3)
    r = jnp.maximum(h * alpha + shift, 0.0)
    return lax.dot_general(r, wp2_ref[...], (((1,), (0,)), ((), ())),
                           preferred_element_type=jnp.float32) + bp2_ref[...]




def _statsb_body(k_ref, h_ref, q_ref, sp_ref, gp_ref, bP_ref, wp2_ref,
                 bp2_ref, o_ref):
    pr = _pos_term(h_ref, sp_ref[...], wp2_ref, bp2_ref, gp_ref, bP_ref)
    w = (k_ref[...] - q_ref[...][:, None, :]).reshape(_BR * NS, D) + pr
    s0 = jnp.sum(w, axis=0, keepdims=True)
    s1 = jnp.sum(w * w, axis=0, keepdims=True)
    part = jnp.concatenate([s0, s1, jnp.zeros((6, D), jnp.float32)], axis=0)

    @pl.when(pl.program_id(0) == 0)
    def _():
        o_ref[...] = jnp.zeros_like(o_ref)

    o_ref[...] += part


def _statsb(g3, q, sp, gp, betap, wp2, bp2):
    return pl.pallas_call(
        _statsb_body,
        grid=(N // _BR,),
        in_specs=[
            pl.BlockSpec((_BR, NS, D), lambda i: (i, 0, 0)),
            pl.BlockSpec((_BR, NS, D), lambda i: (i, 0, 2)),
            pl.BlockSpec((_BR, D), lambda i: (i, 0)),
            pl.BlockSpec((8, 16), lambda i: (0, 0)),
            pl.BlockSpec((1, 3), lambda i: (0, 0)),
            pl.BlockSpec((1, 3), lambda i: (0, 0)),
            pl.BlockSpec((3, D), lambda i: (0, 0)),
            pl.BlockSpec((1, D), lambda i: (0, 0)),
        ],
        out_specs=pl.BlockSpec((8, D), lambda i: (0, 0)),
        out_shape=jax.ShapeDtypeStruct((8, D), jnp.float32),
    )(g3, g3, q, sp, gp, betap, wp2, bp2)




def _passc_body(k_ref, h_ref, q_ref, sp_ref, gp_ref, bP_ref, wp2_ref,
                bp2_ref, st_ref, g1_ref, be1_ref, w1_ref, b1_ref,
                o_ref, so_ref):
    pr = _pos_term(h_ref, sp_ref[...], wp2_ref, bp2_ref, gp_ref, bP_ref)
    st = st_ref[...]
    mu = st[0:1, :] / M
    var = st[1:2, :] / M - mu * mu
    alpha = g1_ref[...] * lax.rsqrt(var + EPS)
    shift = be1_ref[...] - mu * alpha
    w = (k_ref[...] - q_ref[...][:, None, :]).reshape(_BR * NS, D) + pr
    w = jnp.maximum(w * alpha + shift, 0.0)
    w2 = lax.dot_general(w, w1_ref[...], (((1,), (0,)), ((), ())),
                         preferred_element_type=jnp.float32) + b1_ref[...]
    o_ref[...] = w2
    s0 = jnp.sum(w2, axis=0, keepdims=True)
    s1 = jnp.sum(w2 * w2, axis=0, keepdims=True)
    part = jnp.concatenate([s0, s1, jnp.zeros((6, WD), jnp.float32)], axis=0)

    @pl.when(pl.program_id(0) == 0)
    def _():
        so_ref[...] = jnp.zeros_like(so_ref)

    so_ref[...] += part


def _passc(g3, q, sp, gp, betap, wp2, bp2, st1, g1, beta1, w1, b1):
    return pl.pallas_call(
        _passc_body,
        grid=(N // _BR,),
        in_specs=[
            pl.BlockSpec((_BR, NS, D), lambda i: (i, 0, 0)),
            pl.BlockSpec((_BR, NS, D), lambda i: (i, 0, 2)),
            pl.BlockSpec((_BR, D), lambda i: (i, 0)),
            pl.BlockSpec((8, 16), lambda i: (0, 0)),
            pl.BlockSpec((1, 3), lambda i: (0, 0)),
            pl.BlockSpec((1, 3), lambda i: (0, 0)),
            pl.BlockSpec((3, D), lambda i: (0, 0)),
            pl.BlockSpec((1, D), lambda i: (0, 0)),
            pl.BlockSpec((8, D), lambda i: (0, 0)),
            pl.BlockSpec((1, D), lambda i: (0, 0)),
            pl.BlockSpec((1, D), lambda i: (0, 0)),
            pl.BlockSpec((D, WD), lambda i: (0, 0)),
            pl.BlockSpec((1, WD), lambda i: (0, 0)),
        ],
        out_specs=[
            pl.BlockSpec((_BR * NS, WD), lambda i: (i, 0)),
            pl.BlockSpec((8, WD), lambda i: (0, 0)),
        ],
        out_shape=[
            jax.ShapeDtypeStruct((N * NS, WD), jnp.float32),
            jax.ShapeDtypeStruct((8, WD), jnp.float32),
        ],
    )(g3, g3, q, sp, gp, betap, wp2, bp2, st1, g1, beta1, w1, b1)




def _passd_body(w2_ref, v_ref, h_ref, sp_ref, gp_ref, bP_ref, wp2_ref,
                bp2_ref, st_ref, g2_ref, be2_ref, w2w_ref, b2_ref, o_ref):
    st = st_ref[...]
    mu = st[0:1, :] / M
    var = st[1:2, :] / M - mu * mu
    alpha = g2_ref[...] * lax.rsqrt(var + EPS)
    shift = be2_ref[...] - mu * alpha
    u = jnp.maximum(w2_ref[...] * alpha + shift, 0.0)
    w3 = lax.dot_general(u, w2w_ref[...], (((1,), (0,)), ((), ())),
                         preferred_element_type=jnp.float32) + b2_ref[...]
    logits = w3.reshape(_BR, NS, WD)
    mx = jnp.max(logits, axis=1, keepdims=True)
    e = jnp.exp(logits - mx)
    sm = e / jnp.sum(e, axis=1, keepdims=True)
    wt = jnp.concatenate([sm] * (D // WD), axis=2)
    pr = _pos_term(h_ref, sp_ref[...], wp2_ref, bp2_ref, gp_ref, bP_ref)
    v = v_ref[...] + pr.reshape(_BR, NS, D)
    o_ref[...] = jnp.sum(v * wt, axis=1)


def _passd(w2, g3, sp, gp, betap, wp2, bp2, st2, g2, beta2, w2w, b2):
    return pl.pallas_call(
        _passd_body,
        grid=(N // _BR,),
        in_specs=[
            pl.BlockSpec((_BR * NS, WD), lambda i: (i, 0)),
            pl.BlockSpec((_BR, NS, D), lambda i: (i, 0, 1)),
            pl.BlockSpec((_BR, NS, D), lambda i: (i, 0, 2)),
            pl.BlockSpec((8, 16), lambda i: (0, 0)),
            pl.BlockSpec((1, 3), lambda i: (0, 0)),
            pl.BlockSpec((1, 3), lambda i: (0, 0)),
            pl.BlockSpec((3, D), lambda i: (0, 0)),
            pl.BlockSpec((1, D), lambda i: (0, 0)),
            pl.BlockSpec((8, WD), lambda i: (0, 0)),
            pl.BlockSpec((1, WD), lambda i: (0, 0)),
            pl.BlockSpec((1, WD), lambda i: (0, 0)),
            pl.BlockSpec((WD, WD), lambda i: (0, 0)),
            pl.BlockSpec((1, WD), lambda i: (0, 0)),
        ],
        out_specs=pl.BlockSpec((_BR, D), lambda i: (i, 0)),
        out_shape=jax.ShapeDtypeStruct((N, D), jnp.float32),
    )(w2, g3, g3, sp, gp, betap, wp2, bp2, st2, g2, beta2, w2w, b2)




def kernel(p, x, o, Wq, bq, Wk, bk, Wv, bv, Wp1, bp1, gP, betaP, Wp2, bp2,
           g1, beta1, W1, b1, g2, beta2, W2, b2):
    pp = jnp.concatenate(
        [p, jnp.full((NP - N, 3), PADC, jnp.float32)], axis=0)
    xp = jnp.concatenate(
        [x, jnp.zeros((NP - N, D), jnp.float32)], axis=0)
    ppt = pp.T
    wkv = jnp.concatenate([Wk, Wv], axis=1)
    bkv = jnp.concatenate([bk, bv])[None, :]

    q, kvh = _proj(xp, pp, Wq, bq[None, :], wkv, bkv, Wp1, bp1[None, :])

    half = NP // 2
    parts = []
    for s in range(2):
        idx_s = _knn(pp[s * half:(s + 1) * half], ppt)
        parts.append(_sc_gather(kvh, idx_s.reshape(-1)))

    gfull = jnp.concatenate(parts, axis=0)[: N * NS]
    g3 = gfull.reshape(N, NS, KVH)

    sp = _statsp(g3)
    gp2 = gP[None, :]
    bp2_ = betaP[None, :]
    st1 = _statsb(g3, q, sp, gp2, bp2_, Wp2, bp2[None, :])
    w2, st2 = _passc(g3, q, sp, gp2, bp2_, Wp2, bp2[None, :], st1,
                     g1[None, :], beta1[None, :], W1, b1[None, :])
    out = _passd(w2, g3, sp, gp2, bp2_, Wp2, bp2[None, :], st2,
                 g2[None, :], beta2[None, :], W2, b2[None, :])
    return out

# --- scband reference (transcript-rebuilt; emitter-appended) ---
"""Pipeline reference for scband-point-transformer-layer-32298154066756 (READ-ONLY COPY).

The authoritative reference and input builder live on the scoring server;
editing this copy changes nothing except your own understanding.
"""

import jax, jax.numpy as jnp
import numpy as np

N = 10000
IN_PLANES = 128
OUT_PLANES = 128
MID = OUT_PLANES
SHARE = 8
NSAMPLE = 16
WDIM = MID // SHARE


def _bn(h, gamma, beta, eps=1e-5):
    axes = tuple(range(h.ndim - 1))
    mu = jnp.mean(h, axis=axes, keepdims=True)
    var = jnp.var(h, axis=axes, keepdims=True)
    return (h - mu) / jnp.sqrt(var + eps) * gamma + beta


def _knn_idx(p, k):
    sq = jnp.sum(p * p, axis=1)
    d2 = sq[:, None] + sq[None, :] - 2.0 * (p @ p.T)
    _, idx = jax.lax.top_k(-d2, k)
    return idx


def setup_inputs(seed: int = 0):
    key = jax.random.key(seed)
    ks = [jax.random.fold_in(key, i) for i in range(16)]

    def lin_w(k, fi, fo):
        return (jax.random.normal(k, (fi, fo), dtype=jnp.float32) / np.sqrt(fi)).astype(jnp.float32)

    inp = {}
    inp['p'] = jax.random.uniform(ks[0], (N, 3), dtype=jnp.float32) * 10.0
    inp['x'] = jax.random.normal(ks[1], (N, IN_PLANES), dtype=jnp.float32)
    inp['o'] = jnp.array([N], dtype=jnp.int32)
    inp['Wq'] = lin_w(ks[2], IN_PLANES, MID)
    inp['bq'] = jnp.zeros((MID,), jnp.float32)
    inp['Wk'] = lin_w(ks[3], IN_PLANES, MID)
    inp['bk'] = jnp.zeros((MID,), jnp.float32)
    inp['Wv'] = lin_w(ks[4], IN_PLANES, OUT_PLANES)
    inp['bv'] = jnp.zeros((OUT_PLANES,), jnp.float32)
    inp['Wp1'] = lin_w(ks[5], 3, 3)
    inp['bp1'] = jnp.zeros((3,), jnp.float32)
    inp['gP'] = jnp.ones((3,), jnp.float32)
    inp['betaP'] = jnp.zeros((3,), jnp.float32)
    inp['Wp2'] = lin_w(ks[6], 3, OUT_PLANES)
    inp['bp2'] = jnp.zeros((OUT_PLANES,), jnp.float32)
    inp['g1'] = jnp.ones((MID,), jnp.float32)
    inp['beta1'] = jnp.zeros((MID,), jnp.float32)
    inp['W1'] = lin_w(ks[7], MID, WDIM)
    inp['b1'] = jnp.zeros((WDIM,), jnp.float32)
    inp['g2'] = jnp.ones((WDIM,), jnp.float32)
    inp['beta2'] = jnp.zeros((WDIM,), jnp.float32)
    inp['W2'] = lin_w(ks[8], WDIM, WDIM)
    inp['b2'] = jnp.zeros((WDIM,), jnp.float32)
    return inp


def reference(p, x, o, Wq, bq, Wk, bk, Wv, bv, Wp1, bp1, gP, betaP, Wp2, bp2, g1, beta1, W1, b1, g2, beta2, W2, b2):
    # pxo = (p, x, o); o (batch offsets) is unused by the original forward
    x_q = x @ Wq + bq
    x_k = x @ Wk + bk
    x_v = x @ Wv + bv
    # query_and_group: KDTree k-NN (includes self) -> brute-force top_k on -dist
    idx = _knn_idx(p, NSAMPLE)                      # [N, nsample] gather indices
    p_g = p[idx]                                    # [N, nsample, 3]
    k_g = x_k[idx]                                  # [N, nsample, mid]
    v_g = x_v[idx]                                  # [N, nsample, out]
    # linear_p on grouped positions
    h = p_g @ Wp1 + bp1
    h = jax.nn.relu(_bn(h, gP, betaP))
    p_r = h @ Wp2 + bp2                             # [N, nsample, out]
    # attention weights
    w = k_g - x_q[:, None, :] + p_r
    w = jax.nn.relu(_bn(w, g1, beta1))
    w = w @ W1 + b1
    w = jax.nn.relu(_bn(w, g2, beta2))
    w = w @ W2 + b2                                 # [N, nsample, out//share]
    w = jax.nn.softmax(w, axis=1)
    v = (v_g + p_r).reshape(N, NSAMPLE, SHARE, WDIM)
    out = (v * w[:, :, None, :]).sum(axis=1).reshape(N, OUT_PLANES)
    return out

if __name__ == "__main__":
    import jax
    _d = setup_inputs()
    print(jax.jit(kernel)(*tuple(_d.values())))

</pallas_src>

<mosaic_0001>
#map = affine_map<(d0, d1) -> (0, 0)>
#map1 = affine_map<(d0, d1) -> (0)>
module attributes {stable_mosaic.version = 14 : i64} {
  func.func @k(%arg0: i32, %arg1: i32, %arg2: memref<10240x384xf32, #tpu.memory_space<hbm>>, %arg3: memref<81920xi32, #tpu.memory_space<hbm>>, %arg4: memref<81920x384xf32, #tpu.memory_space<hbm>>, %arg5: memref<2560xi32, #tpu.memory_space<vmem>>, %arg6: memref<128x384xf32, #tpu.memory_space<vmem>>, %arg7: memref<128x384xf32, #tpu.memory_space<vmem>>, %arg8: memref<!tpu.dma_semaphore, #tpu.memory_space<semaphore_mem>>, %arg9: memref<!tpu.dma_semaphore, #tpu.memory_space<semaphore_mem>>) attributes {dimension_semantics = [#tpu.dimension_semantics<core_parallel>, #tpu.dimension_semantics<subcore_parallel>], iteration_bounds = array<i64: 2, 16>, scalar_prefetch = 0 : i64, scratch_operands = 5 : i64, tpu.core_type = #tpu.core_type<sc_vector_subcore>, window_params = [{transform_indices = #map}, {transform_indices = #map1}, {transform_indices = #map}]} {
    %mul3A = arith.constant 2 : i32
    %mul3A_0 = arith.muli %arg1, %mul3A : i32
    %add3A = arith.addi %mul3A_0, %arg0 : i32
    %mul3A_1 = arith.constant 2560 : i32
    %mul3A_2 = arith.muli %add3A, %mul3A_1 : i32
    "tpu.region"() ({
      %run_scoped3A = tpu.sem_alloc : memref<!tpu.dma_semaphore, #tpu.memory_space<semaphore_mem>>
      %dma_start3A_12 = tpu.memref_slice %arg3[%mul3A_2] : memref<81920xi32, #tpu.memory_space<hbm>> -> memref<2560xi32, #tpu.memory_space<hbm>>
      %dma_start3A_13 = tpu.memref_slice %arg3[%mul3A_2] : memref<81920xi32, #tpu.memory_space<hbm>> -> memref<2560xi32, #tpu.memory_space<hbm>>
      tpu.enqueue_dma source(%dma_start3A_13 : memref<2560xi32, #tpu.memory_space<hbm>>) target(%arg5 : memref<2560xi32, #tpu.memory_space<vmem>>) target_semaphore(%run_scoped3A : memref<!tpu.dma_semaphore, #tpu.memory_space<semaphore_mem>>)
      %dma_wait3A = tpu.memref_slice %arg3[%mul3A_2] : memref<81920xi32, #tpu.memory_space<hbm>> -> memref<2560xi32, #tpu.memory_space<hbm>>
      %dma_wait3A_14 = tpu.memref_slice %arg3[%mul3A_2] : memref<81920xi32, #tpu.memory_space<hbm>> -> memref<2560xi32, #tpu.memory_space<hbm>>
      tpu.wait_dma2 semaphore(%run_scoped3A : memref<!tpu.dma_semaphore, #tpu.memory_space<semaphore_mem>>) src(%dma_wait3A_14 : memref<2560xi32, #tpu.memory_space<hbm>>) dst(%arg5 : memref<2560xi32, #tpu.memory_space<vmem>>)
      tpu.yield
    }) : () -> ()
    %dma_start3A = arith.constant 0 : i32
    %dma_start3A_3 = tpu.memref_slice %arg5[%dma_start3A] : memref<2560xi32, #tpu.memory_space<vmem>> -> memref<128xi32, #tpu.memory_space<vmem>>
    %dma_start3A_4 = arith.constant 0 : i32
    %dma_start3A_5 = arith.constant 0 : i32
    %dma_start3A_6 = tpu.memref_slice %arg2[%dma_start3A_4, %dma_start3A_5] : memref<10240x384xf32, #tpu.memory_space<hbm>> -> memref<10240x384xf32, #tpu.memory_space<hbm>>
    tpu.enqueue_indirect_dma source(%dma_start3A_6 : memref<10240x384xf32, #tpu.memory_space<hbm>>) target(%arg6 : memref<128x384xf32, #tpu.memory_space<vmem>>) offsets(%dma_start3A_3 : memref<128xi32, #tpu.memory_space<vmem>>) semaphore(%arg8 : memref<!tpu.dma_semaphore, #tpu.memory_space<semaphore_mem>>)
    %scan3A = arith.constant 0 : i32
    %scan3A_7 = arith.constant 0 : i32
    %scan3A_8 = arith.constant 10 : i32
    %scan3A_9 = arith.addi %scan3A_7, %scan3A_8 : i32
    %scan3A_10 = arith.constant 1 : i32
    scf.for %scan3A_12 = %scan3A_7 to %scan3A_9 step %scan3A_10  : i32 {
      %mul3A_13 = arith.constant 2 : i32
      %mul3A_14 = arith.muli %mul3A_13, %scan3A_12 : i32
      %add3A_15 = arith.constant 1 : i32
      %add3A_16 = arith.addi %mul3A_14, %add3A_15 : i32
      %lt3A = arith.constant 20 : i32
      %lt3A_17 = arith.cmpi slt, %add3A_16, %lt3A : i32
      %convert_element_type3A = arith.extui %lt3A_17 : i1 to i32
      %cond3A = arith.constant 0 : i32
      %cond3A_18 = arith.cmpi ne, %convert_element_type3A, %cond3A : i32
      scf.if %cond3A_18 {
        %add3A_41 = arith.constant 1 : i32
        %add3A_42 = arith.addi %mul3A_14, %add3A_41 : i32
        %mul3A_43 = arith.constant 128 : i32
        %mul3A_44 = arith.muli %add3A_42, %mul3A_43 : i32
        %dma_start3A_45 = tpu.memref_slice %arg5[%mul3A_44] : memref<2560xi32, #tpu.memory_space<vmem>> -> memref<128xi32, #tpu.memory_space<vmem>>
        %dma_start3A_46 = arith.constant 0 : i32
        %dma_start3A_47 = arith.constant 0 : i32
        %dma_start3A_48 = tpu.memref_slice %arg2[%dma_start3A_46, %dma_start3A_47] : memref<10240x384xf32, #tpu.memory_space<hbm>> -> memref<10240x384xf32, #tpu.memory_space<hbm>>
        tpu.enqueue_indirect_dma source(%dma_start3A_48 : memref<10240x384xf32, #tpu.memory_space<hbm>>) target(%arg7 : memref<128x384xf32, #tpu.memory_space<vmem>>) offsets(%dma_start3A_45 : memref<128xi32, #tpu.memory_space<vmem>>) semaphore(%arg9 : memref<!tpu.dma_semaphore, #tpu.memory_space<semaphore_mem>>)
      } else {
      }
      %mul3A_19 = arith.constant 128 : i32
      %mul3A_20 = arith.muli %mul3A_14, %mul3A_19 : i32
      %dma_wait3A = tpu.memref_slice %arg5[%mul3A_20] : memref<2560xi32, #tpu.memory_space<vmem>> -> memref<128xi32, #tpu.memory_space<vmem>>
      %dma_wait3A_21 = arith.constant 0 : i32
      %dma_wait3A_22 = arith.constant 0 : i32
      %dma_wait3A_23 = tpu.memref_slice %arg2[%dma_wait3A_21, %dma_wait3A_22] : memref<10240x384xf32, #tpu.memory_space<hbm>> -> memref<10240x384xf32, #tpu.memory_space<hbm>>
      tpu.wait_indirect_dma semaphore(%arg8 : memref<!tpu.dma_semaphore, #tpu.memory_space<semaphore_mem>>) src(%dma_wait3A_23 : memref<10240x384xf32, #tpu.memory_space<hbm>>) dst(%arg6 : memref<128x384xf32, #tpu.memory_space<vmem>>)
      %mul3A_24 = arith.constant 128 : i32
      %mul3A_25 = arith.muli %mul3A_14, %mul3A_24 : i32
      %add3A_26 = arith.addi %mul3A_2, %mul3A_25 : i32
      "tpu.region"() ({
        %run_scoped3A = tpu.sem_alloc : memref<!tpu.dma_semaphore, #tpu.memory_space<semaphore_mem>>
        %dma_start3A_41 = arith.constant 0 : i32
        %dma_start3A_42 = tpu.memref_slice %arg4[%add3A_26, %dma_start3A_41] : memref<81920x384xf32, #tpu.memory_space<hbm>> -> memref<128x384xf32, #tpu.memory_space<hbm>>
        %dma_start3A_43 = arith.constant 0 : i32
        %dma_start3A_44 = tpu.memref_slice %arg4[%add3A_26, %dma_start3A_43] : memref<81920x384xf32, #tpu.memory_space<hbm>> -> memref<128x384xf32, #tpu.memory_space<hbm>>
        tpu.enqueue_dma source(%arg6 : memref<128x384xf32, #tpu.memory_space<vmem>>) target(%dma_start3A_44 : memref<128x384xf32, #tpu.memory_space<hbm>>) target_semaphore(%run_scoped3A : memref<!tpu.dma_semaphore, #tpu.memory_space<semaphore_mem>>)
        %dma_wait3A_45 = arith.constant 0 : i32
        %dma_wait3A_46 = tpu.memref_slice %arg4[%add3A_26, %dma_wait3A_45] : memref<81920x384xf32, #tpu.memory_space<hbm>> -> memref<128x384xf32, #tpu.memory_space<hbm>>
        %dma_wait3A_47 = arith.constant 0 : i32
        %dma_wait3A_48 = tpu.memref_slice %arg4[%add3A_26, %dma_wait3A_47] : memref<81920x384xf32, #tpu.memory_space<hbm>> -> memref<128x384xf32, #tpu.memory_space<hbm>>
        tpu.wait_dma2 semaphore(%run_scoped3A : memref<!tpu.dma_semaphore, #tpu.memory_space<semaphore_mem>>) src(%arg6 : memref<128x384xf32, #tpu.memory_space<vmem>>) dst(%dma_wait3A_48 : memref<128x384xf32, #tpu.memory_space<hbm>>)
        tpu.yield
      }) : () -> ()
      %add3A_27 = arith.constant 2 : i32
      %add3A_28 = arith.addi %mul3A_14, %add3A_27 : i32
      %lt3A_29 = arith.constant 20 : i32
      %lt3A_30 = arith.cmpi slt, %add3A_28, %lt3A_29 : i32
      %convert_element_type3A_31 = arith.extui %lt3A_30 : i1 to i32
      %cond3A_32 = arith.constant 0 : i32
      %cond3A_33 = arith.cmpi ne, %convert_element_type3A_31, %cond3A_32 : i32
      scf.if %cond3A_33 {
        %add3A_41 = arith.constant 2 : i32
        %add3A_42 = arith.addi %mul3A_14, %add3A_41 : i32
        %mul3A_43 = arith.constant 128 : i32
        %mul3A_44 = arith.muli %add3A_42, %mul3A_43 : i32
        %dma_start3A_45 = tpu.memref_slice %arg5[%mul3A_44] : memref<2560xi32, #tpu.memory_space<vmem>> -> memref<128xi32, #tpu.memory_space<vmem>>
        %dma_start3A_46 = arith.constant 0 : i32
        %dma_start3A_47 = arith.constant 0 : i32
        %dma_start3A_48 = tpu.memref_slice %arg2[%dma_start3A_46, %dma_start3A_47] : memref<10240x384xf32, #tpu.memory_space<hbm>> -> memref<10240x384xf32, #tpu.memory_space<hbm>>
        tpu.enqueue_indirect_dma source(%dma_start3A_48 : memref<10240x384xf32, #tpu.memory_space<hbm>>) target(%arg6 : memref<128x384xf32, #tpu.memory_space<vmem>>) offsets(%dma_start3A_45 : memref<128xi32, #tpu.memory_space<vmem>>) semaphore(%arg8 : memref<!tpu.dma_semaphore, #tpu.memory_space<semaphore_mem>>)
      } else {
      }
      %add3A_34 = arith.constant 1 : i32
      %add3A_35 = arith.addi %mul3A_14, %add3A_34 : i32
      %lt3A_36 = arith.constant 20 : i32
      %lt3A_37 = arith.cmpi slt, %add3A_35, %lt3A_36 : i32
      %convert_element_type3A_38 = arith.extui %lt3A_37 : i1 to i32
      %cond3A_39 = arith.constant 0 : i32
      %cond3A_40 = arith.cmpi ne, %convert_element_type3A_38, %cond3A_39 : i32
      scf.if %cond3A_40 {
        %add3A_41 = arith.constant 1 : i32
        %add3A_42 = arith.addi %mul3A_14, %add3A_41 : i32
        %mul3A_43 = arith.constant 128 : i32
        %mul3A_44 = arith.muli %add3A_42, %mul3A_43 : i32
        %dma_wait3A_45 = tpu.memref_slice %arg5[%mul3A_44] : memref<2560xi32, #tpu.memory_space<vmem>> -> memref<128xi32, #tpu.memory_space<vmem>>
        %dma_wait3A_46 = arith.constant 0 : i32
        %dma_wait3A_47 = arith.constant 0 : i32
        %dma_wait3A_48 = tpu.memref_slice %arg2[%dma_wait3A_46, %dma_wait3A_47] : memref<10240x384xf32, #tpu.memory_space<hbm>> -> memref<10240x384xf32, #tpu.memory_space<hbm>>
        tpu.wait_indirect_dma semaphore(%arg9 : memref<!tpu.dma_semaphore, #tpu.memory_space<semaphore_mem>>) src(%dma_wait3A_48 : memref<10240x384xf32, #tpu.memory_space<hbm>>) dst(%arg7 : memref<128x384xf32, #tpu.memory_space<vmem>>)
        %add3A_49 = arith.constant 1 : i32
        %add3A_50 = arith.addi %mul3A_14, %add3A_49 : i32
        %mul3A_51 = arith.constant 128 : i32
        %mul3A_52 = arith.muli %add3A_50, %mul3A_51 : i32
        %add3A_53 = arith.addi %mul3A_2, %mul3A_52 : i32
        "tpu.region"() ({
          %run_scoped3A = tpu.sem_alloc : memref<!tpu.dma_semaphore, #tpu.memory_space<semaphore_mem>>
          %dma_start3A_54 = arith.constant 0 : i32
          %dma_start3A_55 = tpu.memref_slice %arg4[%add3A_53, %dma_start3A_54] : memref<81920x384xf32, #tpu.memory_space<hbm>> -> memref<128x384xf32, #tpu.memory_space<hbm>>
          %dma_start3A_56 = arith.constant 0 : i32
          %dma_start3A_57 = tpu.memref_slice %arg4[%add3A_53, %dma_start3A_56] : memref<81920x384xf32, #tpu.memory_space<hbm>> -> memref<128x384xf32, #tpu.memory_space<hbm>>
          tpu.enqueue_dma source(%arg7 : memref<128x384xf32, #tpu.memory_space<vmem>>) target(%dma_start3A_57 : memref<128x384xf32, #tpu.memory_space<hbm>>) target_semaphore(%run_scoped3A : memref<!tpu.dma_semaphore, #tpu.memory_space<semaphore_mem>>)
          %dma_wait3A_58 = arith.constant 0 : i32
          %dma_wait3A_59 = tpu.memref_slice %arg4[%add3A_53, %dma_wait3A_58] : memref<81920x384xf32, #tpu.memory_space<hbm>> -> memref<128x384xf32, #tpu.memory_space<hbm>>
          %dma_wait3A_60 = arith.constant 0 : i32
          %dma_wait3A_61 = tpu.memref_slice %arg4[%add3A_53, %dma_wait3A_60] : memref<81920x384xf32, #tpu.memory_space<hbm>> -> memref<128x384xf32, #tpu.memory_space<hbm>>
          tpu.wait_dma2 semaphore(%run_scoped3A : memref<!tpu.dma_semaphore, #tpu.memory_space<semaphore_mem>>) src(%arg7 : memref<128x384xf32, #tpu.memory_space<vmem>>) dst(%dma_wait3A_61 : memref<128x384xf32, #tpu.memory_space<hbm>>)
          tpu.yield
        }) : () -> ()
      } else {
      }
    }
    %scan3A_11 = arith.constant 10 : i32
    return
  }
}

#map = affine_map<(d0, d1) -> (0, 0)>
#map1 = affine_map<(d0, d1) -> (0)>
module attributes {stable_mosaic.version = 14 : i64} {
  func.func @k(%arg0: i32, %arg1: i32, %arg2: memref<10240x384xf32, #tpu.memory_space<hbm>>, %arg3: memref<81920xi32, #tpu.memory_space<hbm>>, %arg4: memref<81920x384xf32, #tpu.memory_space<hbm>>, %arg5: memref<2560xi32, #tpu.memory_space<vmem>>, %arg6: memref<128x384xf32, #tpu.memory_space<vmem>>, %arg7: memref<128x384xf32, #tpu.memory_space<vmem>>, %arg8: memref<!tpu.dma_semaphore, #tpu.memory_space<semaphore_mem>>, %arg9: memref<!tpu.dma_semaphore, #tpu.memory_space<semaphore_mem>>) attributes {dimension_semantics = [#tpu.dimension_semantics<core_parallel>, #tpu.dimension_semantics<subcore_parallel>], iteration_bounds = array<i64: 2, 16>, scalar_prefetch = 0 : i64, scratch_operands = 5 : i64, tpu.core_type = #tpu.core_type<sc_vector_subcore>, window_params = [{transform_indices = #map}, {transform_indices = #map1}, {transform_indices = #map}]} {
    %mul3A = arith.constant 2 : i32
    %mul3A_0 = arith.muli %arg1, %mul3A : i32
    %add3A = arith.addi %mul3A_0, %arg0 : i32
    %mul3A_1 = arith.constant 2560 : i32
    %mul3A_2 = arith.muli %add3A, %mul3A_1 : i32
    "tpu.region"() ({
      %run_scoped3A = tpu.sem_alloc : memref<!tpu.dma_semaphore, #tpu.memory_space<semaphore_mem>>
      %dma_start3A_12 = tpu.memref_slice %arg3[%mul3A_2] : memref<81920xi32, #tpu.memory_space<hbm>> -> memref<2560xi32, #tpu.memory_space<hbm>>
      %dma_start3A_13 = tpu.memref_slice %arg3[%mul3A_2] : memref<81920xi32, #tpu.memory_space<hbm>> -> memref<2560xi32, #tpu.memory_space<hbm>>
      tpu.enqueue_dma source(%dma_start3A_13 : memref<2560xi32, #tpu.memory_space<hbm>>) target(%arg5 : memref<2560xi32, #tpu.memory_space<vmem>>) target_semaphore(%run_scoped3A : memref<!tpu.dma_semaphore, #tpu.memory_space<semaphore_mem>>)
      %dma_wait3A = tpu.memref_slice %arg3[%mul3A_2] : memref<81920xi32, #tpu.memory_space<hbm>> -> memref<2560xi32, #tpu.memory_space<hbm>>
      %dma_wait3A_14 = tpu.memref_slice %arg3[%mul3A_2] : memref<81920xi32, #tpu.memory_space<hbm>> -> memref<2560xi32, #tpu.memory_space<hbm>>
      tpu.wait_dma2 semaphore(%run_scoped3A : memref<!tpu.dma_semaphore, #tpu.memory_space<semaphore_mem>>) src(%dma_wait3A_14 : memref<2560xi32, #tpu.memory_space<hbm>>) dst(%arg5 : memref<2560xi32, #tpu.memory_space<vmem>>)
      tpu.yield
    }) : () -> ()
    %dma_start3A = arith.constant 0 : i32
    %dma_start3A_3 = tpu.memref_slice %arg5[%dma_start3A] : memref<2560xi32, #tpu.memory_space<vmem>> -> memref<128xi32, #tpu.memory_space<vmem>>
    %dma_start3A_4 = arith.constant 0 : i32
    %dma_start3A_5 = arith.constant 0 : i32
    %dma_start3A_6 = tpu.memref_slice %arg2[%dma_start3A_4, %dma_start3A_5] : memref<10240x384xf32, #tpu.memory_space<hbm>> -> memref<10240x384xf32, #tpu.memory_space<hbm>>
    tpu.enqueue_indirect_dma source(%dma_start3A_6 : memref<10240x384xf32, #tpu.memory_space<hbm>>) target(%arg6 : memref<128x384xf32, #tpu.memory_space<vmem>>) offsets(%dma_start3A_3 : memref<128xi32, #tpu.memory_space<vmem>>) semaphore(%arg8 : memref<!tpu.dma_semaphore, #tpu.memory_space<semaphore_mem>>)
    %scan3A = arith.constant 0 : i32
    %scan3A_7 = arith.constant 0 : i32
    %scan3A_8 = arith.constant 10 : i32
    %scan3A_9 = arith.addi %scan3A_7, %scan3A_8 : i32
    %scan3A_10 = arith.constant 1 : i32
    scf.for %scan3A_12 = %scan3A_7 to %scan3A_9 step %scan3A_10  : i32 {
      %mul3A_13 = arith.constant 2 : i32
      %mul3A_14 = arith.muli %mul3A_13, %scan3A_12 : i32
      %add3A_15 = arith.constant 1 : i32
      %add3A_16 = arith.addi %mul3A_14, %add3A_15 : i32
      %lt3A = arith.constant 20 : i32
      %lt3A_17 = arith.cmpi slt, %add3A_16, %lt3A : i32
      %convert_element_type3A = arith.extui %lt3A_17 : i1 to i32
      %cond3A = arith.constant 0 : i32
      %cond3A_18 = arith.cmpi ne, %convert_element_type3A, %cond3A : i32
      scf.if %cond3A_18 {
        %add3A_41 = arith.constant 1 : i32
        %add3A_42 = arith.addi %mul3A_14, %add3A_41 : i32
        %mul3A_43 = arith.constant 128 : i32
        %mul3A_44 = arith.muli %add3A_42, %mul3A_43 : i32
        %dma_start3A_45 = tpu.memref_slice %arg5[%mul3A_44] : memref<2560xi32, #tpu.memory_space<vmem>> -> memref<128xi32, #tpu.memory_space<vmem>>
        %dma_start3A_46 = arith.constant 0 : i32
        %dma_start3A_47 = arith.constant 0 : i32
        %dma_start3A_48 = tpu.memref_slice %arg2[%dma_start3A_46, %dma_start3A_47] : memref<10240x384xf32, #tpu.memory_space<hbm>> -> memref<10240x384xf32, #tpu.memory_space<hbm>>
        tpu.enqueue_indirect_dma source(%dma_start3A_48 : memref<10240x384xf32, #tpu.memory_space<hbm>>) target(%arg7 : memref<128x384xf32, #tpu.memory_space<vmem>>) offsets(%dma_start3A_45 : memref<128xi32, #tpu.memory_space<vmem>>) semaphore(%arg9 : memref<!tpu.dma_semaphore, #tpu.memory_space<semaphore_mem>>)
      } else {
      }
      %mul3A_19 = arith.constant 128 : i32
      %mul3A_20 = arith.muli %mul3A_14, %mul3A_19 : i32
      %dma_wait3A = tpu.memref_slice %arg5[%mul3A_20] : memref<2560xi32, #tpu.memory_space<vmem>> -> memref<128xi32, #tpu.memory_space<vmem>>
      %dma_wait3A_21 = arith.constant 0 : i32
      %dma_wait3A_22 = arith.constant 0 : i32
      %dma_wait3A_23 = tpu.memref_slice %arg2[%dma_wait3A_21, %dma_wait3A_22] : memref<10240x384xf32, #tpu.memory_space<hbm>> -> memref<10240x384xf32, #tpu.memory_space<hbm>>
      tpu.wait_indirect_dma semaphore(%arg8 : memref<!tpu.dma_semaphore, #tpu.memory_space<semaphore_mem>>) src(%dma_wait3A_23 : memref<10240x384xf32, #tpu.memory_space<hbm>>) dst(%arg6 : memref<128x384xf32, #tpu.memory_space<vmem>>)
      %mul3A_24 = arith.constant 128 : i32
      %mul3A_25 = arith.muli %mul3A_14, %mul3A_24 : i32
      %add3A_26 = arith.addi %mul3A_2, %mul3A_25 : i32
      "tpu.region"() ({
        %run_scoped3A = tpu.sem_alloc : memref<!tpu.dma_semaphore, #tpu.memory_space<semaphore_mem>>
        %dma_start3A_41 = arith.constant 0 : i32
        %dma_start3A_42 = tpu.memref_slice %arg4[%add3A_26, %dma_start3A_41] : memref<81920x384xf32, #tpu.memory_space<hbm>> -> memref<128x384xf32, #tpu.memory_space<hbm>>
        %dma_start3A_43 = arith.constant 0 : i32
        %dma_start3A_44 = tpu.memref_slice %arg4[%add3A_26, %dma_start3A_43] : memref<81920x384xf32, #tpu.memory_space<hbm>> -> memref<128x384xf32, #tpu.memory_space<hbm>>
        tpu.enqueue_dma source(%arg6 : memref<128x384xf32, #tpu.memory_space<vmem>>) target(%dma_start3A_44 : memref<128x384xf32, #tpu.memory_space<hbm>>) target_semaphore(%run_scoped3A : memref<!tpu.dma_semaphore, #tpu.memory_space<semaphore_mem>>)
        %dma_wait3A_45 = arith.constant 0 : i32
        %dma_wait3A_46 = tpu.memref_slice %arg4[%add3A_26, %dma_wait3A_45] : memref<81920x384xf32, #tpu.memory_space<hbm>> -> memref<128x384xf32, #tpu.memory_space<hbm>>
        %dma_wait3A_47 = arith.constant 0 : i32
        %dma_wait3A_48 = tpu.memref_slice %arg4[%add3A_26, %dma_wait3A_47] : memref<81920x384xf32, #tpu.memory_space<hbm>> -> memref<128x384xf32, #tpu.memory_space<hbm>>
        tpu.wait_dma2 semaphore(%run_scoped3A : memref<!tpu.dma_semaphore, #tpu.memory_space<semaphore_mem>>) src(%arg6 : memref<128x384xf32, #tpu.memory_space<vmem>>) dst(%dma_wait3A_48 : memref<128x384xf32, #tpu.memory_space<hbm>>)
        tpu.yield
      }) : () -> ()
      %add3A_27 = arith.constant 2 : i32
      %add3A_28 = arith.addi %mul3A_14, %add3A_27 : i32
      %lt3A_29 = arith.constant 20 : i32
      %lt3A_30 = arith.cmpi slt, %add3A_28, %lt3A_29 : i32
      %convert_element_type3A_31 = arith.extui %lt3A_30 : i1 to i32
      %cond3A_32 = arith.constant 0 : i32
      %cond3A_33 = arith.cmpi ne, %convert_element_type3A_31, %cond3A_32 : i32
      scf.if %cond3A_33 {
        %add3A_41 = arith.constant 2 : i32
        %add3A_42 = arith.addi %mul3A_14, %add3A_41 : i32
        %mul3A_43 = arith.constant 128 : i32
        %mul3A_44 = arith.muli %add3A_42, %mul3A_43 : i32
        %dma_start3A_45 = tpu.memref_slice %arg5[%mul3A_44] : memref<2560xi32, #tpu.memory_space<vmem>> -> memref<128xi32, #tpu.memory_space<vmem>>
        %dma_start3A_46 = arith.constant 0 : i32
        %dma_start3A_47 = arith.constant 0 : i32
        %dma_start3A_48 = tpu.memref_slice %arg2[%dma_start3A_46, %dma_start3A_47] : memref<10240x384xf32, #tpu.memory_space<hbm>> -> memref<10240x384xf32, #tpu.memory_space<hbm>>
        tpu.enqueue_indirect_dma source(%dma_start3A_48 : memref<10240x384xf32, #tpu.memory_space<hbm>>) target(%arg6 : memref<128x384xf32, #tpu.memory_space<vmem>>) offsets(%dma_start3A_45 : memref<128xi32, #tpu.memory_space<vmem>>) semaphore(%arg8 : memref<!tpu.dma_semaphore, #tpu.memory_space<semaphore_mem>>)
      } else {
      }
      %add3A_34 = arith.constant 1 : i32
      %add3A_35 = arith.addi %mul3A_14, %add3A_34 : i32
      %lt3A_36 = arith.constant 20 : i32
      %lt3A_37 = arith.cmpi slt, %add3A_35, %lt3A_36 : i32
      %convert_element_type3A_38 = arith.extui %lt3A_37 : i1 to i32
      %cond3A_39 = arith.constant 0 : i32
      %cond3A_40 = arith.cmpi ne, %convert_element_type3A_38, %cond3A_39 : i32
      scf.if %cond3A_40 {
        %add3A_41 = arith.constant 1 : i32
        %add3A_42 = arith.addi %mul3A_14, %add3A_41 : i32
        %mul3A_43 = arith.constant 128 : i32
        %mul3A_44 = arith.muli %add3A_42, %mul3A_43 : i32
        %dma_wait3A_45 = tpu.memref_slice %arg5[%mul3A_44] : memref<2560xi32, #tpu.memory_space<vmem>> -> memref<128xi32, #tpu.memory_space<vmem>>
        %dma_wait3A_46 = arith.constant 0 : i32
        %dma_wait3A_47 = arith.constant 0 : i32
        %dma_wait3A_48 = tpu.memref_slice %arg2[%dma_wait3A_46, %dma_wait3A_47] : memref<10240x384xf32, #tpu.memory_space<hbm>> -> memref<10240x384xf32, #tpu.memory_space<hbm>>
        tpu.wait_indirect_dma semaphore(%arg9 : memref<!tpu.dma_semaphore, #tpu.memory_space<semaphore_mem>>) src(%dma_wait3A_48 : memref<10240x384xf32, #tpu.memory_space<hbm>>) dst(%arg7 : memref<128x384xf32, #tpu.memory_space<vmem>>)
        %add3A_49 = arith.constant 1 : i32
        %add3A_50 = arith.addi %mul3A_14, %add3A_49 : i32
        %mul3A_51 = arith.constant 128 : i32
        %mul3A_52 = arith.muli %add3A_50, %mul3A_51 : i32
        %add3A_53 = arith.addi %mul3A_2, %mul3A_52 : i32
        "tpu.region"() ({
          %run_scoped3A = tpu.sem_alloc : memref<!tpu.dma_semaphore, #tpu.memory_space<semaphore_mem>>
          %dma_start3A_54 = arith.constant 0 : i32
          %dma_start3A_55 = tpu.memref_slice %arg4[%add3A_53, %dma_start3A_54] : memref<81920x384xf32, #tpu.memory_space<hbm>> -> memref<128x384xf32, #tpu.memory_space<hbm>>
          %dma_start3A_56 = arith.constant 0 : i32
          %dma_start3A_57 = tpu.memref_slice %arg4[%add3A_53, %dma_start3A_56] : memref<81920x384xf32, #tpu.memory_space<hbm>> -> memref<128x384xf32, #tpu.memory_space<hbm>>
          tpu.enqueue_dma source(%arg7 : memref<128x384xf32, #tpu.memory_space<vmem>>) target(%dma_start3A_57 : memref<128x384xf32, #tpu.memory_space<hbm>>) target_semaphore(%run_scoped3A : memref<!tpu.dma_semaphore, #tpu.memory_space<semaphore_mem>>)
          %dma_wait3A_58 = arith.constant 0 : i32
          %dma_wait3A_59 = tpu.memref_slice %arg4[%add3A_53, %dma_wait3A_58] : memref<81920x384xf32, #tpu.memory_space<hbm>> -> memref<128x384xf32, #tpu.memory_space<hbm>>
          %dma_wait3A_60 = arith.constant 0 : i32
          %dma_wait3A_61 = tpu.memref_slice %arg4[%add3A_53, %dma_wait3A_60] : memref<81920x384xf32, #tpu.memory_space<hbm>> -> memref<128x384xf32, #tpu.memory_space<hbm>>
          tpu.wait_dma2 semaphore(%run_scoped3A : memref<!tpu.dma_semaphore, #tpu.memory_space<semaphore_mem>>) src(%arg7 : memref<128x384xf32, #tpu.memory_space<vmem>>) dst(%dma_wait3A_61 : memref<128x384xf32, #tpu.memory_space<hbm>>)
          tpu.yield
        }) : () -> ()
      } else {
      }
    }
    %scan3A_11 = arith.constant 10 : i32
    return
  }
}

module attributes {stable_mosaic.version = 14 : i64} {
  func.func @_knn_body(%arg0: i32, %arg1: memref<128x3xf32, #tpu.memory_space<vmem>>, %arg2: memref<3x10240xf32, #tpu.memory_space<vmem>>, %arg3: memref<128x16xi32, #tpu.memory_space<vmem>>, %arg4: memref<128x80x128xf32, #tpu.memory_space<vmem>>, %arg5: memref<128x80x128xf32, #tpu.memory_space<vmem>>) attributes {dimension_semantics = [#tpu.dimension_semantics<arbitrary>], iteration_bounds = array<i64: 40>, scalar_prefetch = 0 : i64, scratch_operands = 2 : i64, tpu.core_type = #tpu.core_type<tc>, window_params = [{transform_indices = @transform_0, window_bounds = array<i64: 128, 3>}, {pipeline_mode = #tpu.pipeline_mode<synchronous>, transform_indices = @transform_1, window_bounds = array<i64: 3, 10240>}, {transform_indices = @transform_2, window_bounds = array<i64: 128, 16>}]} {
    %get3A = arith.constant 0 : index
    %get3A_0 = arith.constant 0 : index
    %get3A_1 = vector.load %arg1[%get3A, %get3A_0] : memref<128x3xf32, #tpu.memory_space<vmem>>, vector<128x3xf32>
    %get3A_2 = arith.constant 0 : index
    %get3A_3 = arith.constant 0 : index
    %get3A_4 = vector.load %arg2[%get3A_2, %get3A_3] : memref<3x10240xf32, #tpu.memory_space<vmem>>, vector<3x10240xf32>
    %mul3A = arith.mulf %get3A_1, %get3A_1 : vector<128x3xf32>
    %reduce_sum3A = arith.constant dense<0.000000e+00> : vector<128xf32>
    %reduce_sum3A_5 = vector.multi_reduction <add>, %mul3A, %reduce_sum3A [1] : vector<128x3xf32> to vector<128xf32>
    %broadcast_in_dim3A = vector.shape_cast %reduce_sum3A_5 : vector<128xf32> to vector<128x1xf32>
    %mul3A_6 = arith.mulf %get3A_4, %get3A_4 : vector<3x10240xf32>
    %reduce_sum3A_7 = arith.constant dense<0.000000e+00> : vector<10240xf32>
    %reduce_sum3A_8 = vector.multi_reduction <add>, %mul3A_6, %reduce_sum3A_7 [0] : vector<3x10240xf32> to vector<10240xf32>
    %broadcast_in_dim3A_9 = vector.shape_cast %reduce_sum3A_8 : vector<10240xf32> to vector<1x10240xf32>
    %dot_general3A = arith.constant dense<0.000000e+00> : vector<128x10240xf32>
    %dot_general3A_10 = tpu.matmul %get3A_1, %get3A_4, %dot_general3A {dimension_numbers = #tpu.dot_dimension_numbers<[1], [0], [0], [1], [0, 0, 1, 1], [], []>, transpose_lhs_hint = false} : vector<128x3xf32>, vector<3x10240xf32>, vector<128x10240xf32> -> vector<128x10240xf32>
    %add3A = vector.broadcast %broadcast_in_dim3A : vector<128x1xf32> to vector<128x10240xf32>
    %add3A_11 = vector.broadcast %broadcast_in_dim3A_9 : vector<1x10240xf32> to vector<128x10240xf32>
    %add3A_12 = arith.addf %add3A, %add3A_11 : vector<128x10240xf32>
    %mul3A_13 = arith.constant 2.000000e+00 : f32
    %mul3A_14 = vector.broadcast %mul3A_13 : f32 to vector<128x10240xf32>
    %mul3A_15 = arith.mulf %mul3A_14, %dot_general3A_10 : vector<128x10240xf32>
    %sub3A = arith.subf %add3A_12, %mul3A_15 : vector<128x10240xf32>
    %reshape3A = vector.shape_cast %sub3A : vector<128x10240xf32> to vector<128x80x128xf32>
    %swap3A = arith.constant 0 : index
    %swap3A_16 = arith.constant 0 : index
    %swap3A_17 = arith.constant 0 : index
    %swap3A_18 = vector.load %arg4[%swap3A, %swap3A_16, %swap3A_17] : memref<128x80x128xf32, #tpu.memory_space<vmem>>, vector<128x80x128xf32>
    tpu.vector_store %arg4[%swap3A, %swap3A_16, %swap3A_17], %reshape3A {strides = array<i32>} : memref<128x80x128xf32, #tpu.memory_space<vmem>>, vector<128x80x128xf32>,
    %iota3A = tpu.iota {dimensions = array<i32: 1>} : vector<128x80x128xi32>
    %mul3A_19 = arith.constant 128 : i32
    %mul3A_20 = vector.broadcast %mul3A_19 : i32 to vector<128x80x128xi32>
    %mul3A_21 = arith.muli %iota3A, %mul3A_20 : vector<128x80x128xi32>
    %iota3A_22 = tpu.iota {dimensions = array<i32: 2>} : vector<128x80x128xi32>
    %add3A_23 = arith.addi %mul3A_21, %iota3A_22 : vector<128x80x128xi32>
    %convert_element_type3A = arith.sitofp %add3A_23 : vector<128x80x128xi32> to vector<128x80x128xf32>
    %swap3A_24 = arith.constant 0 : index
    %swap3A_25 = arith.constant 0 : index
    %swap3A_26 = arith.constant 0 : index
    %swap3A_27 = vector.load %arg5[%swap3A_24, %swap3A_25, %swap3A_26] : memref<128x80x128xf32, #tpu.memory_space<vmem>>, vector<128x80x128xf32>
    tpu.vector_store %arg5[%swap3A_24, %swap3A_25, %swap3A_26], %convert_element_type3A {strides = array<i32>} : memref<128x80x128xf32, #tpu.memory_space<vmem>>, vector<128x80x128xf32>,
    %get3A_28 = arith.constant 0 : index
    %get3A_29 = arith.constant 0 : index
    %get3A_30 = arith.constant 0 : index
    %get3A_31 = vector.load %arg4[%get3A_28, %get3A_29, %get3A_30] : memref<128x80x128xf32, #tpu.memory_space<vmem>>, vector<128x80x128xf32>
    %get3A_32 = arith.constant 0 : index
    %get3A_33 = arith.constant 0 : index
    %get3A_34 = arith.constant 0 : index
    %get3A_35 = vector.load %arg5[%get3A_32, %get3A_33, %get3A_34] : memref<128x80x128xf32, #tpu.memory_space<vmem>>, vector<128x80x128xf32>
    %reduce_min3A = arith.constant dense<0x7F800000> : vector<128x128xf32>
    %reduce_min3A_36 = vector.multi_reduction <minimumf>, %get3A_31, %reduce_min3A [1] : vector<128x80x128xf32> to vector<128x128xf32>
    %broadcast_in_dim3A_37 = vector.shape_cast %reduce_min3A_36 : vector<128x128xf32> to vector<128x1x128xf32>
    %eq3A = vector.broadcast %broadcast_in_dim3A_37 : vector<128x1x128xf32> to vector<128x80x128xf32>
    %eq3A_38 = arith.cmpf oeq, %get3A_31, %eq3A : vector<128x80x128xf32>
    %jit3A = arith.constant 3.000000e+38 : f32
    %broadcast_in_dim3A_39 = vector.broadcast %jit3A : f32 to vector<128x80x128xf32>
    %select_n3A = arith.select %eq3A_38, %get3A_35, %broadcast_in_dim3A_39 : vector<128x80x128xi1>, vector<128x80x128xf32>
    %reduce_min3A_40 = arith.constant dense<0x7F800000> : vector<128x128xf32>
    %reduce_min3A_41 = vector.multi_reduction <minimumf>, %select_n3A, %reduce_min3A_40 [1] : vector<128x80x128xf32> to vector<128x128xf32>
    %broadcast_in_dim3A_42 = vector.shape_cast %reduce_min3A_41 : vector<128x128xf32> to vector<128x1x128xf32>
    %squeeze3A = vector.shape_cast %broadcast_in_dim3A_37 : vector<128x1x128xf32> to vector<128x128xf32>
    %squeeze3A_43 = vector.shape_cast %broadcast_in_dim3A_42 : vector<128x1x128xf32> to vector<128x128xf32>
    %eq3A_44 = vector.broadcast %broadcast_in_dim3A_42 : vector<128x1x128xf32> to vector<128x80x128xf32>
    %eq3A_45 = arith.cmpf oeq, %get3A_35, %eq3A_44 : vector<128x80x128xf32>
    %jit3A_46 = arith.constant 3.000000e+38 : f32
    %broadcast_in_dim3A_47 = vector.broadcast %jit3A_46 : f32 to vector<128x80x128xf32>
    %select_n3A_48 = arith.select %eq3A_45, %broadcast_in_dim3A_47, %get3A_31 : vector<128x80x128xi1>, vector<128x80x128xf32>
    %swap3A_49 = arith.constant 0 : index
    %swap3A_50 = arith.constant 0 : index
    %swap3A_51 = arith.constant 0 : index
    %swap3A_52 = vector.load %arg4[%swap3A_49, %swap3A_50, %swap3A_51] : memref<128x80x128xf32, #tpu.memory_space<vmem>>, vector<128x80x128xf32>
    tpu.vector_store %arg4[%swap3A_49, %swap3A_50, %swap3A_51], %select_n3A_48 {strides = array<i32>} : memref<128x80x128xf32, #tpu.memory_space<vmem>>, vector<128x80x128xf32>,
    %get3A_53 = arith.constant 0 : index
    %get3A_54 = arith.constant 0 : index
    %get3A_55 = arith.constant 0 : index
    %get3A_56 = vector.load %arg4[%get3A_53, %get3A_54, %get3A_55] : memref<128x80x128xf32, #tpu.memory_space<vmem>>, vector<128x80x128xf32>
    %get3A_57 = arith.constant 0 : index
    %get3A_58 = arith.constant 0 : index
    %get3A_59 = arith.constant 0 : index
    %get3A_60 = vector.load %arg5[%get3A_57, %get3A_58, %get3A_59] : memref<128x80x128xf32, #tpu.memory_space<vmem>>, vector<128x80x128xf32>
    %reduce_min3A_61 = arith.constant dense<0x7F800000> : vector<128x128xf32>
    %reduce_min3A_62 = vector.multi_reduction <minimumf>, %get3A_56, %reduce_min3A_61 [1] : vector<128x80x128xf32> to vector<128x128xf32>
    %broadcast_in_dim3A_63 = vector.shape_cast %reduce_min3A_62 : vector<128x128xf32> to vector<128x1x128xf32>
    %eq3A_64 = vector.broadcast %broadcast_in_dim3A_63 : vector<128x1x128xf32> to vector<128x80x128xf32>
    %eq3A_65 = arith.cmpf oeq, %get3A_56, %eq3A_64 : vector<128x80x128xf32>
    %jit3A_66 = arith.constant 3.000000e+38 : f32
    %broadcast_in_dim3A_67 = vector.broadcast %jit3A_66 : f32 to vector<128x80x128xf32>
    %select_n3A_68 = arith.select %eq3A_65, %get3A_60, %broadcast_in_dim3A_67 : vector<128x80x128xi1>, vector<128x80x128xf32>
    %reduce_min3A_69 = arith.constant dense<0x7F800000> : vector<128x128xf32>
    %reduce_min3A_70 = vector.multi_reduction <minimumf>, %select_n3A_68, %reduce_min3A_69 [1] : vector<128x80x128xf32> to vector<128x128xf32>
    %broadcast_in_dim3A_71 = vector.shape_cast %reduce_min3A_70 : vector<128x128xf32> to vector<128x1x128xf32>
    %squeeze3A_72 = vector.shape_cast %broadcast_in_dim3A_63 : vector<128x1x128xf32> to vector<128x128xf32>
    %squeeze3A_73 = vector.shape_cast %broadcast_in_dim3A_71 : vector<128x1x128xf32> to vector<128x128xf32>
    %eq3A_74 = vector.broadcast %broadcast_in_dim3A_71 : vector<128x1x128xf32> to vector<128x80x128xf32>
    %eq3A_75 = arith.cmpf oeq, %get3A_60, %eq3A_74 : vector<128x80x128xf32>
    %jit3A_76 = arith.constant 3.000000e+38 : f32
    %broadcast_in_dim3A_77 = vector.broadcast %jit3A_76 : f32 to vector<128x80x128xf32>
    %select_n3A_78 = arith.select %eq3A_75, %broadcast_in_dim3A_77, %get3A_56 : vector<128x80x128xi1>, vector<128x80x128xf32>
    %swap3A_79 = arith.constant 0 : index
    %swap3A_80 = arith.constant 0 : index
    %swap3A_81 = arith.constant 0 : index
    %swap3A_82 = vector.load %arg4[%swap3A_79, %swap3A_80, %swap3A_81] : memref<128x80x128xf32, #tpu.memory_space<vmem>>, vector<128x80x128xf32>
    tpu.vector_store %arg4[%swap3A_79, %swap3A_80, %swap3A_81], %select_n3A_78 {strides = array<i32>} : memref<128x80x128xf32, #tpu.memory_space<vmem>>, vector<128x80x128xf32>,
    %get3A_83 = arith.constant 0 : index
    %get3A_84 = arith.constant 0 : index
    %get3A_85 = arith.constant 0 : index
    %get3A_86 = vector.load %arg4[%get3A_83, %get3A_84, %get3A_85] : memref<128x80x128xf32, #tpu.memory_space<vmem>>, vector<128x80x128xf32>
    %get3A_87 = arith.constant 0 : index
    %get3A_88 = arith.constant 0 : index
    %get3A_89 = arith.constant 0 : index
    %get3A_90 = vector.load %arg5[%get3A_87, %get3A_88, %get3A_89] : memref<128x80x128xf32, #tpu.memory_space<vmem>>, vector<128x80x128xf32>
    %reduce_min3A_91 = arith.constant dense<0x7F800000> : vector<128x128xf32>
    %reduce_min3A_92 = vector.multi_reduction <minimumf>, %get3A_86, %reduce_min3A_91 [1] : vector<128x80x128xf32> to vector<128x128xf32>
    %broadcast_in_dim3A_93 = vector.shape_cast %reduce_min3A_92 : vector<128x128xf32> to vector<128x1x128xf32>
    %eq3A_94 = vector.broadcast %broadcast_in_dim3A_93 : vector<128x1x128xf32> to vector<128x80x128xf32>
    %eq3A_95 = arith.cmpf oeq, %get3A_86, %eq3A_94 : vector<128x80x128xf32>
    %jit3A_96 = arith.constant 3.000000e+38 : f32
    %broadcast_in_dim3A_97 = vector.broadcast %jit3A_96 : f32 to vector<128x80x128xf32>
    %select_n3A_98 = arith.select %eq3A_95, %get3A_90, %broadcast_in_dim3A_97 : vector<128x80x128xi1>, vector<128x80x128xf32>
    %reduce_min3A_99 = arith.constant dense<0x7F800000> : vector<128x128xf32>
    %reduce_min3A_100 = vector.multi_reduction <minimumf>, %select_n3A_98, %reduce_min3A_99 [1] : vector<128x80x128xf32> to vector<128x128xf32>
    %broadcast_in_dim3A_101 = vector.shape_cast %reduce_min3A_100 : vector<128x128xf32> to vector<128x1x128xf32>
    %squeeze3A_102 = vector.shape_cast %broadcast_in_dim3A_93 : vector<128x1x128xf32> to vector<128x128xf32>
    %squeeze3A_103 = vector.shape_cast %broadcast_in_dim3A_101 : vector<128x1x128xf32> to vector<128x128xf32>
    %eq3A_104 = vector.broadcast %broadcast_in_dim3A_101 : vector<128x1x128xf32> to vector<128x80x128xf32>
    %eq3A_105 = arith.cmpf oeq, %get3A_90, %eq3A_104 : vector<128x80x128xf32>
    %jit3A_106 = arith.constant 3.000000e+38 : f32
    %broadcast_in_dim3A_107 = vector.broadcast %jit3A_106 : f32 to vector<128x80x128xf32>
    %select_n3A_108 = arith.select %eq3A_105, %broadcast_in_dim3A_107, %get3A_86 : vector<128x80x128xi1>, vector<128x80x128xf32>
    %swap3A_109 = arith.constant 0 : index
    %swap3A_110 = arith.constant 0 : index
    %swap3A_111 = arith.constant 0 : index
    %swap3A_112 = vector.load %arg4[%swap3A_109, %swap3A_110, %swap3A_111] : memref<128x80x128xf32, #tpu.memory_space<vmem>>, vector<128x80x128xf32>
    tpu.vector_store %arg4[%swap3A_109, %swap3A_110, %swap3A_111], %select_n3A_108 {strides = array<i32>} : memref<128x80x128xf32, #tpu.memory_space<vmem>>, vector<128x80x128xf32>,
    %get3A_113 = arith.constant 0 : index
    %get3A_114 = arith.constant 0 : index
    %get3A_115 = arith.constant 0 : index
    %get3A_116 = vector.load %arg4[%get3A_113, %get3A_114, %get3A_115] : memref<128x80x128xf32, #tpu.memory_space<vmem>>, vector<128x80x128xf32>
    %get3A_117 = arith.constant 0 : index
    %get3A_118 = arith.constant 0 : index
    %get3A_119 = arith.constant 0 : index
    %get3A_120 = vector.load %arg5[%get3A_117, %get3A_118, %get3A_119] : memref<128x80x128xf32, #tpu.memory_space<vmem>>, vector<128x80x128xf32>
    %reduce_min3A_121 = arith.constant dense<0x7F800000> : vector<128x128xf32>
    %reduce_min3A_122 = vector.multi_reduction <minimumf>, %get3A_116, %reduce_min3A_121 [1] : vector<128x80x128xf32> to vector<128x128xf32>
    %broadcast_in_dim3A_123 = vector.shape_cast %reduce_min3A_122 : vector<128x128xf32> to vector<128x1x128xf32>
    %eq3A_124 = vector.broadcast %broadcast_in_dim3A_123 : vector<128x1x128xf32> to vector<128x80x128xf32>
    %eq3A_125 = arith.cmpf oeq, %get3A_116, %eq3A_124 : vector<128x80x128xf32>
    %jit3A_126 = arith.constant 3.000000e+38 : f32
    %broadcast_in_dim3A_127 = vector.broadcast %jit3A_126 : f32 to vector<128x80x128xf32>
    %select_n3A_128 = arith.select %eq3A_125, %get3A_120, %broadcast_in_dim3A_127 : vector<128x80x128xi1>, vector<128x80x128xf32>
    %reduce_min3A_129 = arith.constant dense<0x7F800000> : vector<128x128xf32>
    %reduce_min3A_130 = vector.multi_reduction <minimumf>, %select_n3A_128, %reduce_min3A_129 [1] : vector<128x80x128xf32> to vector<128x128xf32>
    %broadcast_in_dim3A_131 = vector.shape_cast %reduce_min3A_130 : vector<128x128xf32> to vector<128x1x128xf32>
    %squeeze3A_132 = vector.shape_cast %broadcast_in_dim3A_123 : vector<128x1x128xf32> to vector<128x128xf32>
    %squeeze3A_133 = vector.shape_cast %broadcast_in_dim3A_131 : vector<128x1x128xf32> to vector<128x128xf32>
    %concatenate3A = tpu.concatenate %squeeze3A, %squeeze3A_72, %squeeze3A_102, %squeeze3A_132 in 1 : vector<128x128xf32>, vector<128x128xf32>, vector<128x128xf32>, vector<128x128xf32> -> vector<128x512xf32>
    %concatenate3A_134 = tpu.concatenate %squeeze3A_43, %squeeze3A_73, %squeeze3A_103, %squeeze3A_133 in 1 : vector<128x128xf32>, vector<128x128xf32>, vector<128x128xf32>, vector<128x128xf32> -> vector<128x512xf32>
    %reduce_min3A_135 = arith.constant dense<0x7F800000> : vector<128xf32>
    %reduce_min3A_136 = vector.multi_reduction <minimumf>, %concatenate3A, %reduce_min3A_135 [1] : vector<128x512xf32> to vector<128xf32>
    %broadcast_in_dim3A_137 = vector.shape_cast %reduce_min3A_136 : vector<128xf32> to vector<128x1xf32>
    %eq3A_138 = vector.broadcast %broadcast_in_dim3A_137 : vector<128x1xf32> to vector<128x512xf32>
    %eq3A_139 = arith.cmpf oeq, %concatenate3A, %eq3A_138 : vector<128x512xf32>
    %jit3A_140 = arith.constant 3.000000e+38 : f32
    %broadcast_in_dim3A_141 = vector.broadcast %jit3A_140 : f32 to vector<128x512xf32>
    %select_n3A_142 = arith.select %eq3A_139, %concatenate3A_134, %broadcast_in_dim3A_141 : vector<128x512xi1>, vector<128x512xf32>
    %reduce_min3A_143 = arith.constant dense<0x7F800000> : vector<128xf32>
    %reduce_min3A_144 = vector.multi_reduction <minimumf>, %select_n3A_142, %reduce_min3A_143 [1] : vector<128x512xf32> to vector<128xf32>
    %broadcast_in_dim3A_145 = vector.shape_cast %reduce_min3A_144 : vector<128xf32> to vector<128x1xf32>
    %eq3A_146 = vector.broadcast %broadcast_in_dim3A_145 : vector<128x1xf32> to vector<128x512xf32>
    %eq3A_147 = arith.cmpf oeq, %concatenate3A_134, %eq3A_146 : vector<128x512xf32>
    %jit3A_148 = arith.constant 3.000000e+38 : f32
    %broadcast_in_dim3A_149 = vector.broadcast %jit3A_148 : f32 to vector<128x512xf32>
    %select_n3A_150 = arith.select %eq3A_147, %broadcast_in_dim3A_149, %concatenate3A : vector<128x512xi1>, vector<128x512xf32>
    %reduce_min3A_151 = arith.constant dense<0x7F800000> : vector<128xf32>
    %reduce_min3A_152 = vector.multi_reduction <minimumf>, %select_n3A_150, %reduce_min3A_151 [1] : vector<128x512xf32> to vector<128xf32>
    %broadcast_in_dim3A_153 = vector.shape_cast %reduce_min3A_152 : vector<128xf32> to vector<128x1xf32>
    %eq3A_154 = vector.broadcast %broadcast_in_dim3A_153 : vector<128x1xf32> to vector<128x512xf32>
    %eq3A_155 = arith.cmpf oeq, %select_n3A_150, %eq3A_154 : vector<128x512xf32>
    %jit3A_156 = arith.constant 3.000000e+38 : f32
    %broadcast_in_dim3A_157 = vector.broadcast %jit3A_156 : f32 to vector<128x512xf32>
    %select_n3A_158 = arith.select %eq3A_155, %concatenate3A_134, %broadcast_in_dim3A_157 : vector<128x512xi1>, vector<128x512xf32>
    %reduce_min3A_159 = arith.constant dense<0x7F800000> : vector<128xf32>
    %reduce_min3A_160 = vector.multi_reduction <minimumf>, %select_n3A_158, %reduce_min3A_159 [1] : vector<128x512xf32> to vector<128xf32>
    %broadcast_in_dim3A_161 = vector.shape_cast %reduce_min3A_160 : vector<128xf32> to vector<128x1xf32>
    %eq3A_162 = vector.broadcast %broadcast_in_dim3A_161 : vector<128x1xf32> to vector<128x512xf32>
    %eq3A_163 = arith.cmpf oeq, %concatenate3A_134, %eq3A_162 : vector<128x512xf32>
    %jit3A_164 = arith.constant 3.000000e+38 : f32
    %broadcast_in_dim3A_165 = vector.broadcast %jit3A_164 : f32 to vector<128x512xf32>
    %select_n3A_166 = arith.select %eq3A_163, %broadcast_in_dim3A_165, %select_n3A_150 : vector<128x512xi1>, vector<128x512xf32>
    %reduce_min3A_167 = arith.constant dense<0x7F800000> : vector<128xf32>
    %reduce_min3A_168 = vector.multi_reduction <minimumf>, %select_n3A_166, %reduce_min3A_167 [1] : vector<128x512xf32> to vector<128xf32>
    %broadcast_in_dim3A_169 = vector.shape_cast %reduce_min3A_168 : vector<128xf32> to vector<128x1xf32>
    %eq3A_170 = vector.broadcast %broadcast_in_dim3A_169 : vector<128x1xf32> to vector<128x512xf32>
    %eq3A_171 = arith.cmpf oeq, %select_n3A_166, %eq3A_170 : vector<128x512xf32>
    %jit3A_172 = arith.constant 3.000000e+38 : f32
    %broadcast_in_dim3A_173 = vector.broadcast %jit3A_172 : f32 to vector<128x512xf32>
    %select_n3A_174 = arith.select %eq3A_171, %concatenate3A_134, %broadcast_in_dim3A_173 : vector<128x512xi1>, vector<128x512xf32>
    %reduce_min3A_175 = arith.constant dense<0x7F800000> : vector<128xf32>
    %reduce_min3A_176 = vector.multi_reduction <minimumf>, %select_n3A_174, %reduce_min3A_175 [1] : vector<128x512xf32> to vector<128xf32>
    %broadcast_in_dim3A_177 = vector.shape_cast %reduce_min3A_176 : vector<128xf32> to vector<128x1xf32>
    %eq3A_178 = vector.broadcast %broadcast_in_dim3A_177 : vector<128x1xf32> to vector<128x512xf32>
    %eq3A_179 = arith.cmpf oeq, %concatenate3A_134, %eq3A_178 : vector<128x512xf32>
    %jit3A_180 = arith.constant 3.000000e+38 : f32
    %broadcast_in_dim3A_181 = vector.broadcast %jit3A_180 : f32 to vector<128x512xf32>
    %select_n3A_182 = arith.select %eq3A_179, %broadcast_in_dim3A_181, %select_n3A_166 : vector<128x512xi1>, vector<128x512xf32>
    %reduce_min3A_183 = arith.constant dense<0x7F800000> : vector<128xf32>
    %reduce_min3A_184 = vector.multi_reduction <minimumf>, %select_n3A_182, %reduce_min3A_183 [1] : vector<128x512xf32> to vector<128xf32>
    %broadcast_in_dim3A_185 = vector.shape_cast %reduce_min3A_184 : vector<128xf32> to vector<128x1xf32>
    %eq3A_186 = vector.broadcast %broadcast_in_dim3A_185 : vector<128x1xf32> to vector<128x512xf32>
    %eq3A_187 = arith.cmpf oeq, %select_n3A_182, %eq3A_186 : vector<128x512xf32>
    %jit3A_188 = arith.constant 3.000000e+38 : f32
    %broadcast_in_dim3A_189 = vector.broadcast %jit3A_188 : f32 to vector<128x512xf32>
    %select_n3A_190 = arith.select %eq3A_187, %concatenate3A_134, %broadcast_in_dim3A_189 : vector<128x512xi1>, vector<128x512xf32>
    %reduce_min3A_191 = arith.constant dense<0x7F800000> : vector<128xf32>
    %reduce_min3A_192 = vector.multi_reduction <minimumf>, %select_n3A_190, %reduce_min3A_191 [1] : vector<128x512xf32> to vector<128xf32>
    %broadcast_in_dim3A_193 = vector.shape_cast %reduce_min3A_192 : vector<128xf32> to vector<128x1xf32>
    %eq3A_194 = vector.broadcast %broadcast_in_dim3A_193 : vector<128x1xf32> to vector<128x512xf32>
    %eq3A_195 = arith.cmpf oeq, %concatenate3A_134, %eq3A_194 : vector<128x512xf32>
    %jit3A_196 = arith.constant 3.000000e+38 : f32
    %broadcast_in_dim3A_197 = vector.broadcast %jit3A_196 : f32 to vector<128x512xf32>
    %select_n3A_198 = arith.select %eq3A_195, %broadcast_in_dim3A_197, %select_n3A_182 : vector<128x512xi1>, vector<128x512xf32>
    %reduce_min3A_199 = arith.constant dense<0x7F800000> : vector<128xf32>
    %reduce_min3A_200 = vector.multi_reduction <minimumf>, %select_n3A_198, %reduce_min3A_199 [1] : vector<128x512xf32> to vector<128xf32>
    %broadcast_in_dim3A_201 = vector.shape_cast %reduce_min3A_200 : vector<128xf32> to vector<128x1xf32>
    %eq3A_202 = vector.broadcast %broadcast_in_dim3A_201 : vector<128x1xf32> to vector<128x512xf32>
    %eq3A_203 = arith.cmpf oeq, %select_n3A_198, %eq3A_202 : vector<128x512xf32>
    %jit3A_204 = arith.constant 3.000000e+38 : f32
    %broadcast_in_dim3A_205 = vector.broadcast %jit3A_204 : f32 to vector<128x512xf32>
    %select_n3A_206 = arith.select %eq3A_203, %concatenate3A_134, %broadcast_in_dim3A_205 : vector<128x512xi1>, vector<128x512xf32>
    %reduce_min3A_207 = arith.constant dense<0x7F800000> : vector<128xf32>
    %reduce_min3A_208 = vector.multi_reduction <minimumf>, %select_n3A_206, %reduce_min3A_207 [1] : vector<128x512xf32> to vector<128xf32>
    %broadcast_in_dim3A_209 = vector.shape_cast %reduce_min3A_208 : vector<128xf32> to vector<128x1xf32>
    %eq3A_210 = vector.broadcast %broadcast_in_dim3A_209 : vector<128x1xf32> to vector<128x512xf32>
    %eq3A_211 = arith.cmpf oeq, %concatenate3A_134, %eq3A_210 : vector<128x512xf32>
    %jit3A_212 = arith.constant 3.000000e+38 : f32
    %broadcast_in_dim3A_213 = vector.broadcast %jit3A_212 : f32 to vector<128x512xf32>
    %select_n3A_214 = arith.select %eq3A_211, %broadcast_in_dim3A_213, %select_n3A_198 : vector<128x512xi1>, vector<128x512xf32>
    %reduce_min3A_215 = arith.constant dense<0x7F800000> : vector<128xf32>
    %reduce_min3A_216 = vector.multi_reduction <minimumf>, %select_n3A_214, %reduce_min3A_215 [1] : vector<128x512xf32> to vector<128xf32>
    %broadcast_in_dim3A_217 = vector.shape_cast %reduce_min3A_216 : vector<128xf32> to vector<128x1xf32>
    %eq3A_218 = vector.broadcast %broadcast_in_dim3A_217 : vector<128x1xf32> to vector<128x512xf32>
    %eq3A_219 = arith.cmpf oeq, %select_n3A_214, %eq3A_218 : vector<128x512xf32>
    %jit3A_220 = arith.constant 3.000000e+38 : f32
    %broadcast_in_dim3A_221 = vector.broadcast %jit3A_220 : f32 to vector<128x512xf32>
    %select_n3A_222 = arith.select %eq3A_219, %concatenate3A_134, %broadcast_in_dim3A_221 : vector<128x512xi1>, vector<128x512xf32>
    %reduce_min3A_223 = arith.constant dense<0x7F800000> : vector<128xf32>
    %reduce_min3A_224 = vector.multi_reduction <minimumf>, %select_n3A_222, %reduce_min3A_223 [1] : vector<128x512xf32> to vector<128xf32>
    %broadcast_in_dim3A_225 = vector.shape_cast %reduce_min3A_224 : vector<128xf32> to vector<128x1xf32>
    %eq3A_226 = vector.broadcast %broadcast_in_dim3A_225 : vector<128x1xf32> to vector<128x512xf32>
    %eq3A_227 = arith.cmpf oeq, %concatenate3A_134, %eq3A_226 : vector<128x512xf32>
    %jit3A_228 = arith.constant 3.000000e+38 : f32
    %broadcast_in_dim3A_229 = vector.broadcast %jit3A_228 : f32 to vector<128x512xf32>
    %select_n3A_230 = arith.select %eq3A_227, %broadcast_in_dim3A_229, %select_n3A_214 : vector<128x512xi1>, vector<128x512xf32>
    %reduce_min3A_231 = arith.constant dense<0x7F800000> : vector<128xf32>
    %reduce_min3A_232 = vector.multi_reduction <minimumf>, %select_n3A_230, %reduce_min3A_231 [1] : vector<128x512xf32> to vector<128xf32>
    %broadcast_in_dim3A_233 = vector.shape_cast %reduce_min3A_232 : vector<128xf32> to vector<128x1xf32>
    %eq3A_234 = vector.broadcast %broadcast_in_dim3A_233 : vector<128x1xf32> to vector<128x512xf32>
    %eq3A_235 = arith.cmpf oeq, %select_n3A_230, %eq3A_234 : vector<128x512xf32>
    %jit3A_236 = arith.constant 3.000000e+38 : f32
    %broadcast_in_dim3A_237 = vector.broadcast %jit3A_236 : f32 to vector<128x512xf32>
    %select_n3A_238 = arith.select %eq3A_235, %concatenate3A_134, %broadcast_in_dim3A_237 : vector<128x512xi1>, vector<128x512xf32>
    %reduce_min3A_239 = arith.constant dense<0x7F800000> : vector<128xf32>
    %reduce_min3A_240 = vector.multi_reduction <minimumf>, %select_n3A_238, %reduce_min3A_239 [1] : vector<128x512xf32> to vector<128xf32>
    %broadcast_in_dim3A_241 = vector.shape_cast %reduce_min3A_240 : vector<128xf32> to vector<128x1xf32>
    %eq3A_242 = vector.broadcast %broadcast_in_dim3A_241 : vector<128x1xf32> to vector<128x512xf32>
    %eq3A_243 = arith.cmpf oeq, %concatenate3A_134, %eq3A_242 : vector<128x512xf32>
    %jit3A_244 = arith.constant 3.000000e+38 : f32
    %broadcast_in_dim3A_245 = vector.broadcast %jit3A_244 : f32 to vector<128x512xf32>
    %select_n3A_246 = arith.select %eq3A_243, %broadcast_in_dim3A_245, %select_n3A_230 : vector<128x512xi1>, vector<128x512xf32>
    %reduce_min3A_247 = arith.constant dense<0x7F800000> : vector<128xf32>
    %reduce_min3A_248 = vector.multi_reduction <minimumf>, %select_n3A_246, %reduce_min3A_247 [1] : vector<128x512xf32> to vector<128xf32>
    %broadcast_in_dim3A_249 = vector.shape_cast %reduce_min3A_248 : vector<128xf32> to vector<128x1xf32>
    %eq3A_250 = vector.broadcast %broadcast_in_dim3A_249 : vector<128x1xf32> to vector<128x512xf32>
    %eq3A_251 = arith.cmpf oeq, %select_n3A_246, %eq3A_250 : vector<128x512xf32>
    %jit3A_252 = arith.constant 3.000000e+38 : f32
    %broadcast_in_dim3A_253 = vector.broadcast %jit3A_252 : f32 to vector<128x512xf32>
    %select_n3A_254 = arith.select %eq3A_251, %concatenate3A_134, %broadcast_in_dim3A_253 : vector<128x512xi1>, vector<128x512xf32>
    %reduce_min3A_255 = arith.constant dense<0x7F800000> : vector<128xf32>
    %reduce_min3A_256 = vector.multi_reduction <minimumf>, %select_n3A_254, %reduce_min3A_255 [1] : vector<128x512xf32> to vector<128xf32>
    %broadcast_in_dim3A_257 = vector.shape_cast %reduce_min3A_256 : vector<128xf32> to vector<128x1xf32>
    %eq3A_258 = vector.broadcast %broadcast_in_dim3A_257 : vector<128x1xf32> to vector<128x512xf32>
    %eq3A_259 = arith.cmpf oeq, %concatenate3A_134, %eq3A_258 : vector<128x512xf32>
    %jit3A_260 = arith.constant 3.000000e+38 : f32
    %broadcast_in_dim3A_261 = vector.broadcast %jit3A_260 : f32 to vector<128x512xf32>
    %select_n3A_262 = arith.select %eq3A_259, %broadcast_in_dim3A_261, %select_n3A_246 : vector<128x512xi1>, vector<128x512xf32>
    %reduce_min3A_263 = arith.constant dense<0x7F800000> : vector<128xf32>
    %reduce_min3A_264 = vector.multi_reduction <minimumf>, %select_n3A_262, %reduce_min3A_263 [1] : vector<128x512xf32> to vector<128xf32>
    %broadcast_in_dim3A_265 = vector.shape_cast %reduce_min3A_264 : vector<128xf32> to vector<128x1xf32>
    %eq3A_266 = vector.broadcast %broadcast_in_dim3A_265 : vector<128x1xf32> to vector<128x512xf32>
    %eq3A_267 = arith.cmpf oeq, %select_n3A_262, %eq3A_266 : vector<128x512xf32>
    %jit3A_268 = arith.constant 3.000000e+38 : f32
    %broadcast_in_dim3A_269 = vector.broadcast %jit3A_268 : f32 to vector<128x512xf32>
    %select_n3A_270 = arith.select %eq3A_267, %concatenate3A_134, %broadcast_in_dim3A_269 : vector<128x512xi1>, vector<128x512xf32>
    %reduce_min3A_271 = arith.constant dense<0x7F800000> : vector<128xf32>
    %reduce_min3A_272 = vector.multi_reduction <minimumf>, %select_n3A_270, %reduce_min3A_271 [1] : vector<128x512xf32> to vector<128xf32>
    %broadcast_in_dim3A_273 = vector.shape_cast %reduce_min3A_272 : vector<128xf32> to vector<128x1xf32>
    %eq3A_274 = vector.broadcast %broadcast_in_dim3A_273 : vector<128x1xf32> to vector<128x512xf32>
    %eq3A_275 = arith.cmpf oeq, %concatenate3A_134, %eq3A_274 : vector<128x512xf32>
    %jit3A_276 = arith.constant 3.000000e+38 : f32
    %broadcast_in_dim3A_277 = vector.broadcast %jit3A_276 : f32 to vector<128x512xf32>
    %select_n3A_278 = arith.select %eq3A_275, %broadcast_in_dim3A_277, %select_n3A_262 : vector<128x512xi1>, vector<128x512xf32>
    %reduce_min3A_279 = arith.constant dense<0x7F800000> : vector<128xf32>
    %reduce_min3A_280 = vector.multi_reduction <minimumf>, %select_n3A_278, %reduce_min3A_279 [1] : vector<128x512xf32> to vector<128xf32>
    %broadcast_in_dim3A_281 = vector.shape_cast %reduce_min3A_280 : vector<128xf32> to vector<128x1xf32>
    %eq3A_282 = vector.broadcast %broadcast_in_dim3A_281 : vector<128x1xf32> to vector<128x512xf32>
    %eq3A_283 = arith.cmpf oeq, %select_n3A_278, %eq3A_282 : vector<128x512xf32>
    %jit3A_284 = arith.constant 3.000000e+38 : f32
    %broadcast_in_dim3A_285 = vector.broadcast %jit3A_284 : f32 to vector<128x512xf32>
    %select_n3A_286 = arith.select %eq3A_283, %concatenate3A_134, %broadcast_in_dim3A_285 : vector<128x512xi1>, vector<128x512xf32>
    %reduce_min3A_287 = arith.constant dense<0x7F800000> : vector<128xf32>
    %reduce_min3A_288 = vector.multi_reduction <minimumf>, %select_n3A_286, %reduce_min3A_287 [1] : vector<128x512xf32> to vector<128xf32>
    %broadcast_in_dim3A_289 = vector.shape_cast %reduce_min3A_288 : vector<128xf32> to vector<128x1xf32>
    %eq3A_290 = vector.broadcast %broadcast_in_dim3A_289 : vector<128x1xf32> to vector<128x512xf32>
    %eq3A_291 = arith.cmpf oeq, %concatenate3A_134, %eq3A_290 : vector<128x512xf32>
    %jit3A_292 = arith.constant 3.000000e+38 : f32
    %broadcast_in_dim3A_293 = vector.broadcast %jit3A_292 : f32 to vector<128x512xf32>
    %select_n3A_294 = arith.select %eq3A_291, %broadcast_in_dim3A_293, %select_n3A_278 : vector<128x512xi1>, vector<128x512xf32>
    %reduce_min3A_295 = arith.constant dense<0x7F800000> : vector<128xf32>
    %reduce_min3A_296 = vector.multi_reduction <minimumf>, %select_n3A_294, %reduce_min3A_295 [1] : vector<128x512xf32> to vector<128xf32>
    %broadcast_in_dim3A_297 = vector.shape_cast %reduce_min3A_296 : vector<128xf32> to vector<128x1xf32>
    %eq3A_298 = vector.broadcast %broadcast_in_dim3A_297 : vector<128x1xf32> to vector<128x512xf32>
    %eq3A_299 = arith.cmpf oeq, %select_n3A_294, %eq3A_298 : vector<128x512xf32>
    %jit3A_300 = arith.constant 3.000000e+38 : f32
    %broadcast_in_dim3A_301 = vector.broadcast %jit3A_300 : f32 to vector<128x512xf32>
    %select_n3A_302 = arith.select %eq3A_299, %concatenate3A_134, %broadcast_in_dim3A_301 : vector<128x512xi1>, vector<128x512xf32>
    %reduce_min3A_303 = arith.constant dense<0x7F800000> : vector<128xf32>
    %reduce_min3A_304 = vector.multi_reduction <minimumf>, %select_n3A_302, %reduce_min3A_303 [1] : vector<128x512xf32> to vector<128xf32>
    %broadcast_in_dim3A_305 = vector.shape_cast %reduce_min3A_304 : vector<128xf32> to vector<128x1xf32>
    %eq3A_306 = vector.broadcast %broadcast_in_dim3A_305 : vector<128x1xf32> to vector<128x512xf32>
    %eq3A_307 = arith.cmpf oeq, %concatenate3A_134, %eq3A_306 : vector<128x512xf32>
    %jit3A_308 = arith.constant 3.000000e+38 : f32
    %broadcast_in_dim3A_309 = vector.broadcast %jit3A_308 : f32 to vector<128x512xf32>
    %select_n3A_310 = arith.select %eq3A_307, %broadcast_in_dim3A_309, %select_n3A_294 : vector<128x512xi1>, vector<128x512xf32>
    %reduce_min3A_311 = arith.constant dense<0x7F800000> : vector<128xf32>
    %reduce_min3A_312 = vector.multi_reduction <minimumf>, %select_n3A_310, %reduce_min3A_311 [1] : vector<128x512xf32> to vector<128xf32>
    %broadcast_in_dim3A_313 = vector.shape_cast %reduce_min3A_312 : vector<128xf32> to vector<128x1xf32>
    %eq3A_314 = vector.broadcast %broadcast_in_dim3A_313 : vector<128x1xf32> to vector<128x512xf32>
    %eq3A_315 = arith.cmpf oeq, %select_n3A_310, %eq3A_314 : vector<128x512xf32>
    %jit3A_316 = arith.constant 3.000000e+38 : f32
    %broadcast_in_dim3A_317 = vector.broadcast %jit3A_316 : f32 to vector<128x512xf32>
    %select_n3A_318 = arith.select %eq3A_315, %concatenate3A_134, %broadcast_in_dim3A_317 : vector<128x512xi1>, vector<128x512xf32>
    %reduce_min3A_319 = arith.constant dense<0x7F800000> : vector<128xf32>
    %reduce_min3A_320 = vector.multi_reduction <minimumf>, %select_n3A_318, %reduce_min3A_319 [1] : vector<128x512xf32> to vector<128xf32>
    %broadcast_in_dim3A_321 = vector.shape_cast %reduce_min3A_320 : vector<128xf32> to vector<128x1xf32>
    %eq3A_322 = vector.broadcast %broadcast_in_dim3A_321 : vector<128x1xf32> to vector<128x512xf32>
    %eq3A_323 = arith.cmpf oeq, %concatenate3A_134, %eq3A_322 : vector<128x512xf32>
    %jit3A_324 = arith.constant 3.000000e+38 : f32
    %broadcast_in_dim3A_325 = vector.broadcast %jit3A_324 : f32 to vector<128x512xf32>
    %select_n3A_326 = arith.select %eq3A_323, %broadcast_in_dim3A_325, %select_n3A_310 : vector<128x512xi1>, vector<128x512xf32>
    %reduce_min3A_327 = arith.constant dense<0x7F800000> : vector<128xf32>
    %reduce_min3A_328 = vector.multi_reduction <minimumf>, %select_n3A_326, %reduce_min3A_327 [1] : vector<128x512xf32> to vector<128xf32>
    %broadcast_in_dim3A_329 = vector.shape_cast %reduce_min3A_328 : vector<128xf32> to vector<128x1xf32>
    %eq3A_330 = vector.broadcast %broadcast_in_dim3A_329 : vector<128x1xf32> to vector<128x512xf32>
    %eq3A_331 = arith.cmpf oeq, %select_n3A_326, %eq3A_330 : vector<128x512xf32>
    %jit3A_332 = arith.constant 3.000000e+38 : f32
    %broadcast_in_dim3A_333 = vector.broadcast %jit3A_332 : f32 to vector<128x512xf32>
    %select_n3A_334 = arith.select %eq3A_331, %concatenate3A_134, %broadcast_in_dim3A_333 : vector<128x512xi1>, vector<128x512xf32>
    %reduce_min3A_335 = arith.constant dense<0x7F800000> : vector<128xf32>
    %reduce_min3A_336 = vector.multi_reduction <minimumf>, %select_n3A_334, %reduce_min3A_335 [1] : vector<128x512xf32> to vector<128xf32>
    %broadcast_in_dim3A_337 = vector.shape_cast %reduce_min3A_336 : vector<128xf32> to vector<128x1xf32>
    %eq3A_338 = vector.broadcast %broadcast_in_dim3A_337 : vector<128x1xf32> to vector<128x512xf32>
    %eq3A_339 = arith.cmpf oeq, %concatenate3A_134, %eq3A_338 : vector<128x512xf32>
    %jit3A_340 = arith.constant 3.000000e+38 : f32
    %broadcast_in_dim3A_341 = vector.broadcast %jit3A_340 : f32 to vector<128x512xf32>
    %select_n3A_342 = arith.select %eq3A_339, %broadcast_in_dim3A_341, %select_n3A_326 : vector<128x512xi1>, vector<128x512xf32>
    %reduce_min3A_343 = arith.constant dense<0x7F800000> : vector<128xf32>
    %reduce_min3A_344 = vector.multi_reduction <minimumf>, %select_n3A_342, %reduce_min3A_343 [1] : vector<128x512xf32> to vector<128xf32>
    %broadcast_in_dim3A_345 = vector.shape_cast %reduce_min3A_344 : vector<128xf32> to vector<128x1xf32>
    %eq3A_346 = vector.broadcast %broadcast_in_dim3A_345 : vector<128x1xf32> to vector<128x512xf32>
    %eq3A_347 = arith.cmpf oeq, %select_n3A_342, %eq3A_346 : vector<128x512xf32>
    %jit3A_348 = arith.constant 3.000000e+38 : f32
    %broadcast_in_dim3A_349 = vector.broadcast %jit3A_348 : f32 to vector<128x512xf32>
    %select_n3A_350 = arith.select %eq3A_347, %concatenate3A_134, %broadcast_in_dim3A_349 : vector<128x512xi1>, vector<128x512xf32>
    %reduce_min3A_351 = arith.constant dense<0x7F800000> : vector<128xf32>
    %reduce_min3A_352 = vector.multi_reduction <minimumf>, %select_n3A_350, %reduce_min3A_351 [1] : vector<128x512xf32> to vector<128xf32>
    %broadcast_in_dim3A_353 = vector.shape_cast %reduce_min3A_352 : vector<128xf32> to vector<128x1xf32>
    %eq3A_354 = vector.broadcast %broadcast_in_dim3A_353 : vector<128x1xf32> to vector<128x512xf32>
    %eq3A_355 = arith.cmpf oeq, %concatenate3A_134, %eq3A_354 : vector<128x512xf32>
    %jit3A_356 = arith.constant 3.000000e+38 : f32
    %broadcast_in_dim3A_357 = vector.broadcast %jit3A_356 : f32 to vector<128x512xf32>
    %select_n3A_358 = arith.select %eq3A_355, %broadcast_in_dim3A_357, %select_n3A_342 : vector<128x512xi1>, vector<128x512xf32>
    %reduce_min3A_359 = arith.constant dense<0x7F800000> : vector<128xf32>
    %reduce_min3A_360 = vector.multi_reduction <minimumf>, %select_n3A_358, %reduce_min3A_359 [1] : vector<128x512xf32> to vector<128xf32>
    %broadcast_in_dim3A_361 = vector.shape_cast %reduce_min3A_360 : vector<128xf32> to vector<128x1xf32>
    %eq3A_362 = vector.broadcast %broadcast_in_dim3A_361 : vector<128x1xf32> to vector<128x512xf32>
    %eq3A_363 = arith.cmpf oeq, %select_n3A_358, %eq3A_362 : vector<128x512xf32>
    %jit3A_364 = arith.constant 3.000000e+38 : f32
    %broadcast_in_dim3A_365 = vector.broadcast %jit3A_364 : f32 to vector<128x512xf32>
    %select_n3A_366 = arith.select %eq3A_363, %concatenate3A_134, %broadcast_in_dim3A_365 : vector<128x512xi1>, vector<128x512xf32>
    %reduce_min3A_367 = arith.constant dense<0x7F800000> : vector<128xf32>
    %reduce_min3A_368 = vector.multi_reduction <minimumf>, %select_n3A_366, %reduce_min3A_367 [1] : vector<128x512xf32> to vector<128xf32>
    %broadcast_in_dim3A_369 = vector.shape_cast %reduce_min3A_368 : vector<128xf32> to vector<128x1xf32>
    %eq3A_370 = vector.broadcast %broadcast_in_dim3A_369 : vector<128x1xf32> to vector<128x512xf32>
    %eq3A_371 = arith.cmpf oeq, %concatenate3A_134, %eq3A_370 : vector<128x512xf32>
    %jit3A_372 = arith.constant 3.000000e+38 : f32
    %broadcast_in_dim3A_373 = vector.broadcast %jit3A_372 : f32 to vector<128x512xf32>
    %select_n3A_374 = arith.select %eq3A_371, %broadcast_in_dim3A_373, %select_n3A_358 : vector<128x512xi1>, vector<128x512xf32>
    %reduce_min3A_375 = arith.constant dense<0x7F800000> : vector<128xf32>
    %reduce_min3A_376 = vector.multi_reduction <minimumf>, %select_n3A_374, %reduce_min3A_375 [1] : vector<128x512xf32> to vector<128xf32>
    %broadcast_in_dim3A_377 = vector.shape_cast %reduce_min3A_376 : vector<128xf32> to vector<128x1xf32>
    %eq3A_378 = vector.broadcast %broadcast_in_dim3A_377 : vector<128x1xf32> to vector<128x512xf32>
    %eq3A_379 = arith.cmpf oeq, %select_n3A_374, %eq3A_378 : vector<128x512xf32>
    %jit3A_380 = arith.constant 3.000000e+38 : f32
    %broadcast_in_dim3A_381 = vector.broadcast %jit3A_380 : f32 to vector<128x512xf32>
    %select_n3A_382 = arith.select %eq3A_379, %concatenate3A_134, %broadcast_in_dim3A_381 : vector<128x512xi1>, vector<128x512xf32>
    %reduce_min3A_383 = arith.constant dense<0x7F800000> : vector<128xf32>
    %reduce_min3A_384 = vector.multi_reduction <minimumf>, %select_n3A_382, %reduce_min3A_383 [1] : vector<128x512xf32> to vector<128xf32>
    %broadcast_in_dim3A_385 = vector.shape_cast %reduce_min3A_384 : vector<128xf32> to vector<128x1xf32>
    %concatenate3A_386 = tpu.concatenate %broadcast_in_dim3A_145, %broadcast_in_dim3A_161, %broadcast_in_dim3A_177, %broadcast_in_dim3A_193, %broadcast_in_dim3A_209, %broadcast_in_dim3A_225, %broadcast_in_dim3A_241, %broadcast_in_dim3A_257, %broadcast_in_dim3A_273, %broadcast_in_dim3A_289, %broadcast_in_dim3A_305, %broadcast_in_dim3A_321, %broadcast_in_dim3A_337, %broadcast_in_dim3A_353, %broadcast_in_dim3A_369, %broadcast_in_dim3A_385 in 1 : vector<128x1xf32>, vector<128x1xf32>, vector<128x1xf32>, vector<128x1xf32>, vector<128x1xf32>, vector<128x1xf32>, vector<128x1xf32>, vector<128x1xf32>, vector<128x1xf32>, vector<128x1xf32>, vector<128x1xf32>, vector<128x1xf32>, vector<128x1xf32>, vector<128x1xf32>, vector<128x1xf32>, vector<128x1xf32> -> vector<128x16xf32>
    %convert_element_type3A_387 = arith.fptosi %concatenate3A_386 : vector<128x16xf32> to vector<128x16xi32>
    %swap3A_388 = arith.constant 0 : index
    %swap3A_389 = arith.constant 0 : index
    %swap3A_390 = vector.load %arg3[%swap3A_388, %swap3A_389] : memref<128x16xi32, #tpu.memory_space<vmem>>, vector<128x16xi32>
    tpu.vector_store %arg3[%swap3A_388, %swap3A_389], %convert_element_type3A_387 {strides = array<i32>} : memref<128x16xi32, #tpu.memory_space<vmem>>, vector<128x16xi32>,
    return
  }
  func.func @transform_0(%arg0: i32) -> (i32, i32) {
    %c0_i32 = arith.constant 0 : i32
    %c0_i32_0 = arith.constant 0 : i32
    return %arg0, %c0_i32 : i32, i32
  }
  func.func @transform_1(%arg0: i32) -> (i32, i32) {
    %c0_i32 = arith.constant 0 : i32
    %c0_i32_0 = arith.constant 0 : i32
    %c0_i32_1 = arith.constant 0 : i32
    return %c0_i32, %c0_i32_0 : i32, i32
  }
  func.func @transform_2(%arg0: i32) -> (i32, i32) {
    %c0_i32 = arith.constant 0 : i32
    %c0_i32_0 = arith.constant 0 : i32
    return %arg0, %c0_i32 : i32, i32
  }
}

module attributes {stable_mosaic.version = 14 : i64} {
  func.func @_proj_body(%arg0: i32, %arg1: memref<512x128xf32, #tpu.memory_space<vmem>>, %arg2: memref<512x3xf32, #tpu.memory_space<vmem>>, %arg3: memref<128x128xf32, #tpu.memory_space<vmem>>, %arg4: memref<1x128xf32, #tpu.memory_space<vmem>>, %arg5: memref<128x256xf32, #tpu.memory_space<vmem>>, %arg6: memref<1x256xf32, #tpu.memory_space<vmem>>, %arg7: memref<3x3xf32, #tpu.memory_space<vmem>>, %arg8: memref<1x3xf32, #tpu.memory_space<vmem>>, %arg9: memref<512x128xf32, #tpu.memory_space<vmem>>, %arg10: memref<512x384xf32, #tpu.memory_space<vmem>>) attributes {dimension_semantics = [#tpu.dimension_semantics<arbitrary>], iteration_bounds = array<i64: 20>, scalar_prefetch = 0 : i64, scratch_operands = 0 : i64, tpu.core_type = #tpu.core_type<tc>, window_params = [{transform_indices = @transform_0, window_bounds = array<i64: 512, 128>}, {transform_indices = @transform_1, window_bounds = array<i64: 512, 3>}, {pipeline_mode = #tpu.pipeline_mode<synchronous>, transform_indices = @transform_2, window_bounds = array<i64: 128, 128>}, {pipeline_mode = #tpu.pipeline_mode<synchronous>, transform_indices = @transform_3, window_bounds = array<i64: 1, 128>}, {pipeline_mode = #tpu.pipeline_mode<synchronous>, transform_indices = @transform_4, window_bounds = array<i64: 128, 256>}, {pipeline_mode = #tpu.pipeline_mode<synchronous>, transform_indices = @transform_5, window_bounds = array<i64: 1, 256>}, {pipeline_mode = #tpu.pipeline_mode<synchronous>, transform_indices = @transform_6, window_bounds = array<i64: 3, 3>}, {pipeline_mode = #tpu.pipeline_mode<synchronous>, transform_indices = @transform_7, window_bounds = array<i64: 1, 3>}, {transform_indices = @transform_8, window_bounds = array<i64: 512, 128>}, {transform_indices = @transform_9, window_bounds = array<i64: 512, 384>}]} {
    %get3A = arith.constant 0 : index
    %get3A_0 = arith.constant 0 : index
    %get3A_1 = vector.load %arg1[%get3A, %get3A_0] : memref<512x128xf32, #tpu.memory_space<vmem>>, vector<512x128xf32>
    %get3A_2 = arith.constant 0 : index
    %get3A_3 = arith.constant 0 : index
    %get3A_4 = vector.load %arg3[%get3A_2, %get3A_3] : memref<128x128xf32, #tpu.memory_space<vmem>>, vector<128x128xf32>
    %dot_general3A = arith.constant dense<0.000000e+00> : vector<512x128xf32>
    %dot_general3A_5 = tpu.matmul %get3A_1, %get3A_4, %dot_general3A {dimension_numbers = #tpu.dot_dimension_numbers<[1], [0], [0], [1], [0, 0, 1, 1], [], []>, transpose_lhs_hint = false} : vector<512x128xf32>, vector<128x128xf32>, vector<512x128xf32> -> vector<512x128xf32>
    %get3A_6 = arith.constant 0 : index
    %get3A_7 = arith.constant 0 : index
    %get3A_8 = vector.load %arg4[%get3A_6, %get3A_7] : memref<1x128xf32, #tpu.memory_space<vmem>>, vector<1x128xf32>
    %add3A = vector.broadcast %get3A_8 : vector<1x128xf32> to vector<512x128xf32>
    %add3A_9 = arith.addf %dot_general3A_5, %add3A : vector<512x128xf32>
    %swap3A = arith.constant 0 : index
    %swap3A_10 = arith.constant 0 : index
    %swap3A_11 = vector.load %arg9[%swap3A, %swap3A_10] : memref<512x128xf32, #tpu.memory_space<vmem>>, vector<512x128xf32>
    tpu.vector_store %arg9[%swap3A, %swap3A_10], %add3A_9 {strides = array<i32>} : memref<512x128xf32, #tpu.memory_space<vmem>>, vector<512x128xf32>,
    %get3A_12 = arith.constant 0 : index
    %get3A_13 = arith.constant 0 : index
    %get3A_14 = vector.load %arg5[%get3A_12, %get3A_13] : memref<128x256xf32, #tpu.memory_space<vmem>>, vector<128x256xf32>
    %dot_general3A_15 = arith.constant dense<0.000000e+00> : vector<512x256xf32>
    %dot_general3A_16 = tpu.matmul %get3A_1, %get3A_14, %dot_general3A_15 {dimension_numbers = #tpu.dot_dimension_numbers<[1], [0], [0], [1], [0, 0, 1, 1], [], []>, transpose_lhs_hint = false} : vector<512x128xf32>, vector<128x256xf32>, vector<512x256xf32> -> vector<512x256xf32>
    %get3A_17 = arith.constant 0 : index
    %get3A_18 = arith.constant 0 : index
    %get3A_19 = vector.load %arg6[%get3A_17, %get3A_18] : memref<1x256xf32, #tpu.memory_space<vmem>>, vector<1x256xf32>
    %add3A_20 = vector.broadcast %get3A_19 : vector<1x256xf32> to vector<512x256xf32>
    %add3A_21 = arith.addf %dot_general3A_16, %add3A_20 : vector<512x256xf32>
    %get3A_22 = arith.constant 0 : index
    %get3A_23 = arith.constant 0 : index
    %get3A_24 = vector.load %arg2[%get3A_22, %get3A_23] : memref<512x3xf32, #tpu.memory_space<vmem>>, vector<512x3xf32>
    %get3A_25 = arith.constant 0 : index
    %get3A_26 = arith.constant 0 : index
    %get3A_27 = vector.load %arg7[%get3A_25, %get3A_26] : memref<3x3xf32, #tpu.memory_space<vmem>>, vector<3x3xf32>
    %dot_general3A_28 = arith.constant dense<0.000000e+00> : vector<512x3xf32>
    %dot_general3A_29 = tpu.matmul %get3A_24, %get3A_27, %dot_general3A_28 {dimension_numbers = #tpu.dot_dimension_numbers<[1], [0], [0], [1], [0, 0, 1, 1], [], []>, transpose_lhs_hint = false} : vector<512x3xf32>, vector<3x3xf32>, vector<512x3xf32> -> vector<512x3xf32>
    %get3A_30 = arith.constant 0 : index
    %get3A_31 = arith.constant 0 : index
    %get3A_32 = vector.load %arg8[%get3A_30, %get3A_31] : memref<1x3xf32, #tpu.memory_space<vmem>>, vector<1x3xf32>
    %add3A_33 = vector.broadcast %get3A_32 : vector<1x3xf32> to vector<512x3xf32>
    %add3A_34 = arith.addf %dot_general3A_29, %add3A_33 : vector<512x3xf32>
    %broadcast_in_dim3A = arith.constant 0.000000e+00 : f32
    %broadcast_in_dim3A_35 = vector.broadcast %broadcast_in_dim3A : f32 to vector<512x125xf32>
    %concatenate3A = tpu.concatenate %add3A_34, %broadcast_in_dim3A_35 in 1 : vector<512x3xf32>, vector<512x125xf32> -> vector<512x128xf32>
    %concatenate3A_36 = tpu.concatenate %add3A_21, %concatenate3A in 1 : vector<512x256xf32>, vector<512x128xf32> -> vector<512x384xf32>
    %swap3A_37 = arith.constant 0 : index
    %swap3A_38 = arith.constant 0 : index
    %swap3A_39 = vector.load %arg10[%swap3A_37, %swap3A_38] : memref<512x384xf32, #tpu.memory_space<vmem>>, vector<512x384xf32>
    tpu.vector_store %arg10[%swap3A_37, %swap3A_38], %concatenate3A_36 {strides = array<i32>} : memref<512x384xf32, #tpu.memory_space<vmem>>, vector<512x384xf32>,
    return
  }
  func.func @transform_0(%arg0: i32) -> (i32, i32) {
    %c0_i32 = arith.constant 0 : i32
    %c0_i32_0 = arith.constant 0 : i32
    return %arg0, %c0_i32 : i32, i32
  }
  func.func @transform_1(%arg0: i32) -> (i32, i32) {
    %c0_i32 = arith.constant 0 : i32
    %c0_i32_0 = arith.constant 0 : i32
    return %arg0, %c0_i32 : i32, i32
  }
  func.func @transform_2(%arg0: i32) -> (i32, i32) {
    %c0_i32 = arith.constant 0 : i32
    %c0_i32_0 = arith.constant 0 : i32
    %c0_i32_1 = arith.constant 0 : i32
    return %c0_i32, %c0_i32_0 : i32, i32
  }
  func.func @transform_3(%arg0: i32) -> (i32, i32) {
    %c0_i32 = arith.constant 0 : i32
    %c0_i32_0 = arith.constant 0 : i32
    %c0_i32_1 = arith.constant 0 : i32
    return %c0_i32, %c0_i32_0 : i32, i32
  }
  func.func @transform_4(%arg0: i32) -> (i32, i32) {
    %c0_i32 = arith.constant 0 : i32
    %c0_i32_0 = arith.constant 0 : i32
    %c0_i32_1 = arith.constant 0 : i32
    return %c0_i32, %c0_i32_0 : i32, i32
  }
  func.func @transform_5(%arg0: i32) -> (i32, i32) {
    %c0_i32 = arith.constant 0 : i32
    %c0_i32_0 = arith.constant 0 : i32
    %c0_i32_1 = arith.constant 0 : i32
    return %c0_i32, %c0_i32_0 : i32, i32
  }
  func.func @transform_6(%arg0: i32) -> (i32, i32) {
    %c0_i32 = arith.constant 0 : i32
    %c0_i32_0 = arith.constant 0 : i32
    %c0_i32_1 = arith.constant 0 : i32
    return %c0_i32, %c0_i32_0 : i32, i32
  }
  func.func @transform_7(%arg0: i32) -> (i32, i32) {
    %c0_i32 = arith.constant 0 : i32
    %c0_i32_0 = arith.constant 0 : i32
    %c0_i32_1 = arith.constant 0 : i32
    return %c0_i32, %c0_i32_0 : i32, i32
  }
  func.func @transform_8(%arg0: i32) -> (i32, i32) {
    %c0_i32 = arith.constant 0 : i32
    %c0_i32_0 = arith.constant 0 : i32
    return %arg0, %c0_i32 : i32, i32
  }
  func.func @transform_9(%arg0: i32) -> (i32, i32) {
    %c0_i32 = arith.constant 0 : i32
    %c0_i32_0 = arith.constant 0 : i32
    return %arg0, %c0_i32 : i32, i32
  }
}

module attributes {stable_mosaic.version = 14 : i64} {
  func.func @_statsp_body(%arg0: i32, %arg1: memref<200x16x128xf32, #tpu.memory_space<vmem>>, %arg2: memref<8x16xf32, #tpu.memory_space<vmem>>) attributes {dimension_semantics = [#tpu.dimension_semantics<arbitrary>], iteration_bounds = array<i64: 50>, scalar_prefetch = 0 : i64, scratch_operands = 0 : i64, tpu.core_type = #tpu.core_type<tc>, window_params = [{transform_indices = @transform_0, window_bounds = array<i64: 200, 16, 128>}, {pipeline_mode = #tpu.pipeline_mode<synchronous>, transform_indices = @transform_1, window_bounds = array<i64: 8, 16>}]} {
    %get3A = arith.constant 0 : index
    %get3A_0 = arith.constant 0 : index
    %get3A_1 = arith.constant 0 : index
    %get3A_2 = vector.load %arg1[%get3A, %get3A_0, %get3A_1] : memref<200x16x128xf32, #tpu.memory_space<vmem>>, vector<200x16x3xf32>
    %reduce_sum3A = arith.constant dense<0.000000e+00> : vector<3xf32>
    %reduce_sum3A_3 = vector.multi_reduction <add>, %get3A_2, %reduce_sum3A [0, 1] : vector<200x16x3xf32> to vector<3xf32>
    %broadcast_in_dim3A = vector.shape_cast %reduce_sum3A_3 : vector<3xf32> to vector<1x3xf32>
    %mul3A = arith.mulf %get3A_2, %get3A_2 : vector<200x16x3xf32>
    %reduce_sum3A_4 = arith.constant dense<0.000000e+00> : vector<3xf32>
    %reduce_sum3A_5 = vector.multi_reduction <add>, %mul3A, %reduce_sum3A_4 [0, 1] : vector<200x16x3xf32> to vector<3xf32>
    %broadcast_in_dim3A_6 = vector.shape_cast %reduce_sum3A_5 : vector<3xf32> to vector<1x3xf32>
    %broadcast_in_dim3A_7 = arith.constant 0.000000e+00 : f32
    %broadcast_in_dim3A_8 = vector.broadcast %broadcast_in_dim3A_7 : f32 to vector<1x13xf32>
    %concatenate3A = tpu.concatenate %broadcast_in_dim3A, %broadcast_in_dim3A_8 in 1 : vector<1x3xf32>, vector<1x13xf32> -> vector<1x16xf32>
    %concatenate3A_9 = tpu.concatenate %broadcast_in_dim3A_6, %broadcast_in_dim3A_8 in 1 : vector<1x3xf32>, vector<1x13xf32> -> vector<1x16xf32>
    %broadcast_in_dim3A_10 = arith.constant 0.000000e+00 : f32
    %broadcast_in_dim3A_11 = vector.broadcast %broadcast_in_dim3A_10 : f32 to vector<6x16xf32>
    %concatenate3A_12 = tpu.concatenate %concatenate3A, %concatenate3A_9, %broadcast_in_dim3A_11 in 0 : vector<1x16xf32>, vector<1x16xf32>, vector<6x16xf32> -> vector<8x16xf32>
    %eq3A = arith.constant 0 : i32
    %eq3A_13 = arith.cmpi eq, %arg0, %eq3A : i32
    %convert_element_type3A = arith.extui %eq3A_13 : i1 to i32
    %cond3A = arith.constant 0 : i32
    %cond3A_14 = arith.cmpi ne, %convert_element_type3A, %cond3A : i32
    scf.if %cond3A_14 {
      %broadcast_in_dim3A_20 = arith.constant 0.000000e+00 : f32
      %broadcast_in_dim3A_21 = vector.broadcast %broadcast_in_dim3A_20 : f32 to vector<8x16xf32>
      %swap3A_22 = arith.constant 0 : index
      %swap3A_23 = arith.constant 0 : index
      %swap3A_24 = vector.load %arg2[%swap3A_22, %swap3A_23] : memref<8x16xf32, #tpu.memory_space<vmem>>, vector<8x16xf32>
      tpu.vector_store %arg2[%swap3A_22, %swap3A_23], %broadcast_in_dim3A_21 {strides = array<i32>} : memref<8x16xf32, #tpu.memory_space<vmem>>, vector<8x16xf32>,
    } else {
    }
    %get3A_15 = arith.constant 0 : index
    %get3A_16 = arith.constant 0 : index
    %get3A_17 = vector.load %arg2[%get3A_15, %get3A_16] : memref<8x16xf32, #tpu.memory_space<vmem>>, vector<8x16xf32>
    %add3A = arith.addf %get3A_17, %concatenate3A_12 : vector<8x16xf32>
    %swap3A = arith.constant 0 : index
    %swap3A_18 = arith.constant 0 : index
    %swap3A_19 = vector.load %arg2[%swap3A, %swap3A_18] : memref<8x16xf32, #tpu.memory_space<vmem>>, vector<8x16xf32>
    tpu.vector_store %arg2[%swap3A, %swap3A_18], %add3A {strides = array<i32>} : memref<8x16xf32, #tpu.memory_space<vmem>>, vector<8x16xf32>,
    return
  }
  func.func @transform_0(%arg0: i32) -> (i32, i32, i32) {
    %c0_i32 = arith.constant 0 : i32
    %c2_i32 = arith.constant 2 : i32
    %c0_i32_0 = arith.constant 0 : i32
    return %arg0, %c0_i32, %c2_i32 : i32, i32, i32
  }
  func.func @transform_1(%arg0: i32) -> (i32, i32) {
    %c0_i32 = arith.constant 0 : i32
    %c0_i32_0 = arith.constant 0 : i32
    %c0_i32_1 = arith.constant 0 : i32
    return %c0_i32, %c0_i32_0 : i32, i32
  }
}

module attributes {stable_mosaic.version = 14 : i64} {
  func.func @_statsb_body(%arg0: i32, %arg1: memref<200x16x128xf32, #tpu.memory_space<vmem>>, %arg2: memref<200x16x128xf32, #tpu.memory_space<vmem>>, %arg3: memref<200x128xf32, #tpu.memory_space<vmem>>, %arg4: memref<8x16xf32, #tpu.memory_space<vmem>>, %arg5: memref<1x3xf32, #tpu.memory_space<vmem>>, %arg6: memref<1x3xf32, #tpu.memory_space<vmem>>, %arg7: memref<3x128xf32, #tpu.memory_space<vmem>>, %arg8: memref<1x128xf32, #tpu.memory_space<vmem>>, %arg9: memref<8x128xf32, #tpu.memory_space<vmem>>) attributes {dimension_semantics = [#tpu.dimension_semantics<arbitrary>], iteration_bounds = array<i64: 50>, scalar_prefetch = 0 : i64, scratch_operands = 0 : i64, tpu.core_type = #tpu.core_type<tc>, window_params = [{transform_indices = @transform_0, window_bounds = array<i64: 200, 16, 128>}, {transform_indices = @transform_1, window_bounds = array<i64: 200, 16, 128>}, {transform_indices = @transform_2, window_bounds = array<i64: 200, 128>}, {pipeline_mode = #tpu.pipeline_mode<synchronous>, transform_indices = @transform_3, window_bounds = array<i64: 8, 16>}, {pipeline_mode = #tpu.pipeline_mode<synchronous>, transform_indices = @transform_4, window_bounds = array<i64: 1, 3>}, {pipeline_mode = #tpu.pipeline_mode<synchronous>, transform_indices = @transform_5, window_bounds = array<i64: 1, 3>}, {pipeline_mode = #tpu.pipeline_mode<synchronous>, transform_indices = @transform_6, window_bounds = array<i64: 3, 128>}, {pipeline_mode = #tpu.pipeline_mode<synchronous>, transform_indices = @transform_7, window_bounds = array<i64: 1, 128>}, {pipeline_mode = #tpu.pipeline_mode<synchronous>, transform_indices = @transform_8, window_bounds = array<i64: 8, 128>}]} {
    %get3A = arith.constant 0 : index
    %get3A_0 = arith.constant 0 : index
    %get3A_1 = vector.load %arg4[%get3A, %get3A_0] : memref<8x16xf32, #tpu.memory_space<vmem>>, vector<8x16xf32>
    %slice3A = vector.extract_strided_slice %get3A_1 {offsets = [0, 0], sizes = [1, 3], strides = [1, 1]} : vector<8x16xf32> to vector<1x3xf32>
    %div3A = arith.constant 1.600000e+05 : f32
    %div3A_2 = vector.broadcast %div3A : f32 to vector<1x3xf32>
    %div3A_3 = arith.divf %slice3A, %div3A_2 : vector<1x3xf32>
    %slice3A_4 = vector.extract_strided_slice %get3A_1 {offsets = [1, 0], sizes = [1, 3], strides = [1, 1]} : vector<8x16xf32> to vector<1x3xf32>
    %div3A_5 = arith.constant 1.600000e+05 : f32
    %div3A_6 = vector.broadcast %div3A_5 : f32 to vector<1x3xf32>
    %div3A_7 = arith.divf %slice3A_4, %div3A_6 : vector<1x3xf32>
    %mul3A = arith.mulf %div3A_3, %div3A_3 : vector<1x3xf32>
    %sub3A = arith.subf %div3A_7, %mul3A : vector<1x3xf32>
    %get3A_8 = arith.constant 0 : index
    %get3A_9 = arith.constant 0 : index
    %get3A_10 = vector.load %arg5[%get3A_8, %get3A_9] : memref<1x3xf32, #tpu.memory_space<vmem>>, vector<1x3xf32>
    %add3A = arith.constant 9.99999974E-6 : f32
    %add3A_11 = vector.broadcast %add3A : f32 to vector<1x3xf32>
    %add3A_12 = arith.addf %sub3A, %add3A_11 : vector<1x3xf32>
    %rsqrt3A = math.rsqrt %add3A_12 : vector<1x3xf32>
    %mul3A_13 = arith.mulf %get3A_10, %rsqrt3A : vector<1x3xf32>
    %get3A_14 = arith.constant 0 : index
    %get3A_15 = arith.constant 0 : index
    %get3A_16 = vector.load %arg6[%get3A_14, %get3A_15] : memref<1x3xf32, #tpu.memory_space<vmem>>, vector<1x3xf32>
    %mul3A_17 = arith.mulf %div3A_3, %mul3A_13 : vector<1x3xf32>
    %sub3A_18 = arith.subf %get3A_16, %mul3A_17 : vector<1x3xf32>
    %get3A_19 = arith.constant 0 : index
    %get3A_20 = arith.constant 0 : index
    %get3A_21 = arith.constant 0 : index
    %get3A_22 = vector.load %arg2[%get3A_19, %get3A_20, %get3A_21] : memref<200x16x128xf32, #tpu.memory_space<vmem>>, vector<200x16x3xf32>
    %reshape3A = vector.shape_cast %get3A_22 : vector<200x16x3xf32> to vector<3200x3xf32>
    %mul3A_23 = vector.broadcast %mul3A_13 : vector<1x3xf32> to vector<3200x3xf32>
    %mul3A_24 = arith.mulf %reshape3A, %mul3A_23 : vector<3200x3xf32>
    %add3A_25 = vector.broadcast %sub3A_18 : vector<1x3xf32> to vector<3200x3xf32>
    %add3A_26 = arith.addf %mul3A_24, %add3A_25 : vector<3200x3xf32>
    %max3A = arith.constant 0.000000e+00 : f32
    %max3A_27 = vector.broadcast %max3A : f32 to vector<3200x3xf32>
    %max3A_28 = arith.maximumf %add3A_26, %max3A_27 : vector<3200x3xf32>
    %get3A_29 = arith.constant 0 : index
    %get3A_30 = arith.constant 0 : index
    %get3A_31 = vector.load %arg7[%get3A_29, %get3A_30] : memref<3x128xf32, #tpu.memory_space<vmem>>, vector<3x128xf32>
    %dot_general3A = arith.constant dense<0.000000e+00> : vector<3200x128xf32>
    %dot_general3A_32 = tpu.matmul %max3A_28, %get3A_31, %dot_general3A {dimension_numbers = #tpu.dot_dimension_numbers<[1], [0], [0], [1], [0, 0, 1, 1], [], []>, transpose_lhs_hint = false} : vector<3200x3xf32>, vector<3x128xf32>, vector<3200x128xf32> -> vector<3200x128xf32>
    %get3A_33 = arith.constant 0 : index
    %get3A_34 = arith.constant 0 : index
    %get3A_35 = vector.load %arg8[%get3A_33, %get3A_34] : memref<1x128xf32, #tpu.memory_space<vmem>>, vector<1x128xf32>
    %add3A_36 = vector.broadcast %get3A_35 : vector<1x128xf32> to vector<3200x128xf32>
    %add3A_37 = arith.addf %dot_general3A_32, %add3A_36 : vector<3200x128xf32>
    %get3A_38 = arith.constant 0 : index
    %get3A_39 = arith.constant 0 : index
    %get3A_40 = arith.constant 0 : index
    %get3A_41 = vector.load %arg1[%get3A_38, %get3A_39, %get3A_40] : memref<200x16x128xf32, #tpu.memory_space<vmem>>, vector<200x16x128xf32>
    %get3A_42 = arith.constant 0 : index
    %get3A_43 = arith.constant 0 : index
    %get3A_44 = vector.load %arg3[%get3A_42, %get3A_43] : memref<200x128xf32, #tpu.memory_space<vmem>>, vector<200x128xf32>
    %broadcast_in_dim3A = vector.shape_cast %get3A_44 : vector<200x128xf32> to vector<200x1x128xf32>
    %sub3A_45 = vector.broadcast %broadcast_in_dim3A : vector<200x1x128xf32> to vector<200x16x128xf32>
    %sub3A_46 = arith.subf %get3A_41, %sub3A_45 : vector<200x16x128xf32>
    %reshape3A_47 = vector.shape_cast %sub3A_46 : vector<200x16x128xf32> to vector<3200x128xf32>
    %add3A_48 = arith.addf %reshape3A_47, %add3A_37 : vector<3200x128xf32>
    %reduce_sum3A = arith.constant dense<0.000000e+00> : vector<128xf32>
    %reduce_sum3A_49 = vector.multi_reduction <add>, %add3A_48, %reduce_sum3A [0] : vector<3200x128xf32> to vector<128xf32>
    %broadcast_in_dim3A_50 = vector.shape_cast %reduce_sum3A_49 : vector<128xf32> to vector<1x128xf32>
    %mul3A_51 = arith.mulf %add3A_48, %add3A_48 : vector<3200x128xf32>
    %reduce_sum3A_52 = arith.constant dense<0.000000e+00> : vector<128xf32>
    %reduce_sum3A_53 = vector.multi_reduction <add>, %mul3A_51, %reduce_sum3A_52 [0] : vector<3200x128xf32> to vector<128xf32>
    %broadcast_in_dim3A_54 = vector.shape_cast %reduce_sum3A_53 : vector<128xf32> to vector<1x128xf32>
    %broadcast_in_dim3A_55 = arith.constant 0.000000e+00 : f32
    %broadcast_in_dim3A_56 = vector.broadcast %broadcast_in_dim3A_55 : f32 to vector<6x128xf32>
    %concatenate3A = tpu.concatenate %broadcast_in_dim3A_50, %broadcast_in_dim3A_54, %broadcast_in_dim3A_56 in 0 : vector<1x128xf32>, vector<1x128xf32>, vector<6x128xf32> -> vector<8x128xf32>
    %eq3A = arith.constant 0 : i32
    %eq3A_57 = arith.cmpi eq, %arg0, %eq3A : i32
    %convert_element_type3A = arith.extui %eq3A_57 : i1 to i32
    %cond3A = arith.constant 0 : i32
    %cond3A_58 = arith.cmpi ne, %convert_element_type3A, %cond3A : i32
    scf.if %cond3A_58 {
      %broadcast_in_dim3A_65 = arith.constant 0.000000e+00 : f32
      %broadcast_in_dim3A_66 = vector.broadcast %broadcast_in_dim3A_65 : f32 to vector<8x128xf32>
      %swap3A_67 = arith.constant 0 : index
      %swap3A_68 = arith.constant 0 : index
      %swap3A_69 = vector.load %arg9[%swap3A_67, %swap3A_68] : memref<8x128xf32, #tpu.memory_space<vmem>>, vector<8x128xf32>
      tpu.vector_store %arg9[%swap3A_67, %swap3A_68], %broadcast_in_dim3A_66 {strides = array<i32>} : memref<8x128xf32, #tpu.memory_space<vmem>>, vector<8x128xf32>,
    } else {
    }
    %get3A_59 = arith.constant 0 : index
    %get3A_60 = arith.constant 0 : index
    %get3A_61 = vector.load %arg9[%get3A_59, %get3A_60] : memref<8x128xf32, #tpu.memory_space<vmem>>, vector<8x128xf32>
    %add3A_62 = arith.addf %get3A_61, %concatenate3A : vector<8x128xf32>
    %swap3A = arith.constant 0 : index
    %swap3A_63 = arith.constant 0 : index
    %swap3A_64 = vector.load %arg9[%swap3A, %swap3A_63] : memref<8x128xf32, #tpu.memory_space<vmem>>, vector<8x128xf32>
    tpu.vector_store %arg9[%swap3A, %swap3A_63], %add3A_62 {strides = array<i32>} : memref<8x128xf32, #tpu.memory_space<vmem>>, vector<8x128xf32>,
    return
  }
  func.func @transform_0(%arg0: i32) -> (i32, i32, i32) {
    %c0_i32 = arith.constant 0 : i32
    %c0_i32_0 = arith.constant 0 : i32
    %c0_i32_1 = arith.constant 0 : i32
    return %arg0, %c0_i32, %c0_i32_0 : i32, i32, i32
  }
  func.func @transform_1(%arg0: i32) -> (i32, i32, i32) {
    %c0_i32 = arith.constant 0 : i32
    %c2_i32 = arith.constant 2 : i32
    %c0_i32_0 = arith.constant 0 : i32
    return %arg0, %c0_i32, %c2_i32 : i32, i32, i32
  }
  func.func @transform_2(%arg0: i32) -> (i32, i32) {
    %c0_i32 = arith.constant 0 : i32
    %c0_i32_0 = arith.constant 0 : i32
    return %arg0, %c0_i32 : i32, i32
  }
  func.func @transform_3(%arg0: i32) -> (i32, i32) {
    %c0_i32 = arith.constant 0 : i32
    %c0_i32_0 = arith.constant 0 : i32
    %c0_i32_1 = arith.constant 0 : i32
    return %c0_i32, %c0_i32_0 : i32, i32
  }
  func.func @transform_4(%arg0: i32) -> (i32, i32) {
    %c0_i32 = arith.constant 0 : i32
    %c0_i32_0 = arith.constant 0 : i32
    %c0_i32_1 = arith.constant 0 : i32
    return %c0_i32, %c0_i32_0 : i32, i32
  }
  func.func @transform_5(%arg0: i32) -> (i32, i32) {
    %c0_i32 = arith.constant 0 : i32
    %c0_i32_0 = arith.constant 0 : i32
    %c0_i32_1 = arith.constant 0 : i32
    return %c0_i32, %c0_i32_0 : i32, i32
  }
  func.func @transform_6(%arg0: i32) -> (i32, i32) {
    %c0_i32 = arith.constant 0 : i32
    %c0_i32_0 = arith.constant 0 : i32
    %c0_i32_1 = arith.constant 0 : i32
    return %c0_i32, %c0_i32_0 : i32, i32
  }
  func.func @transform_7(%arg0: i32) -> (i32, i32) {
    %c0_i32 = arith.constant 0 : i32
    %c0_i32_0 = arith.constant 0 : i32
    %c0_i32_1 = arith.constant 0 : i32
    return %c0_i32, %c0_i32_0 : i32, i32
  }
  func.func @transform_8(%arg0: i32) -> (i32, i32) {
    %c0_i32 = arith.constant 0 : i32
    %c0_i32_0 = arith.constant 0 : i32
    %c0_i32_1 = arith.constant 0 : i32
    return %c0_i32, %c0_i32_0 : i32, i32
  }
}

module attributes {stable_mosaic.version = 14 : i64} {
  func.func @_passc_body(%arg0: i32, %arg1: memref<200x16x128xf32, #tpu.memory_space<vmem>>, %arg2: memref<200x16x128xf32, #tpu.memory_space<vmem>>, %arg3: memref<200x128xf32, #tpu.memory_space<vmem>>, %arg4: memref<8x16xf32, #tpu.memory_space<vmem>>, %arg5: memref<1x3xf32, #tpu.memory_space<vmem>>, %arg6: memref<1x3xf32, #tpu.memory_space<vmem>>, %arg7: memref<3x128xf32, #tpu.memory_space<vmem>>, %arg8: memref<1x128xf32, #tpu.memory_space<vmem>>, %arg9: memref<8x128xf32, #tpu.memory_space<vmem>>, %arg10: memref<1x128xf32, #tpu.memory_space<vmem>>, %arg11: memref<1x128xf32, #tpu.memory_space<vmem>>, %arg12: memref<128x16xf32, #tpu.memory_space<vmem>>, %arg13: memref<1x16xf32, #tpu.memory_space<vmem>>, %arg14: memref<3200x16xf32, #tpu.memory_space<vmem>>, %arg15: memref<8x16xf32, #tpu.memory_space<vmem>>) attributes {dimension_semantics = [#tpu.dimension_semantics<arbitrary>], iteration_bounds = array<i64: 50>, scalar_prefetch = 0 : i64, scratch_operands = 0 : i64, tpu.core_type = #tpu.core_type<tc>, window_params = [{transform_indices = @transform_0, window_bounds = array<i64: 200, 16, 128>}, {transform_indices = @transform_1, window_bounds = array<i64: 200, 16, 128>}, {transform_indices = @transform_2, window_bounds = array<i64: 200, 128>}, {pipeline_mode = #tpu.pipeline_mode<synchronous>, transform_indices = @transform_3, window_bounds = array<i64: 8, 16>}, {pipeline_mode = #tpu.pipeline_mode<synchronous>, transform_indices = @transform_4, window_bounds = array<i64: 1, 3>}, {pipeline_mode = #tpu.pipeline_mode<synchronous>, transform_indices = @transform_5, window_bounds = array<i64: 1, 3>}, {pipeline_mode = #tpu.pipeline_mode<synchronous>, transform_indices = @transform_6, window_bounds = array<i64: 3, 128>}, {pipeline_mode = #tpu.pipeline_mode<synchronous>, transform_indices = @transform_7, window_bounds = array<i64: 1, 128>}, {pipeline_mode = #tpu.pipeline_mode<synchronous>, transform_indices = @transform_8, window_bounds = array<i64: 8, 128>}, {pipeline_mode = #tpu.pipeline_mode<synchronous>, transform_indices = @transform_9, window_bounds = array<i64: 1, 128>}, {pipeline_mode = #tpu.pipeline_mode<synchronous>, transform_indices = @transform_10, window_bounds = array<i64: 1, 128>}, {pipeline_mode = #tpu.pipeline_mode<synchronous>, transform_indices = @transform_11, window_bounds = array<i64: 128, 16>}, {pipeline_mode = #tpu.pipeline_mode<synchronous>, transform_indices = @transform_12, window_bounds = array<i64: 1, 16>}, {transform_indices = @transform_13, window_bounds = array<i64: 3200, 16>}, {pipeline_mode = #tpu.pipeline_mode<synchronous>, transform_indices = @transform_14, window_bounds = array<i64: 8, 16>}]} {
    %get3A = arith.constant 0 : index
    %get3A_0 = arith.constant 0 : index
    %get3A_1 = vector.load %arg4[%get3A, %get3A_0] : memref<8x16xf32, #tpu.memory_space<vmem>>, vector<8x16xf32>
    %slice3A = vector.extract_strided_slice %get3A_1 {offsets = [0, 0], sizes = [1, 3], strides = [1, 1]} : vector<8x16xf32> to vector<1x3xf32>
    %div3A = arith.constant 1.600000e+05 : f32
    %div3A_2 = vector.broadcast %div3A : f32 to vector<1x3xf32>
    %div3A_3 = arith.divf %slice3A, %div3A_2 : vector<1x3xf32>
    %slice3A_4 = vector.extract_strided_slice %get3A_1 {offsets = [1, 0], sizes = [1, 3], strides = [1, 1]} : vector<8x16xf32> to vector<1x3xf32>
    %div3A_5 = arith.constant 1.600000e+05 : f32
    %div3A_6 = vector.broadcast %div3A_5 : f32 to vector<1x3xf32>
    %div3A_7 = arith.divf %slice3A_4, %div3A_6 : vector<1x3xf32>
    %mul3A = arith.mulf %div3A_3, %div3A_3 : vector<1x3xf32>
    %sub3A = arith.subf %div3A_7, %mul3A : vector<1x3xf32>
    %get3A_8 = arith.constant 0 : index
    %get3A_9 = arith.constant 0 : index
    %get3A_10 = vector.load %arg5[%get3A_8, %get3A_9] : memref<1x3xf32, #tpu.memory_space<vmem>>, vector<1x3xf32>
    %add3A = arith.constant 9.99999974E-6 : f32
    %add3A_11 = vector.broadcast %add3A : f32 to vector<1x3xf32>
    %add3A_12 = arith.addf %sub3A, %add3A_11 : vector<1x3xf32>
    %rsqrt3A = math.rsqrt %add3A_12 : vector<1x3xf32>
    %mul3A_13 = arith.mulf %get3A_10, %rsqrt3A : vector<1x3xf32>
    %get3A_14 = arith.constant 0 : index
    %get3A_15 = arith.constant 0 : index
    %get3A_16 = vector.load %arg6[%get3A_14, %get3A_15] : memref<1x3xf32, #tpu.memory_space<vmem>>, vector<1x3xf32>
    %mul3A_17 = arith.mulf %div3A_3, %mul3A_13 : vector<1x3xf32>
    %sub3A_18 = arith.subf %get3A_16, %mul3A_17 : vector<1x3xf32>
    %get3A_19 = arith.constant 0 : index
    %get3A_20 = arith.constant 0 : index
    %get3A_21 = arith.constant 0 : index
    %get3A_22 = vector.load %arg2[%get3A_19, %get3A_20, %get3A_21] : memref<200x16x128xf32, #tpu.memory_space<vmem>>, vector<200x16x3xf32>
    %reshape3A = vector.shape_cast %get3A_22 : vector<200x16x3xf32> to vector<3200x3xf32>
    %mul3A_23 = vector.broadcast %mul3A_13 : vector<1x3xf32> to vector<3200x3xf32>
    %mul3A_24 = arith.mulf %reshape3A, %mul3A_23 : vector<3200x3xf32>
    %add3A_25 = vector.broadcast %sub3A_18 : vector<1x3xf32> to vector<3200x3xf32>
    %add3A_26 = arith.addf %mul3A_24, %add3A_25 : vector<3200x3xf32>
    %max3A = arith.constant 0.000000e+00 : f32
    %max3A_27 = vector.broadcast %max3A : f32 to vector<3200x3xf32>
    %max3A_28 = arith.maximumf %add3A_26, %max3A_27 : vector<3200x3xf32>
    %get3A_29 = arith.constant 0 : index
    %get3A_30 = arith.constant 0 : index
    %get3A_31 = vector.load %arg7[%get3A_29, %get3A_30] : memref<3x128xf32, #tpu.memory_space<vmem>>, vector<3x128xf32>
    %dot_general3A = arith.constant dense<0.000000e+00> : vector<3200x128xf32>
    %dot_general3A_32 = tpu.matmul %max3A_28, %get3A_31, %dot_general3A {dimension_numbers = #tpu.dot_dimension_numbers<[1], [0], [0], [1], [0, 0, 1, 1], [], []>, transpose_lhs_hint = false} : vector<3200x3xf32>, vector<3x128xf32>, vector<3200x128xf32> -> vector<3200x128xf32>
    %get3A_33 = arith.constant 0 : index
    %get3A_34 = arith.constant 0 : index
    %get3A_35 = vector.load %arg8[%get3A_33, %get3A_34] : memref<1x128xf32, #tpu.memory_space<vmem>>, vector<1x128xf32>
    %add3A_36 = vector.broadcast %get3A_35 : vector<1x128xf32> to vector<3200x128xf32>
    %add3A_37 = arith.addf %dot_general3A_32, %add3A_36 : vector<3200x128xf32>
    %get3A_38 = arith.constant 0 : index
    %get3A_39 = arith.constant 0 : index
    %get3A_40 = vector.load %arg9[%get3A_38, %get3A_39] : memref<8x128xf32, #tpu.memory_space<vmem>>, vector<8x128xf32>
    %slice3A_41 = vector.extract_strided_slice %get3A_40 {offsets = [0, 0], sizes = [1, 128], strides = [1, 1]} : vector<8x128xf32> to vector<1x128xf32>
    %div3A_42 = arith.constant 1.600000e+05 : f32
    %div3A_43 = vector.broadcast %div3A_42 : f32 to vector<1x128xf32>
    %div3A_44 = arith.divf %slice3A_41, %div3A_43 : vector<1x128xf32>
    %slice3A_45 = vector.extract_strided_slice %get3A_40 {offsets = [1, 0], sizes = [1, 128], strides = [1, 1]} : vector<8x128xf32> to vector<1x128xf32>
    %div3A_46 = arith.constant 1.600000e+05 : f32
    %div3A_47 = vector.broadcast %div3A_46 : f32 to vector<1x128xf32>
    %div3A_48 = arith.divf %slice3A_45, %div3A_47 : vector<1x128xf32>
    %mul3A_49 = arith.mulf %div3A_44, %div3A_44 : vector<1x128xf32>
    %sub3A_50 = arith.subf %div3A_48, %mul3A_49 : vector<1x128xf32>
    %get3A_51 = arith.constant 0 : index
    %get3A_52 = arith.constant 0 : index
    %get3A_53 = vector.load %arg10[%get3A_51, %get3A_52] : memref<1x128xf32, #tpu.memory_space<vmem>>, vector<1x128xf32>
    %add3A_54 = arith.constant 9.99999974E-6 : f32
    %add3A_55 = vector.broadcast %add3A_54 : f32 to vector<1x128xf32>
    %add3A_56 = arith.addf %sub3A_50, %add3A_55 : vector<1x128xf32>
    %rsqrt3A_57 = math.rsqrt %add3A_56 : vector<1x128xf32>
    %mul3A_58 = arith.mulf %get3A_53, %rsqrt3A_57 : vector<1x128xf32>
    %get3A_59 = arith.constant 0 : index
    %get3A_60 = arith.constant 0 : index
    %get3A_61 = vector.load %arg11[%get3A_59, %get3A_60] : memref<1x128xf32, #tpu.memory_space<vmem>>, vector<1x128xf32>
    %mul3A_62 = arith.mulf %div3A_44, %mul3A_58 : vector<1x128xf32>
    %sub3A_63 = arith.subf %get3A_61, %mul3A_62 : vector<1x128xf32>
    %get3A_64 = arith.constant 0 : index
    %get3A_65 = arith.constant 0 : index
    %get3A_66 = arith.constant 0 : index
    %get3A_67 = vector.load %arg1[%get3A_64, %get3A_65, %get3A_66] : memref<200x16x128xf32, #tpu.memory_space<vmem>>, vector<200x16x128xf32>
    %get3A_68 = arith.constant 0 : index
    %get3A_69 = arith.constant 0 : index
    %get3A_70 = vector.load %arg3[%get3A_68, %get3A_69] : memref<200x128xf32, #tpu.memory_space<vmem>>, vector<200x128xf32>
    %broadcast_in_dim3A = vector.shape_cast %get3A_70 : vector<200x128xf32> to vector<200x1x128xf32>
    %sub3A_71 = vector.broadcast %broadcast_in_dim3A : vector<200x1x128xf32> to vector<200x16x128xf32>
    %sub3A_72 = arith.subf %get3A_67, %sub3A_71 : vector<200x16x128xf32>
    %reshape3A_73 = vector.shape_cast %sub3A_72 : vector<200x16x128xf32> to vector<3200x128xf32>
    %add3A_74 = arith.addf %reshape3A_73, %add3A_37 : vector<3200x128xf32>
    %mul3A_75 = vector.broadcast %mul3A_58 : vector<1x128xf32> to vector<3200x128xf32>
    %mul3A_76 = arith.mulf %add3A_74, %mul3A_75 : vector<3200x128xf32>
    %add3A_77 = vector.broadcast %sub3A_63 : vector<1x128xf32> to vector<3200x128xf32>
    %add3A_78 = arith.addf %mul3A_76, %add3A_77 : vector<3200x128xf32>
    %max3A_79 = arith.constant 0.000000e+00 : f32
    %max3A_80 = vector.broadcast %max3A_79 : f32 to vector<3200x128xf32>
    %max3A_81 = arith.maximumf %add3A_78, %max3A_80 : vector<3200x128xf32>
    %get3A_82 = arith.constant 0 : index
    %get3A_83 = arith.constant 0 : index
    %get3A_84 = vector.load %arg12[%get3A_82, %get3A_83] : memref<128x16xf32, #tpu.memory_space<vmem>>, vector<128x16xf32>
    %dot_general3A_85 = arith.constant dense<0.000000e+00> : vector<3200x16xf32>
    %dot_general3A_86 = tpu.matmul %max3A_81, %get3A_84, %dot_general3A_85 {dimension_numbers = #tpu.dot_dimension_numbers<[1], [0], [0], [1], [0, 0, 1, 1], [], []>, transpose_lhs_hint = false} : vector<3200x128xf32>, vector<128x16xf32>, vector<3200x16xf32> -> vector<3200x16xf32>
    %get3A_87 = arith.constant 0 : index
    %get3A_88 = arith.constant 0 : index
    %get3A_89 = vector.load %arg13[%get3A_87, %get3A_88] : memref<1x16xf32, #tpu.memory_space<vmem>>, vector<1x16xf32>
    %add3A_90 = vector.broadcast %get3A_89 : vector<1x16xf32> to vector<3200x16xf32>
    %add3A_91 = arith.addf %dot_general3A_86, %add3A_90 : vector<3200x16xf32>
    %swap3A = arith.constant 0 : index
    %swap3A_92 = arith.constant 0 : index
    %swap3A_93 = vector.load %arg14[%swap3A, %swap3A_92] : memref<3200x16xf32, #tpu.memory_space<vmem>>, vector<3200x16xf32>
    tpu.vector_store %arg14[%swap3A, %swap3A_92], %add3A_91 {strides = array<i32>} : memref<3200x16xf32, #tpu.memory_space<vmem>>, vector<3200x16xf32>,
    %reduce_sum3A = arith.constant dense<0.000000e+00> : vector<16xf32>
    %reduce_sum3A_94 = vector.multi_reduction <add>, %add3A_91, %reduce_sum3A [0] : vector<3200x16xf32> to vector<16xf32>
    %broadcast_in_dim3A_95 = vector.shape_cast %reduce_sum3A_94 : vector<16xf32> to vector<1x16xf32>
    %mul3A_96 = arith.mulf %add3A_91, %add3A_91 : vector<3200x16xf32>
    %reduce_sum3A_97 = arith.constant dense<0.000000e+00> : vector<16xf32>
    %reduce_sum3A_98 = vector.multi_reduction <add>, %mul3A_96, %reduce_sum3A_97 [0] : vector<3200x16xf32> to vector<16xf32>
    %broadcast_in_dim3A_99 = vector.shape_cast %reduce_sum3A_98 : vector<16xf32> to vector<1x16xf32>
    %broadcast_in_dim3A_100 = arith.constant 0.000000e+00 : f32
    %broadcast_in_dim3A_101 = vector.broadcast %broadcast_in_dim3A_100 : f32 to vector<6x16xf32>
    %concatenate3A = tpu.concatenate %broadcast_in_dim3A_95, %broadcast_in_dim3A_99, %broadcast_in_dim3A_101 in 0 : vector<1x16xf32>, vector<1x16xf32>, vector<6x16xf32> -> vector<8x16xf32>
    %eq3A = arith.constant 0 : i32
    %eq3A_102 = arith.cmpi eq, %arg0, %eq3A : i32
    %convert_element_type3A = arith.extui %eq3A_102 : i1 to i32
    %cond3A = arith.constant 0 : i32
    %cond3A_103 = arith.cmpi ne, %convert_element_type3A, %cond3A : i32
    scf.if %cond3A_103 {
      %broadcast_in_dim3A_111 = arith.constant 0.000000e+00 : f32
      %broadcast_in_dim3A_112 = vector.broadcast %broadcast_in_dim3A_111 : f32 to vector<8x16xf32>
      %swap3A_113 = arith.constant 0 : index
      %swap3A_114 = arith.constant 0 : index
      %swap3A_115 = vector.load %arg15[%swap3A_113, %swap3A_114] : memref<8x16xf32, #tpu.memory_space<vmem>>, vector<8x16xf32>
      tpu.vector_store %arg15[%swap3A_113, %swap3A_114], %broadcast_in_dim3A_112 {strides = array<i32>} : memref<8x16xf32, #tpu.memory_space<vmem>>, vector<8x16xf32>,
    } else {
    }
    %get3A_104 = arith.constant 0 : index
    %get3A_105 = arith.constant 0 : index
    %get3A_106 = vector.load %arg15[%get3A_104, %get3A_105] : memref<8x16xf32, #tpu.memory_space<vmem>>, vector<8x16xf32>
    %add3A_107 = arith.addf %get3A_106, %concatenate3A : vector<8x16xf32>
    %swap3A_108 = arith.constant 0 : index
    %swap3A_109 = arith.constant 0 : index
    %swap3A_110 = vector.load %arg15[%swap3A_108, %swap3A_109] : memref<8x16xf32, #tpu.memory_space<vmem>>, vector<8x16xf32>
    tpu.vector_store %arg15[%swap3A_108, %swap3A_109], %add3A_107 {strides = array<i32>} : memref<8x16xf32, #tpu.memory_space<vmem>>, vector<8x16xf32>,
    return
  }
  func.func @transform_0(%arg0: i32) -> (i32, i32, i32) {
    %c0_i32 = arith.constant 0 : i32
    %c0_i32_0 = arith.constant 0 : i32
    %c0_i32_1 = arith.constant 0 : i32
    return %arg0, %c0_i32, %c0_i32_0 : i32, i32, i32
  }
  func.func @transform_1(%arg0: i32) -> (i32, i32, i32) {
    %c0_i32 = arith.constant 0 : i32
    %c2_i32 = arith.constant 2 : i32
    %c0_i32_0 = arith.constant 0 : i32
    return %arg0, %c0_i32, %c2_i32 : i32, i32, i32
  }
  func.func @transform_2(%arg0: i32) -> (i32, i32) {
    %c0_i32 = arith.constant 0 : i32
    %c0_i32_0 = arith.constant 0 : i32
    return %arg0, %c0_i32 : i32, i32
  }
  func.func @transform_3(%arg0: i32) -> (i32, i32) {
    %c0_i32 = arith.constant 0 : i32
    %c0_i32_0 = arith.constant 0 : i32
    %c0_i32_1 = arith.constant 0 : i32
    return %c0_i32, %c0_i32_0 : i32, i32
  }
  func.func @transform_4(%arg0: i32) -> (i32, i32) {
    %c0_i32 = arith.constant 0 : i32
    %c0_i32_0 = arith.constant 0 : i32
    %c0_i32_1 = arith.constant 0 : i32
    return %c0_i32, %c0_i32_0 : i32, i32
  }
  func.func @transform_5(%arg0: i32) -> (i32, i32) {
    %c0_i32 = arith.constant 0 : i32
    %c0_i32_0 = arith.constant 0 : i32
    %c0_i32_1 = arith.constant 0 : i32
    return %c0_i32, %c0_i32_0 : i32, i32
  }
  func.func @transform_6(%arg0: i32) -> (i32, i32) {
    %c0_i32 = arith.constant 0 : i32
    %c0_i32_0 = arith.constant 0 : i32
    %c0_i32_1 = arith.constant 0 : i32
    return %c0_i32, %c0_i32_0 : i32, i32
  }
  func.func @transform_7(%arg0: i32) -> (i32, i32) {
    %c0_i32 = arith.constant 0 : i32
    %c0_i32_0 = arith.constant 0 : i32
    %c0_i32_1 = arith.constant 0 : i32
    return %c0_i32, %c0_i32_0 : i32, i32
  }
  func.func @transform_8(%arg0: i32) -> (i32, i32) {
    %c0_i32 = arith.constant 0 : i32
    %c0_i32_0 = arith.constant 0 : i32
    %c0_i32_1 = arith.constant 0 : i32
    return %c0_i32, %c0_i32_0 : i32, i32
  }
  func.func @transform_9(%arg0: i32) -> (i32, i32) {
    %c0_i32 = arith.constant 0 : i32
    %c0_i32_0 = arith.constant 0 : i32
    %c0_i32_1 = arith.constant 0 : i32
    return %c0_i32, %c0_i32_0 : i32, i32
  }
  func.func @transform_10(%arg0: i32) -> (i32, i32) {
    %c0_i32 = arith.constant 0 : i32
    %c0_i32_0 = arith.constant 0 : i32
    %c0_i32_1 = arith.constant 0 : i32
    return %c0_i32, %c0_i32_0 : i32, i32
  }
  func.func @transform_11(%arg0: i32) -> (i32, i32) {
    %c0_i32 = arith.constant 0 : i32
    %c0_i32_0 = arith.constant 0 : i32
    %c0_i32_1 = arith.constant 0 : i32
    return %c0_i32, %c0_i32_0 : i32, i32
  }
  func.func @transform_12(%arg0: i32) -> (i32, i32) {
    %c0_i32 = arith.constant 0 : i32
    %c0_i32_0 = arith.constant 0 : i32
    %c0_i32_1 = arith.constant 0 : i32
    return %c0_i32, %c0_i32_0 : i32, i32
  }
  func.func @transform_13(%arg0: i32) -> (i32, i32) {
    %c0_i32 = arith.constant 0 : i32
    %c0_i32_0 = arith.constant 0 : i32
    return %arg0, %c0_i32 : i32, i32
  }
  func.func @transform_14(%arg0: i32) -> (i32, i32) {
    %c0_i32 = arith.constant 0 : i32
    %c0_i32_0 = arith.constant 0 : i32
    %c0_i32_1 = arith.constant 0 : i32
    return %c0_i32, %c0_i32_0 : i32, i32
  }
}

module attributes {stable_mosaic.version = 14 : i64} {
  func.func @_passd_body(%arg0: i32, %arg1: memref<3200x16xf32, #tpu.memory_space<vmem>>, %arg2: memref<200x16x128xf32, #tpu.memory_space<vmem>>, %arg3: memref<200x16x128xf32, #tpu.memory_space<vmem>>, %arg4: memref<8x16xf32, #tpu.memory_space<vmem>>, %arg5: memref<1x3xf32, #tpu.memory_space<vmem>>, %arg6: memref<1x3xf32, #tpu.memory_space<vmem>>, %arg7: memref<3x128xf32, #tpu.memory_space<vmem>>, %arg8: memref<1x128xf32, #tpu.memory_space<vmem>>, %arg9: memref<8x16xf32, #tpu.memory_space<vmem>>, %arg10: memref<1x16xf32, #tpu.memory_space<vmem>>, %arg11: memref<1x16xf32, #tpu.memory_space<vmem>>, %arg12: memref<16x16xf32, #tpu.memory_space<vmem>>, %arg13: memref<1x16xf32, #tpu.memory_space<vmem>>, %arg14: memref<200x128xf32, #tpu.memory_space<vmem>>) attributes {dimension_semantics = [#tpu.dimension_semantics<arbitrary>], iteration_bounds = array<i64: 50>, scalar_prefetch = 0 : i64, scratch_operands = 0 : i64, tpu.core_type = #tpu.core_type<tc>, window_params = [{transform_indices = @transform_0, window_bounds = array<i64: 3200, 16>}, {transform_indices = @transform_1, window_bounds = array<i64: 200, 16, 128>}, {transform_indices = @transform_2, window_bounds = array<i64: 200, 16, 128>}, {pipeline_mode = #tpu.pipeline_mode<synchronous>, transform_indices = @transform_3, window_bounds = array<i64: 8, 16>}, {pipeline_mode = #tpu.pipeline_mode<synchronous>, transform_indices = @transform_4, window_bounds = array<i64: 1, 3>}, {pipeline_mode = #tpu.pipeline_mode<synchronous>, transform_indices = @transform_5, window_bounds = array<i64: 1, 3>}, {pipeline_mode = #tpu.pipeline_mode<synchronous>, transform_indices = @transform_6, window_bounds = array<i64: 3, 128>}, {pipeline_mode = #tpu.pipeline_mode<synchronous>, transform_indices = @transform_7, window_bounds = array<i64: 1, 128>}, {pipeline_mode = #tpu.pipeline_mode<synchronous>, transform_indices = @transform_8, window_bounds = array<i64: 8, 16>}, {pipeline_mode = #tpu.pipeline_mode<synchronous>, transform_indices = @transform_9, window_bounds = array<i64: 1, 16>}, {pipeline_mode = #tpu.pipeline_mode<synchronous>, transform_indices = @transform_10, window_bounds = array<i64: 1, 16>}, {pipeline_mode = #tpu.pipeline_mode<synchronous>, transform_indices = @transform_11, window_bounds = array<i64: 16, 16>}, {pipeline_mode = #tpu.pipeline_mode<synchronous>, transform_indices = @transform_12, window_bounds = array<i64: 1, 16>}, {transform_indices = @transform_13, window_bounds = array<i64: 200, 128>}]} {
    %get3A = arith.constant 0 : index
    %get3A_0 = arith.constant 0 : index
    %get3A_1 = vector.load %arg9[%get3A, %get3A_0] : memref<8x16xf32, #tpu.memory_space<vmem>>, vector<8x16xf32>
    %slice3A = vector.extract_strided_slice %get3A_1 {offsets = [0, 0], sizes = [1, 16], strides = [1, 1]} : vector<8x16xf32> to vector<1x16xf32>
    %div3A = arith.constant 1.600000e+05 : f32
    %div3A_2 = vector.broadcast %div3A : f32 to vector<1x16xf32>
    %div3A_3 = arith.divf %slice3A, %div3A_2 : vector<1x16xf32>
    %slice3A_4 = vector.extract_strided_slice %get3A_1 {offsets = [1, 0], sizes = [1, 16], strides = [1, 1]} : vector<8x16xf32> to vector<1x16xf32>
    %div3A_5 = arith.constant 1.600000e+05 : f32
    %div3A_6 = vector.broadcast %div3A_5 : f32 to vector<1x16xf32>
    %div3A_7 = arith.divf %slice3A_4, %div3A_6 : vector<1x16xf32>
    %mul3A = arith.mulf %div3A_3, %div3A_3 : vector<1x16xf32>
    %sub3A = arith.subf %div3A_7, %mul3A : vector<1x16xf32>
    %get3A_8 = arith.constant 0 : index
    %get3A_9 = arith.constant 0 : index
    %get3A_10 = vector.load %arg10[%get3A_8, %get3A_9] : memref<1x16xf32, #tpu.memory_space<vmem>>, vector<1x16xf32>
    %add3A = arith.constant 9.99999974E-6 : f32
    %add3A_11 = vector.broadcast %add3A : f32 to vector<1x16xf32>
    %add3A_12 = arith.addf %sub3A, %add3A_11 : vector<1x16xf32>
    %rsqrt3A = math.rsqrt %add3A_12 : vector<1x16xf32>
    %mul3A_13 = arith.mulf %get3A_10, %rsqrt3A : vector<1x16xf32>
    %get3A_14 = arith.constant 0 : index
    %get3A_15 = arith.constant 0 : index
    %get3A_16 = vector.load %arg11[%get3A_14, %get3A_15] : memref<1x16xf32, #tpu.memory_space<vmem>>, vector<1x16xf32>
    %mul3A_17 = arith.mulf %div3A_3, %mul3A_13 : vector<1x16xf32>
    %sub3A_18 = arith.subf %get3A_16, %mul3A_17 : vector<1x16xf32>
    %get3A_19 = arith.constant 0 : index
    %get3A_20 = arith.constant 0 : index
    %get3A_21 = vector.load %arg1[%get3A_19, %get3A_20] : memref<3200x16xf32, #tpu.memory_space<vmem>>, vector<3200x16xf32>
    %mul3A_22 = vector.broadcast %mul3A_13 : vector<1x16xf32> to vector<3200x16xf32>
    %mul3A_23 = arith.mulf %get3A_21, %mul3A_22 : vector<3200x16xf32>
    %add3A_24 = vector.broadcast %sub3A_18 : vector<1x16xf32> to vector<3200x16xf32>
    %add3A_25 = arith.addf %mul3A_23, %add3A_24 : vector<3200x16xf32>
    %max3A = arith.constant 0.000000e+00 : f32
    %max3A_26 = vector.broadcast %max3A : f32 to vector<3200x16xf32>
    %max3A_27 = arith.maximumf %add3A_25, %max3A_26 : vector<3200x16xf32>
    %get3A_28 = arith.constant 0 : index
    %get3A_29 = arith.constant 0 : index
    %get3A_30 = vector.load %arg12[%get3A_28, %get3A_29] : memref<16x16xf32, #tpu.memory_space<vmem>>, vector<16x16xf32>
    %dot_general3A = arith.constant dense<0.000000e+00> : vector<3200x16xf32>
    %dot_general3A_31 = tpu.matmul %max3A_27, %get3A_30, %dot_general3A {dimension_numbers = #tpu.dot_dimension_numbers<[1], [0], [0], [1], [0, 0, 1, 1], [], []>, transpose_lhs_hint = false} : vector<3200x16xf32>, vector<16x16xf32>, vector<3200x16xf32> -> vector<3200x16xf32>
    %get3A_32 = arith.constant 0 : index
    %get3A_33 = arith.constant 0 : index
    %get3A_34 = vector.load %arg13[%get3A_32, %get3A_33] : memref<1x16xf32, #tpu.memory_space<vmem>>, vector<1x16xf32>
    %add3A_35 = vector.broadcast %get3A_34 : vector<1x16xf32> to vector<3200x16xf32>
    %add3A_36 = arith.addf %dot_general3A_31, %add3A_35 : vector<3200x16xf32>
    %reshape3A = vector.shape_cast %add3A_36 : vector<3200x16xf32> to vector<200x16x16xf32>
    %reduce_max3A = arith.constant dense<0xFF800000> : vector<200x16xf32>
    %reduce_max3A_37 = vector.multi_reduction <maximumf>, %reshape3A, %reduce_max3A [1] : vector<200x16x16xf32> to vector<200x16xf32>
    %broadcast_in_dim3A = vector.shape_cast %reduce_max3A_37 : vector<200x16xf32> to vector<200x1x16xf32>
    %sub3A_38 = vector.broadcast %broadcast_in_dim3A : vector<200x1x16xf32> to vector<200x16x16xf32>
    %sub3A_39 = arith.subf %reshape3A, %sub3A_38 : vector<200x16x16xf32>
    %exp3A = math.exp %sub3A_39 : vector<200x16x16xf32>
    %reduce_sum3A = arith.constant dense<0.000000e+00> : vector<200x16xf32>
    %reduce_sum3A_40 = vector.multi_reduction <add>, %exp3A, %reduce_sum3A [1] : vector<200x16x16xf32> to vector<200x16xf32>
    %broadcast_in_dim3A_41 = vector.shape_cast %reduce_sum3A_40 : vector<200x16xf32> to vector<200x1x16xf32>
    %div3A_42 = vector.broadcast %broadcast_in_dim3A_41 : vector<200x1x16xf32> to vector<200x16x16xf32>
    %div3A_43 = arith.divf %exp3A, %div3A_42 : vector<200x16x16xf32>
    %concatenate3A = tpu.concatenate %div3A_43, %div3A_43, %div3A_43, %div3A_43, %div3A_43, %div3A_43, %div3A_43, %div3A_43 in 2 : vector<200x16x16xf32>, vector<200x16x16xf32>, vector<200x16x16xf32>, vector<200x16x16xf32>, vector<200x16x16xf32>, vector<200x16x16xf32>, vector<200x16x16xf32>, vector<200x16x16xf32> -> vector<200x16x128xf32>
    %get3A_44 = arith.constant 0 : index
    %get3A_45 = arith.constant 0 : index
    %get3A_46 = vector.load %arg4[%get3A_44, %get3A_45] : memref<8x16xf32, #tpu.memory_space<vmem>>, vector<8x16xf32>
    %slice3A_47 = vector.extract_strided_slice %get3A_46 {offsets = [0, 0], sizes = [1, 3], strides = [1, 1]} : vector<8x16xf32> to vector<1x3xf32>
    %div3A_48 = arith.constant 1.600000e+05 : f32
    %div3A_49 = vector.broadcast %div3A_48 : f32 to vector<1x3xf32>
    %div3A_50 = arith.divf %slice3A_47, %div3A_49 : vector<1x3xf32>
    %slice3A_51 = vector.extract_strided_slice %get3A_46 {offsets = [1, 0], sizes = [1, 3], strides = [1, 1]} : vector<8x16xf32> to vector<1x3xf32>
    %div3A_52 = arith.constant 1.600000e+05 : f32
    %div3A_53 = vector.broadcast %div3A_52 : f32 to vector<1x3xf32>
    %div3A_54 = arith.divf %slice3A_51, %div3A_53 : vector<1x3xf32>
    %mul3A_55 = arith.mulf %div3A_50, %div3A_50 : vector<1x3xf32>
    %sub3A_56 = arith.subf %div3A_54, %mul3A_55 : vector<1x3xf32>
    %get3A_57 = arith.constant 0 : index
    %get3A_58 = arith.constant 0 : index
    %get3A_59 = vector.load %arg5[%get3A_57, %get3A_58] : memref<1x3xf32, #tpu.memory_space<vmem>>, vector<1x3xf32>
    %add3A_60 = arith.constant 9.99999974E-6 : f32
    %add3A_61 = vector.broadcast %add3A_60 : f32 to vector<1x3xf32>
    %add3A_62 = arith.addf %sub3A_56, %add3A_61 : vector<1x3xf32>
    %rsqrt3A_63 = math.rsqrt %add3A_62 : vector<1x3xf32>
    %mul3A_64 = arith.mulf %get3A_59, %rsqrt3A_63 : vector<1x3xf32>
    %get3A_65 = arith.constant 0 : index
    %get3A_66 = arith.constant 0 : index
    %get3A_67 = vector.load %arg6[%get3A_65, %get3A_66] : memref<1x3xf32, #tpu.memory_space<vmem>>, vector<1x3xf32>
    %mul3A_68 = arith.mulf %div3A_50, %mul3A_64 : vector<1x3xf32>
    %sub3A_69 = arith.subf %get3A_67, %mul3A_68 : vector<1x3xf32>
    %get3A_70 = arith.constant 0 : index
    %get3A_71 = arith.constant 0 : index
    %get3A_72 = arith.constant 0 : index
    %get3A_73 = vector.load %arg3[%get3A_70, %get3A_71, %get3A_72] : memref<200x16x128xf32, #tpu.memory_space<vmem>>, vector<200x16x3xf32>
    %reshape3A_74 = vector.shape_cast %get3A_73 : vector<200x16x3xf32> to vector<3200x3xf32>
    %mul3A_75 = vector.broadcast %mul3A_64 : vector<1x3xf32> to vector<3200x3xf32>
    %mul3A_76 = arith.mulf %reshape3A_74, %mul3A_75 : vector<3200x3xf32>
    %add3A_77 = vector.broadcast %sub3A_69 : vector<1x3xf32> to vector<3200x3xf32>
    %add3A_78 = arith.addf %mul3A_76, %add3A_77 : vector<3200x3xf32>
    %max3A_79 = arith.constant 0.000000e+00 : f32
    %max3A_80 = vector.broadcast %max3A_79 : f32 to vector<3200x3xf32>
    %max3A_81 = arith.maximumf %add3A_78, %max3A_80 : vector<3200x3xf32>
    %get3A_82 = arith.constant 0 : index
    %get3A_83 = arith.constant 0 : index
    %get3A_84 = vector.load %arg7[%get3A_82, %get3A_83] : memref<3x128xf32, #tpu.memory_space<vmem>>, vector<3x128xf32>
    %dot_general3A_85 = arith.constant dense<0.000000e+00> : vector<3200x128xf32>
    %dot_general3A_86 = tpu.matmul %max3A_81, %get3A_84, %dot_general3A_85 {dimension_numbers = #tpu.dot_dimension_numbers<[1], [0], [0], [1], [0, 0, 1, 1], [], []>, transpose_lhs_hint = false} : vector<3200x3xf32>, vector<3x128xf32>, vector<3200x128xf32> -> vector<3200x128xf32>
    %get3A_87 = arith.constant 0 : index
    %get3A_88 = arith.constant 0 : index
    %get3A_89 = vector.load %arg8[%get3A_87, %get3A_88] : memref<1x128xf32, #tpu.memory_space<vmem>>, vector<1x128xf32>
    %add3A_90 = vector.broadcast %get3A_89 : vector<1x128xf32> to vector<3200x128xf32>
    %add3A_91 = arith.addf %dot_general3A_86, %add3A_90 : vector<3200x128xf32>
    %get3A_92 = arith.constant 0 : index
    %get3A_93 = arith.constant 0 : index
    %get3A_94 = arith.constant 0 : index
    %get3A_95 = vector.load %arg2[%get3A_92, %get3A_93, %get3A_94] : memref<200x16x128xf32, #tpu.memory_space<vmem>>, vector<200x16x128xf32>
    %reshape3A_96 = vector.shape_cast %add3A_91 : vector<3200x128xf32> to vector<200x16x128xf32>
    %add3A_97 = arith.addf %get3A_95, %reshape3A_96 : vector<200x16x128xf32>
    %mul3A_98 = arith.mulf %add3A_97, %concatenate3A : vector<200x16x128xf32>
    %reduce_sum3A_99 = arith.constant dense<0.000000e+00> : vector<200x128xf32>
    %reduce_sum3A_100 = vector.multi_reduction <add>, %mul3A_98, %reduce_sum3A_99 [1] : vector<200x16x128xf32> to vector<200x128xf32>
    %swap3A = arith.constant 0 : index
    %swap3A_101 = arith.constant 0 : index
    %swap3A_102 = vector.load %arg14[%swap3A, %swap3A_101] : memref<200x128xf32, #tpu.memory_space<vmem>>, vector<200x128xf32>
    tpu.vector_store %arg14[%swap3A, %swap3A_101], %reduce_sum3A_100 {strides = array<i32>} : memref<200x128xf32, #tpu.memory_space<vmem>>, vector<200x128xf32>,
    return
  }
  func.func @transform_0(%arg0: i32) -> (i32, i32) {
    %c0_i32 = arith.constant 0 : i32
    %c0_i32_0 = arith.constant 0 : i32
    return %arg0, %c0_i32 : i32, i32
  }
  func.func @transform_1(%arg0: i32) -> (i32, i32, i32) {
    %c0_i32 = arith.constant 0 : i32
    %c1_i32 = arith.constant 1 : i32
    %c0_i32_0 = arith.constant 0 : i32
    return %arg0, %c0_i32, %c1_i32 : i32, i32, i32
  }
  func.func @transform_2(%arg0: i32) -> (i32, i32, i32) {
    %c0_i32 = arith.constant 0 : i32
    %c2_i32 = arith.constant 2 : i32
    %c0_i32_0 = arith.constant 0 : i32
    return %arg0, %c0_i32, %c2_i32 : i32, i32, i32
  }
  func.func @transform_3(%arg0: i32) -> (i32, i32) {
    %c0_i32 = arith.constant 0 : i32
    %c0_i32_0 = arith.constant 0 : i32
    %c0_i32_1 = arith.constant 0 : i32
    return %c0_i32, %c0_i32_0 : i32, i32
  }
  func.func @transform_4(%arg0: i32) -> (i32, i32) {
    %c0_i32 = arith.constant 0 : i32
    %c0_i32_0 = arith.constant 0 : i32
    %c0_i32_1 = arith.constant 0 : i32
    return %c0_i32, %c0_i32_0 : i32, i32
  }
  func.func @transform_5(%arg0: i32) -> (i32, i32) {
    %c0_i32 = arith.constant 0 : i32
    %c0_i32_0 = arith.constant 0 : i32
    %c0_i32_1 = arith.constant 0 : i32
    return %c0_i32, %c0_i32_0 : i32, i32
  }
  func.func @transform_6(%arg0: i32) -> (i32, i32) {
    %c0_i32 = arith.constant 0 : i32
    %c0_i32_0 = arith.constant 0 : i32
    %c0_i32_1 = arith.constant 0 : i32
    return %c0_i32, %c0_i32_0 : i32, i32
  }
  func.func @transform_7(%arg0: i32) -> (i32, i32) {
    %c0_i32 = arith.constant 0 : i32
    %c0_i32_0 = arith.constant 0 : i32
    %c0_i32_1 = arith.constant 0 : i32
    return %c0_i32, %c0_i32_0 : i32, i32
  }
  func.func @transform_8(%arg0: i32) -> (i32, i32) {
    %c0_i32 = arith.constant 0 : i32
    %c0_i32_0 = arith.constant 0 : i32
    %c0_i32_1 = arith.constant 0 : i32
    return %c0_i32, %c0_i32_0 : i32, i32
  }
  func.func @transform_9(%arg0: i32) -> (i32, i32) {
    %c0_i32 = arith.constant 0 : i32
    %c0_i32_0 = arith.constant 0 : i32
    %c0_i32_1 = arith.constant 0 : i32
    return %c0_i32, %c0_i32_0 : i32, i32
  }
  func.func @transform_10(%arg0: i32) -> (i32, i32) {
    %c0_i32 = arith.constant 0 : i32
    %c0_i32_0 = arith.constant 0 : i32
    %c0_i32_1 = arith.constant 0 : i32
    return %c0_i32, %c0_i32_0 : i32, i32
  }
  func.func @transform_11(%arg0: i32) -> (i32, i32) {
    %c0_i32 = arith.constant 0 : i32
    %c0_i32_0 = arith.constant 0 : i32
    %c0_i32_1 = arith.constant 0 : i32
    return %c0_i32, %c0_i32_0 : i32, i32
  }
  func.func @transform_12(%arg0: i32) -> (i32, i32) {
    %c0_i32 = arith.constant 0 : i32
    %c0_i32_0 = arith.constant 0 : i32
    %c0_i32_1 = arith.constant 0 : i32
    return %c0_i32, %c0_i32_0 : i32, i32
  }
  func.func @transform_13(%arg0: i32) -> (i32, i32) {
    %c0_i32 = arith.constant 0 : i32
    %c0_i32_0 = arith.constant 0 : i32
    return %arg0, %c0_i32 : i32, i32
  }
}

</mosaic_0001>

<sc_bundles>
// kernel: kernel.11.cloned.1.call-start
scs
__scs_entry_jumppad:
0x0: {  	(pc) =	sbr.rel $0x88, $3  }
0x1: {  	(tag) =	ssettag $0x0;
	lr =	simm.s32 $0x1  }
0x2: {  	[smem:$0x3F8B] =	sst lr;
	_ =	strace $0xD0000000  }
0x3: {  	_ = 	snop  }
0x4: {  	_ = 	snop  }
0x5: {  	_ = 	snop  }
0x6: {  	_ = 	snop  }
0x7: {  	_ = 	snop  }
__scs_overlays_trampoline_lowered:
0x8: {  	[smem:$0x3F9A] =	sst s0  }
0x9: {  	[smem:$0x3F9B] =	sst s1  }
0xa: {  	[smem:$0x3F9C] =	sst s2  }
0xb: {  	[smem:$0x3F9D] =	sst s3  }
0xc: {  	[smem:$0x3F9E] =	sst s4  }
0xd: {  	[smem:$0x3F9F] =	sst s5  }
0xe: {  	[smem:$0x3FA0] =	sst s6  }
0xf: {  	[smem:$0x3FA1] =	sst s7  }
0x10: {  	[smem:$0x3FA2] =	sst s8  }
0x11: {  	[smem:$0x3FA3] =	sst s9;
	s0 =	simm.s32 @!p0 $0x0  }
0x12: {  	s1 =	sld [smem:$0x3F89];
	s0 =	simm.s32 @p0 $0x1  }
0x13: {  	[smem:$0x3FA4] =	sst s0;
	s0 =	simm.s32 @!p1 $0x0  }
0x14: {  	s2 =	sld [smem:$0x3F88];
	s0 =	simm.s32 @p1 $0x1  }
0x15: {  	[smem:$0x3FA5] =	sst s0;
	s0 =	simm.s32 @!p2 $0x0  }
0x16: {  	s3 =	sld [smem:$0x3FDB];
	s0 =	simm.s32 @p2 $0x1  }
0x17: {  	s4 =	simm.s32 $0x1BF5;
	[smem:$0x3FA7] =	sst s0  }
0x18: {  	s0 =	sld [smem:$0x3F8A];
	_ =	swait.ge [sflag:s4], $0x0  }
0x19: {  	s7 =	sld [smem:$0x3F8B]  }
0x1a: {  	s8 =	sadd.s32 $0xFFFFE003, lr  }
0x1b: {  	s9 =	sadd.s32 $0xFFFFFEF7, lr;
	s5 =	simm.s32 $0xFFFFFFFF;
	p2 =	slt.u32 s8, $0xFFFFF086  }
0x1c: {  	p1 =	slt.u32 s9, $0xF7A;
	s5 =	simm.s32 @!p2 $0x0  }
0x1d: {  	s5 =	simm.s32 @p1 $0x1;
	p0 =	seq.s32 s7, s2  }
0x1e: {  	s7 =	smul.u32 @!p0 $0xF7A, s2;
	p2 =	seq.s32 @!p0 s5, $0x0  }
0x1f: {  	s9 =	smul.u32 $0xF7A, s1;
	s8 =	simm.s32 @!p0 $0x1BF5;
	p2 =	por !p2, p0  }
0x20: {  	[sflag:s8] =	ssyncset.s32 @!p0 $0xFFFFF086;
	s6 =	sadd.s32 @!p0 s3, s7;
	s7 =	simm.s32 @!p0 $0x108  }
0x21: {  	s3 =	sadd.s32 s3, s9;
	s6 =	sadd.s32 @!p0 $0x88, s6;
	s7 =	simm.s32 @p2 $0x1082  }
0x22: {  	[simem:s7], [sflag:s8] =	dma.local @!p0 [hbm:s6], $0xF7A  }
0x23: {  	s9 =	sor.u32 $0xD0000000, s2;
	s6 =	simm.s32 $0x108;
	_ =	swait.ge @!p0 [sflag:s8], $0x0  }
0x24: {  	s3 =	sadd.s32 $0x88, s3;
	s6 =	simm.s32 @!p1 $0x1082;
	[sflag:s4] =	ssyncset.s32 $0xFFFFF086  }
0x25: {  	[simem:s6], [sflag:s4] =	dma.local [hbm:s3], $0xF7A  }
0x26: {  	[smem:$0x3F8B] =	sst s1;
	(tag) =	ssettag s2;
	_ =	strace s9  }
0x27: {  	s1 =	sld [smem:$0x3F9B]  }
0x28: {  	s2 =	sld [smem:$0x3F9C]  }
0x29: {  	s4 =	sld [smem:$0x3F9E]  }
0x2a: {  	p0 =	seq.s32 s5, $0x0;
	s5 =	sld [smem:$0x3F9F]  }
0x2b: {  	s6 =	sld [smem:$0x3FA0]  }
0x2c: {  	s7 =	sld [smem:$0x3FA1]  }
0x2d: {  	s3 =	simm.s32 $0x108;
	s8 =	sld [smem:$0x3FA2]  }
0x2e: {  	s3 =	simm.s32 @!p0 $0x1082;
	s9 =	sld [smem:$0x3FA3]  }
0x2f: {  	lr =	sadd.s32 s0, s3;
	s0 =	sld [smem:$0x3F9A]  }
0x30: {  	s3 =	sld [smem:$0x3F9D]  }
0x31: {  	[smem:$0x3FA6] =	sst s10  }
0x32: {  	s10 =	sld [smem:$0x3FA4];
	_ =	sdelay $0x3  }
0x33: {  	p0 =	seq.s32 s10, $0x1;
	s10 =	sld [smem:$0x3FA6];
	_ =	sdelay $0x3  }
0x34: {  	[smem:$0x3FA6] =	sst s10  }
0x35: {  	s10 =	sld [smem:$0x3FA5];
	_ =	sdelay $0x3  }
0x36: {  	p1 =	seq.s32 s10, $0x1;
	s10 =	sld [smem:$0x3FA6];
	_ =	sdelay $0x3  }
0x37: {  	[smem:$0x3FA6] =	sst s10  }
0x38: {  	s10 =	sld [smem:$0x3FA7]  }
0x39: {  	_ = 	snop;
	(pc) =	sbr.ind lr, $3  }
0x3a: {  	_ = 	snop  }
0x3b: {  	_ = 	snop  }
0x3c: {  	p2 =	seq.s32 s10, $0x1;
	s10 =	sld [smem:$0x3FA6]  }
0x3d: {  	_ =	shalt  }
0x3e: {  	_ =	shalt  }
0x3f: {  	_ =	shalt  }
0x40: {  	_ =	shalt  }
0x41: {  	_ =	shalt  }
0x42: {  	_ =	shalt  }
0x43: {  	_ =	shalt  }
0x44: {  	_ =	shalt  }
0x45: {  	_ =	shalt  }
0x46: {  	_ =	shalt  }
0x47: {  	_ =	shalt  }
0x48: {  	_ =	shalt  }
0x49: {  	_ =	shalt  }
0x4a: {  	_ =	shalt  }
0x4b: {  	_ =	shalt  }
0x4c: {  	_ =	shalt  }
0x4d: {  	_ =	shalt  }
0x4e: {  	_ =	shalt  }
0x4f: {  	_ =	shalt  }
0x50: {  	_ =	shalt  }
0x51: {  	_ =	shalt  }
0x52: {  	_ =	shalt  }
0x53: {  	_ =	shalt  }
0x54: {  	_ =	shalt  }
0x55: {  	_ =	shalt  }
0x56: {  	_ =	shalt  }
0x57: {  	_ =	shalt  }
0x58: {  	_ =	shalt  }
0x59: {  	_ =	shalt  }
0x5a: {  	_ =	shalt  }
0x5b: {  	_ =	shalt  }
0x5c: {  	_ =	shalt  }
0x5d: {  	_ =	shalt  }
0x5e: {  	_ =	shalt  }
0x5f: {  	_ =	shalt  }
0x60: {  	_ =	shalt  }
0x61: {  	_ =	shalt  }
0x62: {  	_ =	shalt  }
0x63: {  	_ =	shalt  }
0x64: {  	_ =	shalt  }
0x65: {  	_ =	shalt  }
0x66: {  	_ =	shalt  }
0x67: {  	_ =	shalt  }
0x68: {  	_ =	shalt  }
0x69: {  	_ =	shalt  }
0x6a: {  	_ =	shalt  }
0x6b: {  	_ =	shalt  }
0x6c: {  	_ =	shalt  }
0x6d: {  	_ =	shalt  }
0x6e: {  	_ =	shalt  }
0x6f: {  	_ =	shalt  }
0x70: {  	_ =	shalt  }
0x71: {  	_ =	shalt  }
0x72: {  	_ =	shalt  }
0x73: {  	_ =	shalt  }
0x74: {  	_ =	shalt  }
0x75: {  	_ =	shalt  }
0x76: {  	_ =	shalt  }
0x77: {  	_ =	shalt  }
0x78: {  	_ =	shalt  }
0x79: {  	_ =	shalt  }
0x7a: {  	_ =	shalt  }
0x7b: {  	_ =	shalt  }
0x7c: {  	_ =	shalt  }
0x7d: {  	_ =	shalt  }
0x7e: {  	_ =	shalt  }
0x7f: {  	_ =	shalt  }
0x80: {  	_ =	shalt  }
0x81: {  	_ =	shalt  }
0x82: {  	_ =	shalt  }
0x83: {  	_ =	shalt  }
0x84: {  	_ =	shalt  }
0x85: {  	_ =	shalt  }
0x86: {  	_ =	shalt  }
0x87: {  	_ =	shalt  }
.Lfunc_end0:
.L_simem_size_0:
called_computation_lowered:
.L_overlay_start_0:
0x88: {  	s2 =	sld [smem:$0x3FD9]  }
0x89: {  	s3 =	sld [smem:$0x3FFE];
	_ =	sdelay $0x1  }
0x8a: {  	s1 =	srdreg.scid  }
0x8b: {  	s0 =	sand.u32 $0x1, s1  }
0x8c: {  	s16 =	sshll.u32 s0, $0xA;
	s2 =	sadd.s32 s3, s2  }
0x8d: {  	s2 =	sadd.s32 s2, s16  }
0x8e: {  	[smem:$0x3FB2] =	sst s2  }
0x8f: {  	_ = 	snop  }
0x90: {  	(tm) =	ssettm $0x1  }
0x91: {  	s17 =	sld [smem:$0x3FFB];
	_ =	sdelay $0x3  }
0x92: {  	_ =	strace s17  }
0x93: {  	s2 =	sld [smem:$0x3FFC];
	_ =	sdelay $0x3  }
0x94: {  	_ =	strace s2  }
0x95: {  	s2 =	sld [smem:$0x3FFD];
	_ =	sdelay $0x3  }
0x96: {  	_ =	strace s2  }
0x97: {  	_ =	strace $0x8FFFFFFF  }
0x98: {  	s18 =	sld [smem:$0x3FDB];
	_ =	sdelay $0x1  }
0x99: {  	s19 =	simm.s32 $_scs_section_size  }
0x9a: {  	s4 =	simm.s32 $_size__tile_overlayer_lowered;
	s5 =	simm.s32 $_tile_overlayer_lowered  }
0x9b: {  	s22 =	simm.s32 $0x1BFF;
	s21 =	sshll.u32 s5, $0x1;
	s2 =	sadd.s32 s19, s18  }
0x9c: {  	s6 =	simm.s32 $0x0;
	s20 =	sshll.u32 s4, $0x1;
	s4 =	sadd.s32 s21, s2  }
0x9d: {  	[timem:s6], [sflag:s22] =	dma.local [hbm:s4], s20  }
0x9e: {  	_ =	swait.ge [sflag:s22], s20  }
0x9f: {  	s3 =	ssub.s32 $0x0, s20;
	[sflag:s22] =	ssyncset.done $0x0  }
0xa0: {  	[sflag:s22] =	ssyncadd.s32 s3;
	_ =	sdelay $0x1  }
0xa1: {  	s23 =	simm.s32 $0x1B8B  }
0xa2: {  	_ =	swait.ge [sflag:s23], $0x1  }
0xa3: {  	[sflag:s23] =	ssyncset.done $0x0  }
0xa4: {  	s25 =	simm.s32 $0x1B8E;
	s24 =	sld [smem:$0x3FFE];
	[sflag:s23] =	ssyncadd.s32 $0xFFFFFFFF  }
0xa5: {  	s26 =	simm.s32 $execute0_lowered;
	[smem:$0x3FD2] =	sst s25  }
0xa6: {  	s4 =	sshll.u32 s26, $0x1;
	_ =	strace $0x80000046;
	[dreg:$0x1] =	wrdreg $0xFFFFFFFF  }
0xa7: {  	s28 =	simm.s32 $_size_execute0_lowered;
	s2 =	sadd.s32 s2, s4;
	[dreg:$0x0] =	wrdreg $0x0  }
0xa8: {  	s4 =	sshll.u32 s28, $0x1;
	[dreg:$0x2] =	wrdreg s2  }
0xa9: {  	[dreg:$0x3] =	wrdreg s4  }
0xaa: {  	[dreg:$0x4] =	wrdreg $0xC0  }
0xab: {  	_ =	task [dreg:s6], $0x5FFFF  }
0xac: {  	[dreg:$0x1] =	wrdreg $0xFFFFFFFF  }
0xad: {  	[dreg:$0x0] =	wrdreg $0x60  }
0xae: {  	[dreg:$0x2] =	wrdreg s24  }
0xaf: {  	[dreg:$0x3] =	wrdreg $0x9  }
0xb0: {  	_ =	task.clear_ibuf [dreg:s6], $0x4FFFF;
	_ =	strace $0x90000046  }
0xb1: {  	s29 =	simm.s32 $0x9;
	_ =	strace $0x80000048  }
0xb2: {  	_ =	swait.ge [sflag:s29], $0x1  }
0xb3: {  	[sflag:s29] =	ssyncadd.s32 $0xFFFFFFFF  }
0xb4: {  	_ =	strace $0x90000048  }
0xb5: {  	_ =	sfence  }
0xb6: {  	s30 =	sld [smem:$0x0];
	_ =	sdelay $0x2  }
0xb7: {  	s31 =	sshll.u32 s1, $0xD;
	s1 =	sshrl.u32 s1, $0x2  }
0xb8: {  	s3 =	sand.u32 $0x4000, s31;
	s1 =	sadd.s32 s1, s30  }
0xb9: {  	s0 =	sor.u32 s3, s0;
	s1 =	sshll.u32 s1, $0x11  }
0xba: {  	s0 =	sor.u32 s1, s0  }
0xbb: {  	s0 =	sadd.s32 $0x8F2B, s0  }
0xbc: {  	[sflag:s0] =	ssyncadd.remote.s32 $0x1  }
0xbd: {  	_ =	sfence.sel $0xFFFF  }
0xbe: {  	[dreg:$0x0] =	wrdreg $0xFFFFFFFF;
	(pc) =	sbr.abs _section_cstart, $3  }
0xbf: {  	[dreg:$0x1] =	wrdreg $0xFFFFFFFF  }
0xc0: {  	_ =	task.clear_ibuf [dreg:s6], $0x2FFFF;
	_ =	strace $0x9FFFFFFF  }
0xc1: {  	(tm) =	ssettm $0x7FFFFFFF  }
tec
execute0_lowered:
.L_overlay_start_1:
0x0: {  	(tag) =	ssettag $0x1  }
0x1: {  	s0 =	srdreg.scid  }
0x2: {  	s2 =	stileid.u32;
	s4 =	rddreg [dreg:$0x0]  }
0x3: {  	s10 =	simm.s32 $0xA00;
	s18 =	simm.s32 $0xCA00;
	s11 =	simm.s32 $0x13200  }
0x4: {  	s12 =	simm.s32 $0x13600;
	s13 =	simm.s32 $0x13E00;
	s14 =	simm.s32 $0x14200  }
0x5: {  	s15 =	simm.s32 $0x14A00;
	s16 =	simm.s32 $0x14E00;
	s17 =	simm.s32 $0x15600  }
0x6: {  	s19 =	simm.s32 $0x15A00;
	s20 =	simm.s32 $0x16200;
	s21 =	simm.s32 $0x16600  }
0x7: {  	s22 =	simm.s32 $0x16E00;
	s23 =	simm.s32 $0x17200;
	s24 =	simm.s32 $0x17A00  }
0x8: {  	s25 =	simm.s32 $0x17E00;
	s26 =	simm.s32 $0x18600;
	s28 =	simm.s32 $0x1  }
0x9: {  	s29 =	simm.s32 $0x4;
	s30 =	simm.s32 $0x2;
	s0 =	sand.u32 $0x1, s0  }
0xa: {  	s1 =	sshll.u32 s2, $0x1;
	s3 =	smul.u32 $0x1400, s2;
	s2 =	simm.s32 $0x0  }
0xb: {  	s8 =	sadd.s32 $0xA7C00, s4;
	s1 =	sor.u32 s0, s1;
	s5 =	smul.u32 $0xA00, s0  }
0xc: {  	[smem:$0x7FF] =	sst s2;
	s0 =	ssub.s32 $0x2, s0;
	s1 =	smul.u32 $0xA00, s1  }
0xd: {  	_ =	strace $0x80000047;
	s7 =	sshrl.u32 s0, $0x1;
	s5 =	sadd.s32 s5, s3  }
0xe: {  	s3 =	sadd.s32 $0x7C00, s4;
	s6 =	sor.u32 $0x80, s5;
	s5 =	sshrl.u32 s5, $0x3  }
0xf: {  	s0 =	ssub.s32 s0, s7;
	s1 =	sshrl.u32 s1, $0x3;
	s9 =	smul.u32 $0x180, s5  }
.Ltmp0:
0x10: {  	s0 =	smax.u32 s0, $0x1;
	s6 =	sshrl.u32 s6, $0x3;
	(pc) =	sbr.rel .LBB2_1-.Ltmp0, $4  }
0x11: {  	s1 =	sadd.s32 s1, s4;
	s5 =	sadd.s32 $0x7D00, s4;
	s6 =	smul.u32 $0x180, s6  }
0x12: {  	v2 =	vlaneseq.u32;
	[dreg:$0x3] =	wrdreg s0;
	s4 =	simm.s32 $0x12600;
	s1 =	sadd.s32 $0x5400, s1  }
0x13: {  	vm0 =	vmmov $0xffff;
	vm1 =	vmmov $0xff;
	v1 =	vshrl.u32 v2, $0x3;
	[dreg:$0x2] =	wrdreg s1;
	s1 =	simm.s32 $0x0;
	s7 =	sadd.s32 s6, s8  }
0x14: {  	v0 =	vand.u32 $0x7, v2;
	v2 =	vor.u32 $0x8, v2;
	v1 =	vmul.u32 $0x8, v1;
	s8 =	sadd.s32 s9, s8;
	s9 =	simm.s32 $0x3;
	s6 =	simm.s32 $0x12A00  }
.LBB2_5:
0x15: {  	s1 =	rddreg [dreg:$0x4]  }
0x16: {  	s0 =	rddreg [dreg:$0x3];
	s1 =	sadd.s32 $0x1, s1  }
0x17: {  	p0 =	sne.s32 s1, s0  }
.Ltmp1:
0x18: {  	_ = 	snop;
	(pc) =	sbr.rel @!p0 .LBB2_6-.Ltmp1, $1  }
0x19: {  	_ =	sdelay $0x3  }
.LBB2_1:
0x1a: {  	[dreg:$0x4] =	wrdreg s1  }
0x1b: {  	s0 =	rddreg [dreg:$0x2]  }
0x1c: {  	[tilespmem:s2], [sflag:$0x3] =	stream.linear.gather [hbm4b:s0+s2], $0xA00, $0x38;
	[tilespmem:$0x18A00] =	vst v63  }
0x1d: {  	_ =	swait.ge [sflag:s9], $0xA00  }
0x1e: {  	[sflag:s9] =	ssyncset.done $0x0  }
0x1f: {  	[sflag:s9] =	ssyncadd.s32 $0xFFFFF600  }
0x20: {  	v3 =	vld [tilespmem:$0x0];
	_ =	sdelay $0x4  }
0x21: {  	v4 =	vshrl.u32 v3, $0x3  }
0x22: {  	v4 =	vmul.u32 $0x18, v4  }
0x23: {  	v3 =	vand.u32 $0x7, v3  }
0x24: {  	v3 =	vor.u32 v3, v4  }
0x25: {  	v4 =	vperm.xlane v3, v0;
	_ =	sdelay $0x1  }
0x26: {  	v4 =	vadd.s32 v1, v4;
	_ =	sdelay $0x1  }
0x27: {  	v3 =	vperm.xlane v3, v2;
	_ =	sdelay $0x1  }
0x28: {  	v3 =	vadd.s32 v1, v3  }
0x29: {  	[tilespmem:s10], [sflag:$0x1] =	stream.indirect_vreg.gather [hbm4b:s3+s2], $0x80, v4, vm0, $0xb8;
	[tilespmem:$0x18A00] =	vst v63  }
0x2a: {  	s1 =	simm.s32 $0x1200  }
0x2b: {  	[tilespmem:s1], [sflag:$0x1] =	stream.indirect_vreg.gather [hbm4b:s5+s2], $0x80, v4, vm1, $0xb8;
	[tilespmem:$0x18A00] =	vst v63  }
0x2c: {  	s1 =	simm.s32 $0x1600  }
0x2d: {  	[tilespmem:s1], [sflag:$0x1] =	stream.indirect_vreg.gather [hbm4b:s3+s2], $0x80, v3, vm0, $0xb8;
	[tilespmem:$0x18A00] =	vst v63  }
0x2e: {  	s1 =	simm.s32 $0x1E00  }
0x2f: {  	[tilespmem:s1], [sflag:$0x1] =	stream.indirect_vreg.gather [hbm4b:s5+s2], $0x80, v3, vm1, $0xb8;
	[tilespmem:$0x18A00] =	vst v63  }
0x30: {  	v3 =	vld [tilespmem:$0x10];
	_ =	sdelay $0x4  }
0x31: {  	v57 =	vshrl.u32 v3, $0x3  }
0x32: {  	v4 =	vmul.u32 $0x18, v57  }
0x33: {  	v3 =	vand.u32 $0x7, v3  }
0x34: {  	v3 =	vor.u32 v3, v4  }
0x35: {  	v4 =	vperm.xlane v3, v0;
	_ =	sdelay $0x1  }
0x36: {  	v4 =	vadd.s32 v1, v4;
	_ =	sdelay $0x1  }
0x37: {  	v3 =	vperm.xlane v3, v2;
	_ =	sdelay $0x1  }
0x38: {  	s1 =	simm.s32 $0x2200;
	v3 =	vadd.s32 v1, v3  }
0x39: {  	[tilespmem:s1], [sflag:$0x1] =	stream.indirect_vreg.gather [hbm4b:s3+s2], $0x80, v4, vm0, $0xb8;
	[tilespmem:$0x18A00] =	vst v63  }
0x3a: {  	s1 =	simm.s32 $0x2A00  }
0x3b: {  	[tilespmem:s1], [sflag:$0x1] =	stream.indirect_vreg.gather [hbm4b:s5+s2], $0x80, v4, vm1, $0xb8;
	[tilespmem:$0x18A00] =	vst v63  }
0x3c: {  	s1 =	simm.s32 $0x2E00  }
0x3d: {  	[tilespmem:s1], [sflag:$0x1] =	stream.indirect_vreg.gather [hbm4b:s3+s2], $0x80, v3, vm0, $0xb8;
	[tilespmem:$0x18A00] =	vst v63  }
0x3e: {  	s1 =	simm.s32 $0x3600  }
0x3f: {  	[tilespmem:s1], [sflag:$0x1] =	stream.indirect_vreg.gather [hbm4b:s5+s2], $0x80, v3, vm1, $0xb8;
	[tilespmem:$0x18A00] =	vst v63  }
0x40: {  	v3 =	vld [tilespmem:$0x20];
	_ =	sdelay $0x4  }
0x41: {  	v58 =	vshrl.u32 v3, $0x3  }
0x42: {  	v4 =	vmul.u32 $0x18, v58  }
0x43: {  	v3 =	vand.u32 $0x7, v3  }
0x44: {  	v3 =	vor.u32 v3, v4  }
0x45: {  	v4 =	vperm.xlane v3, v0;
	_ =	sdelay $0x1  }
0x46: {  	v4 =	vadd.s32 v1, v4;
	_ =	sdelay $0x1  }
0x47: {  	v3 =	vperm.xlane v3, v2;
	_ =	sdelay $0x1  }
0x48: {  	s1 =	simm.s32 $0x3A00;
	v3 =	vadd.s32 v1, v3  }
0x49: {  	[tilespmem:s1], [sflag:$0x1] =	stream.indirect_vreg.gather [hbm4b:s3+s2], $0x80, v4, vm0, $0xb8;
	[tilespmem:$0x18A00] =	vst v63  }
0x4a: {  	s1 =	simm.s32 $0x4200  }
0x4b: {  	[tilespmem:s1], [sflag:$0x1] =	stream.indirect_vreg.gather [hbm4b:s5+s2], $0x80, v4, vm1, $0xb8;
	[tilespmem:$0x18A00] =	vst v63  }
0x4c: {  	s1 =	simm.s32 $0x4600  }
0x4d: {  	[tilespmem:s1], [sflag:$0x1] =	stream.indirect_vreg.gather [hbm4b:s3+s2], $0x80, v3, vm0, $0xb8;
	[tilespmem:$0x18A00] =	vst v63  }
0x4e: {  	s1 =	simm.s32 $0x4E00  }
0x4f: {  	[tilespmem:s1], [sflag:$0x1] =	stream.indirect_vreg.gather [hbm4b:s5+s2], $0x80, v3, vm1, $0xb8;
	[tilespmem:$0x18A00] =	vst v63  }
0x50: {  	v3 =	vld [tilespmem:$0x30];
	_ =	sdelay $0x4  }
0x51: {  	v59 =	vshrl.u32 v3, $0x3  }
0x52: {  	v4 =	vmul.u32 $0x18, v59  }
0x53: {  	v3 =	vand.u32 $0x7, v3  }
0x54: {  	v3 =	vor.u32 v3, v4  }
0x55: {  	v4 =	vperm.xlane v3, v0;
	_ =	sdelay $0x1  }
0x56: {  	v4 =	vadd.s32 v1, v4;
	_ =	sdelay $0x1  }
0x57: {  	v3 =	vperm.xlane v3, v2;
	_ =	sdelay $0x1  }
0x58: {  	s1 =	simm.s32 $0x5200;
	v3 =	vadd.s32 v1, v3  }
0x59: {  	[tilespmem:s1], [sflag:$0x1] =	stream.indirect_vreg.gather [hbm4b:s3+s2], $0x80, v4, vm0, $0xb8;
	[tilespmem:$0x18A00] =	vst v63  }
0x5a: {  	s1 =	simm.s32 $0x5A00  }
0x5b: {  	[tilespmem:s1], [sflag:$0x1] =	stream.indirect_vreg.gather [hbm4b:s5+s2], $0x80, v4, vm1, $0xb8;
	[tilespmem:$0x18A00] =	vst v63  }
0x5c: {  	s1 =	simm.s32 $0x5E00  }
0x5d: {  	[tilespmem:s1], [sflag:$0x1] =	stream.indirect_vreg.gather [hbm4b:s3+s2], $0x80, v3, vm0, $0xb8;
	[tilespmem:$0x18A00] =	vst v63  }
0x5e: {  	s1 =	simm.s32 $0x6600  }
0x5f: {  	[tilespmem:s1], [sflag:$0x1] =	stream.indirect_vreg.gather [hbm4b:s5+s2], $0x80, v3, vm1, $0xb8;
	[tilespmem:$0x18A00] =	vst v63  }
0x60: {  	v3 =	vld [tilespmem:$0x40];
	_ =	sdelay $0x4  }
0x61: {  	v60 =	vshrl.u32 v3, $0x3  }
0x62: {  	v4 =	vmul.u32 $0x18, v60  }
0x63: {  	v3 =	vand.u32 $0x7, v3  }
0x64: {  	v3 =	vor.u32 v3, v4  }
0x65: {  	v4 =	vperm.xlane v3, v0;
	_ =	sdelay $0x1  }
0x66: {  	v4 =	vadd.s32 v1, v4;
	_ =	sdelay $0x1  }
0x67: {  	v3 =	vperm.xlane v3, v2;
	_ =	sdelay $0x1  }
0x68: {  	s1 =	simm.s32 $0x6A00;
	v3 =	vadd.s32 v1, v3  }
0x69: {  	[tilespmem:s1], [sflag:$0x1] =	stream.indirect_vreg.gather [hbm4b:s3+s2], $0x80, v4, vm0, $0xb8;
	[tilespmem:$0x18A00] =	vst v63  }
0x6a: {  	s1 =	simm.s32 $0x7200  }
0x6b: {  	[tilespmem:s1], [sflag:$0x1] =	stream.indirect_vreg.gather [hbm4b:s5+s2], $0x80, v4, vm1, $0xb8;
	[tilespmem:$0x18A00] =	vst v63  }
0x6c: {  	s1 =	simm.s32 $0x7600  }
0x6d: {  	[tilespmem:s1], [sflag:$0x1] =	stream.indirect_vreg.gather [hbm4b:s3+s2], $0x80, v3, vm0, $0xb8;
	[tilespmem:$0x18A00] =	vst v63  }
0x6e: {  	s1 =	simm.s32 $0x7E00  }
0x6f: {  	[tilespmem:s1], [sflag:$0x1] =	stream.indirect_vreg.gather [hbm4b:s5+s2], $0x80, v3, vm1, $0xb8;
	[tilespmem:$0x18A00] =	vst v63  }
0x70: {  	v3 =	vld [tilespmem:$0x50];
	_ =	sdelay $0x4  }
0x71: {  	v61 =	vshrl.u32 v3, $0x3  }
0x72: {  	v4 =	vmul.u32 $0x18, v61  }
0x73: {  	v3 =	vand.u32 $0x7, v3  }
0x74: {  	v3 =	vor.u32 v3, v4  }
0x75: {  	v4 =	vperm.xlane v3, v0;
	_ =	sdelay $0x1  }
0x76: {  	v4 =	vadd.s32 v1, v4;
	_ =	sdelay $0x1  }
0x77: {  	v3 =	vperm.xlane v3, v2;
	_ =	sdelay $0x1  }
0x78: {  	s1 =	simm.s32 $0x8200;
	v3 =	vadd.s32 v1, v3  }
0x79: {  	[tilespmem:s1], [sflag:$0x1] =	stream.indirect_vreg.gather [hbm4b:s3+s2], $0x80, v4, vm0, $0xb8;
	[tilespmem:$0x18A00] =	vst v63  }
0x7a: {  	s1 =	simm.s32 $0x8A00  }
0x7b: {  	[tilespmem:s1], [sflag:$0x1] =	stream.indirect_vreg.gather [hbm4b:s5+s2], $0x80, v4, vm1, $0xb8;
	[tilespmem:$0x18A00] =	vst v63  }
0x7c: {  	s1 =	simm.s32 $0x8E00  }
0x7d: {  	[tilespmem:s1], [sflag:$0x1] =	stream.indirect_vreg.gather [hbm4b:s3+s2], $0x80, v3, vm0, $0xb8;
	[tilespmem:$0x18A00] =	vst v63  }
0x7e: {  	s1 =	simm.s32 $0x9600  }
0x7f: {  	[tilespmem:s1], [sflag:$0x1] =	stream.indirect_vreg.gather [hbm4b:s5+s2], $0x80, v3, vm1, $0xb8;
	[tilespmem:$0x18A00] =	vst v63  }
0x80: {  	v3 =	vld [tilespmem:$0x60];
	_ =	sdelay $0x4  }
0x81: {  	v62 =	vshrl.u32 v3, $0x3  }
0x82: {  	v4 =	vmul.u32 $0x18, v62  }
0x83: {  	v3 =	vand.u32 $0x7, v3  }
0x84: {  	v3 =	vor.u32 v3, v4  }
0x85: {  	v4 =	vperm.xlane v3, v0;
	_ =	sdelay $0x1  }
0x86: {  	v4 =	vadd.s32 v1, v4;
	_ =	sdelay $0x1  }
0x87: {  	v3 =	vperm.xlane v3, v2;
	_ =	sdelay $0x1  }
0x88: {  	s1 =	simm.s32 $0x9A00;
	v3 =	vadd.s32 v1, v3  }
0x89: {  	[tilespmem:s1], [sflag:$0x1] =	stream.indirect_vreg.gather [hbm4b:s3+s2], $0x80, v4, vm0, $0xb8;
	[tilespmem:$0x18A00] =	vst v63  }
0x8a: {  	s1 =	simm.s32 $0xA200  }
0x8b: {  	[tilespmem:s1], [sflag:$0x1] =	stream.indirect_vreg.gather [hbm4b:s5+s2], $0x80, v4, vm1, $0xb8;
	[tilespmem:$0x18A00] =	vst v63  }
0x8c: {  	s1 =	simm.s32 $0xA600  }
0x8d: {  	[tilespmem:s1], [sflag:$0x1] =	stream.indirect_vreg.gather [hbm4b:s3+s2], $0x80, v3, vm0, $0xb8;
	[tilespmem:$0x18A00] =	vst v63  }
0x8e: {  	s1 =	simm.s32 $0xAE00  }
0x8f: {  	[tilespmem:s1], [sflag:$0x1] =	stream.indirect_vreg.gather [hbm4b:s5+s2], $0x80, v3, vm1, $0xb8;
	[tilespmem:$0x18A00] =	vst v63  }
0x90: {  	v3 =	vld [tilespmem:$0x70];
	_ =	sdelay $0x4  }
0x91: {  	v63 =	vshrl.u32 v3, $0x3  }
0x92: {  	v4 =	vmul.u32 $0x18, v63  }
0x93: {  	v3 =	vand.u32 $0x7, v3  }
0x94: {  	v3 =	vor.u32 v3, v4  }
0x95: {  	v4 =	vperm.xlane v3, v0;
	_ =	sdelay $0x1  }
0x96: {  	v4 =	vadd.s32 v1, v4;
	_ =	sdelay $0x1  }
0x97: {  	v3 =	vperm.xlane v3, v2;
	_ =	sdelay $0x1  }
0x98: {  	s1 =	simm.s32 $0xB200;
	v3 =	vadd.s32 v1, v3  }
0x99: {  	[tilespmem:s1], [sflag:$0x1] =	stream.indirect_vreg.gather [hbm4b:s3+s2], $0x80, v4, vm0, $0xb8;
	[tilespmem:$0x18A00] =	vst v63  }
0x9a: {  	s1 =	simm.s32 $0xBA00  }
0x9b: {  	[tilespmem:s1], [sflag:$0x1] =	stream.indirect_vreg.gather [hbm4b:s5+s2], $0x80, v4, vm1, $0xb8;
	[tilespmem:$0x18A00] =	vst v63  }
.Ltmp2:
0x9c: {  	s1 =	simm.s32 $0xBE00;
	(pc) =	sbr.rel .LBB2_2-.Ltmp2, $4  }
0x9d: {  	[tilespmem:s1], [sflag:$0x1] =	stream.indirect_vreg.gather [hbm4b:s3+s2], $0x80, v3, vm0, $0xb8;
	[tilespmem:$0x18A00] =	vst v63  }
0x9e: {  	s1 =	simm.s32 $0xC600  }
0x9f: {  	[tilespmem:s1], [sflag:$0x1] =	stream.indirect_vreg.gather [hbm4b:s5+s2], $0x80, v3, vm1, $0xb8;
	[tilespmem:$0x18A00] =	vst v63  }
0xa0: {  	s31 =	simm.s32 $0xC0;
	s1 =	simm.s32 $0x0  }
.LBB2_4:
0xa1: {  	_ =	swait.ge [sflag:s30], $0xC000;
	s0 =	sadd.s32 s1, s7;
	s1 =	sadd.s32 $0x3000, s1  }
0xa2: {  	[sflag:s30] =	ssyncset.done $0x0;
	p0 =	sne.s32 s1, $0x1E000  }
.Ltmp3:
0xa3: {  	[sflag:s30] =	ssyncadd.s32 $0xFFFF4000;
	(pc) =	sbr.rel @!p0 .LBB2_5-.Ltmp3, $4  }
0xa4: {  	[hbm4b:s0+s2] =	stream.linear.scatter [tilespmem:s18], [sflag:$0x3], $0xC000, $0x38;
	[tilespmem:$0x18A00] =	vst v63  }
0xa5: {  	_ =	swait.ge [sflag:s9], $0xC000  }
0xa6: {  	[sflag:s9] =	ssyncset.done $0x0  }
0xa7: {  	s31 =	sadd.s32 $0x100, s31;
	[sflag:s9] =	ssyncadd.s32 $0xFFFF4000  }
.LBB2_2:
0xa8: {  	v3 =	vld [tilespmem:s31+$0xFFFFFFC0];
	_ =	sdelay $0x4  }
0xa9: {  	v4 =	vshrl.u32 v3, $0x3  }
0xaa: {  	v4 =	vmul.u32 $0x18, v4  }
0xab: {  	v3 =	vand.u32 $0x7, v3  }
0xac: {  	v3 =	vor.u32 v3, v4  }
0xad: {  	v4 =	vperm.xlane v3, v0;
	_ =	sdelay $0x1  }
0xae: {  	v4 =	vadd.s32 v1, v4;
	_ =	sdelay $0x1  }
0xaf: {  	v3 =	vperm.xlane v3, v2;
	_ =	sdelay $0x1  }
0xb0: {  	v3 =	vadd.s32 v1, v3  }
0xb1: {  	[tilespmem:s18], [sflag:$0x2] =	stream.indirect_vreg.gather [hbm4b:s3+s2], $0x80, v4, vm0, $0xb8;
	[tilespmem:$0x18A00] =	vst v63  }
0xb2: {  	s0 =	simm.s32 $0xD200  }
0xb3: {  	[tilespmem:s0], [sflag:$0x2] =	stream.indirect_vreg.gather [hbm4b:s5+s2], $0x80, v4, vm1, $0xb8;
	[tilespmem:$0x18A00] =	vst v63  }
0xb4: {  	s0 =	simm.s32 $0xD600  }
0xb5: {  	[tilespmem:s0], [sflag:$0x2] =	stream.indirect_vreg.gather [hbm4b:s3+s2], $0x80, v3, vm0, $0xb8;
	[tilespmem:$0x18A00] =	vst v63  }
0xb6: {  	s0 =	simm.s32 $0xDE00  }
0xb7: {  	[tilespmem:s0], [sflag:$0x2] =	stream.indirect_vreg.gather [hbm4b:s5+s2], $0x80, v3, vm1, $0xb8;
	[tilespmem:$0x18A00] =	vst v63  }
0xb8: {  	v3 =	vld [tilespmem:s31+$0xFFFFFFD0];
	_ =	sdelay $0x4  }
0xb9: {  	v57 =	vshrl.u32 v3, $0x3  }
0xba: {  	v4 =	vmul.u32 $0x18, v57  }
0xbb: {  	v3 =	vand.u32 $0x7, v3  }
0xbc: {  	v3 =	vor.u32 v3, v4  }
0xbd: {  	v4 =	vperm.xlane v3, v0;
	_ =	sdelay $0x1  }
0xbe: {  	v4 =	vadd.s32 v1, v4;
	_ =	sdelay $0x1  }
0xbf: {  	v3 =	vperm.xlane v3, v2;
	_ =	sdelay $0x1  }
0xc0: {  	s0 =	simm.s32 $0xE200;
	v3 =	vadd.s32 v1, v3  }
0xc1: {  	[tilespmem:s0], [sflag:$0x2] =	stream.indirect_vreg.gather [hbm4b:s3+s2], $0x80, v4, vm0, $0xb8;
	[tilespmem:$0x18A00] =	vst v63  }
0xc2: {  	s0 =	simm.s32 $0xEA00  }
0xc3: {  	[tilespmem:s0], [sflag:$0x2] =	stream.indirect_vreg.gather [hbm4b:s5+s2], $0x80, v4, vm1, $0xb8;
	[tilespmem:$0x18A00] =	vst v63  }
0xc4: {  	s0 =	simm.s32 $0xEE00  }
0xc5: {  	[tilespmem:s0], [sflag:$0x2] =	stream.indirect_vreg.gather [hbm4b:s3+s2], $0x80, v3, vm0, $0xb8;
	[tilespmem:$0x18A00] =	vst v63  }
0xc6: {  	s0 =	simm.s32 $0xF600  }
0xc7: {  	[tilespmem:s0], [sflag:$0x2] =	stream.indirect_vreg.gather [hbm4b:s5+s2], $0x80, v3, vm1, $0xb8;
	[tilespmem:$0x18A00] =	vst v63  }
0xc8: {  	v3 =	vld [tilespmem:s31+$0xFFFFFFE0];
	_ =	sdelay $0x4  }
0xc9: {  	v58 =	vshrl.u32 v3, $0x3  }
0xca: {  	v4 =	vmul.u32 $0x18, v58  }
0xcb: {  	v3 =	vand.u32 $0x7, v3  }
0xcc: {  	v3 =	vor.u32 v3, v4  }
0xcd: {  	v4 =	vperm.xlane v3, v0;
	_ =	sdelay $0x1  }
0xce: {  	v4 =	vadd.s32 v1, v4;
	_ =	sdelay $0x1  }
0xcf: {  	v3 =	vperm.xlane v3, v2;
	_ =	sdelay $0x1  }
0xd0: {  	s0 =	simm.s32 $0xFA00;
	v3 =	vadd.s32 v1, v3  }
0xd1: {  	[tilespmem:s0], [sflag:$0x2] =	stream.indirect_vreg.gather [hbm4b:s3+s2], $0x80, v4, vm0, $0xb8;
	[tilespmem:$0x18A00] =	vst v63  }
0xd2: {  	s0 =	simm.s32 $0x10200  }
0xd3: {  	[tilespmem:s0], [sflag:$0x2] =	stream.indirect_vreg.gather [hbm4b:s5+s2], $0x80, v4, vm1, $0xb8;
	[tilespmem:$0x18A00] =	vst v63  }
0xd4: {  	s0 =	simm.s32 $0x10600  }
0xd5: {  	[tilespmem:s0], [sflag:$0x2] =	stream.indirect_vreg.gather [hbm4b:s3+s2], $0x80, v3, vm0, $0xb8;
	[tilespmem:$0x18A00] =	vst v63  }
0xd6: {  	s0 =	simm.s32 $0x10E00  }
0xd7: {  	[tilespmem:s0], [sflag:$0x2] =	stream.indirect_vreg.gather [hbm4b:s5+s2], $0x80, v3, vm1, $0xb8;
	[tilespmem:$0x18A00] =	vst v63  }
0xd8: {  	v3 =	vld [tilespmem:s31+$0xFFFFFFF0];
	_ =	sdelay $0x4  }
0xd9: {  	v59 =	vshrl.u32 v3, $0x3  }
0xda: {  	v4 =	vmul.u32 $0x18, v59  }
0xdb: {  	v3 =	vand.u32 $0x7, v3  }
0xdc: {  	v3 =	vor.u32 v3, v4  }
0xdd: {  	v4 =	vperm.xlane v3, v0;
	_ =	sdelay $0x1  }
0xde: {  	v4 =	vadd.s32 v1, v4;
	_ =	sdelay $0x1  }
0xdf: {  	v3 =	vperm.xlane v3, v2;
	_ =	sdelay $0x1  }
0xe0: {  	s0 =	simm.s32 $0x11200;
	v3 =	vadd.s32 v1, v3  }
0xe1: {  	[tilespmem:s0], [sflag:$0x2] =	stream.indirect_vreg.gather [hbm4b:s3+s2], $0x80, v4, vm0, $0xb8;
	[tilespmem:$0x18A00] =	vst v63  }
0xe2: {  	s0 =	simm.s32 $0x11A00  }
0xe3: {  	[tilespmem:s0], [sflag:$0x2] =	stream.indirect_vreg.gather [hbm4b:s5+s2], $0x80, v4, vm1, $0xb8;
	[tilespmem:$0x18A00] =	vst v63  }
0xe4: {  	s0 =	simm.s32 $0x11E00  }
0xe5: {  	[tilespmem:s0], [sflag:$0x2] =	stream.indirect_vreg.gather [hbm4b:s3+s2], $0x80, v3, vm0, $0xb8;
	[tilespmem:$0x18A00] =	vst v63  }
0xe6: {  	_ = 	snop  }
0xe7: {  	[tilespmem:s4], [sflag:$0x2] =	stream.indirect_vreg.gather [hbm4b:s5+s2], $0x80, v3, vm1, $0xb8;
	[tilespmem:$0x18A00] =	vst v63  }
0xe8: {  	v3 =	vld [tilespmem:s31+$0x0];
	_ =	sdelay $0x4  }
0xe9: {  	v60 =	vshrl.u32 v3, $0x3  }
0xea: {  	v4 =	vmul.u32 $0x18, v60  }
0xeb: {  	v3 =	vand.u32 $0x7, v3  }
0xec: {  	v3 =	vor.u32 v3, v4  }
0xed: {  	v4 =	vperm.xlane v3, v0;
	_ =	sdelay $0x1  }
0xee: {  	v4 =	vadd.s32 v1, v4;
	_ =	sdelay $0x1  }
0xef: {  	v3 =	vperm.xlane v3, v2;
	_ =	sdelay $0x1  }
0xf0: {  	v3 =	vadd.s32 v1, v3  }
0xf1: {  	[tilespmem:s6], [sflag:$0x2] =	stream.indirect_vreg.gather [hbm4b:s3+s2], $0x80, v4, vm0, $0xb8;
	[tilespmem:$0x18A00] =	vst v63  }
0xf2: {  	_ = 	snop  }
0xf3: {  	[tilespmem:s11], [sflag:$0x2] =	stream.indirect_vreg.gather [hbm4b:s5+s2], $0x80, v4, vm1, $0xb8;
	[tilespmem:$0x18A00] =	vst v63  }
0xf4: {  	_ = 	snop  }
0xf5: {  	[tilespmem:s12], [sflag:$0x2] =	stream.indirect_vreg.gather [hbm4b:s3+s2], $0x80, v3, vm0, $0xb8;
	[tilespmem:$0x18A00] =	vst v63  }
0xf6: {  	_ = 	snop  }
0xf7: {  	[tilespmem:s13], [sflag:$0x2] =	stream.indirect_vreg.gather [hbm4b:s5+s2], $0x80, v3, vm1, $0xb8;
	[tilespmem:$0x18A00] =	vst v63  }
0xf8: {  	v3 =	vld [tilespmem:s31+$0x10];
	_ =	sdelay $0x4  }
0xf9: {  	v61 =	vshrl.u32 v3, $0x3  }
0xfa: {  	v4 =	vmul.u32 $0x18, v61  }
0xfb: {  	v3 =	vand.u32 $0x7, v3  }
0xfc: {  	v3 =	vor.u32 v3, v4  }
0xfd: {  	v4 =	vperm.xlane v3, v0;
	_ =	sdelay $0x1  }
0xfe: {  	v4 =	vadd.s32 v1, v4;
	_ =	sdelay $0x1  }
0xff: {  	v3 =	vperm.xlane v3, v2;
	_ =	sdelay $0x1  }
0x100: {  	v3 =	vadd.s32 v1, v3  }
0x101: {  	[tilespmem:s14], [sflag:$0x2] =	stream.indirect_vreg.gather [hbm4b:s3+s2], $0x80, v4, vm0, $0xb8;
	[tilespmem:$0x18A00] =	vst v63  }
0x102: {  	_ = 	snop  }
0x103: {  	[tilespmem:s15], [sflag:$0x2] =	stream.indirect_vreg.gather [hbm4b:s5+s2], $0x80, v4, vm1, $0xb8;
	[tilespmem:$0x18A00] =	vst v63  }
0x104: {  	_ = 	snop  }
0x105: {  	[tilespmem:s16], [sflag:$0x2] =	stream.indirect_vreg.gather [hbm4b:s3+s2], $0x80, v3, vm0, $0xb8;
	[tilespmem:$0x18A00] =	vst v63  }
0x106: {  	_ = 	snop  }
0x107: {  	[tilespmem:s17], [sflag:$0x2] =	stream.indirect_vreg.gather [hbm4b:s5+s2], $0x80, v3, vm1, $0xb8;
	[tilespmem:$0x18A00] =	vst v63  }
0x108: {  	v3 =	vld [tilespmem:s31+$0x20];
	_ =	sdelay $0x4  }
0x109: {  	v62 =	vshrl.u32 v3, $0x3  }
0x10a: {  	v4 =	vmul.u32 $0x18, v62  }
0x10b: {  	v3 =	vand.u32 $0x7, v3  }
0x10c: {  	v3 =	vor.u32 v3, v4  }
0x10d: {  	v4 =	vperm.xlane v3, v0;
	_ =	sdelay $0x1  }
0x10e: {  	v4 =	vadd.s32 v1, v4;
	_ =	sdelay $0x1  }
0x10f: {  	v3 =	vperm.xlane v3, v2;
	_ =	sdelay $0x1  }
0x110: {  	v3 =	vadd.s32 v1, v3  }
0x111: {  	[tilespmem:s19], [sflag:$0x2] =	stream.indirect_vreg.gather [hbm4b:s3+s2], $0x80, v4, vm0, $0xb8;
	[tilespmem:$0x18A00] =	vst v63  }
0x112: {  	_ = 	snop  }
0x113: {  	[tilespmem:s20], [sflag:$0x2] =	stream.indirect_vreg.gather [hbm4b:s5+s2], $0x80, v4, vm1, $0xb8;
	[tilespmem:$0x18A00] =	vst v63  }
0x114: {  	_ = 	snop  }
0x115: {  	[tilespmem:s21], [sflag:$0x2] =	stream.indirect_vreg.gather [hbm4b:s3+s2], $0x80, v3, vm0, $0xb8;
	[tilespmem:$0x18A00] =	vst v63  }
0x116: {  	_ = 	snop  }
0x117: {  	[tilespmem:s22], [sflag:$0x2] =	stream.indirect_vreg.gather [hbm4b:s5+s2], $0x80, v3, vm1, $0xb8;
	[tilespmem:$0x18A00] =	vst v63  }
0x118: {  	v3 =	vld [tilespmem:s31+$0x30];
	_ =	sdelay $0x4  }
0x119: {  	v63 =	vshrl.u32 v3, $0x3  }
0x11a: {  	v4 =	vmul.u32 $0x18, v63  }
0x11b: {  	v3 =	vand.u32 $0x7, v3  }
0x11c: {  	v3 =	vor.u32 v3, v4  }
0x11d: {  	v4 =	vperm.xlane v3, v0;
	_ =	sdelay $0x1  }
0x11e: {  	v4 =	vadd.s32 v1, v4;
	_ =	sdelay $0x1  }
0x11f: {  	v3 =	vperm.xlane v3, v2;
	_ =	sdelay $0x1  }
0x120: {  	v3 =	vadd.s32 v1, v3  }
0x121: {  	[tilespmem:s23], [sflag:$0x2] =	stream.indirect_vreg.gather [hbm4b:s3+s2], $0x80, v4, vm0, $0xb8;
	[tilespmem:$0x18A00] =	vst v63  }
0x122: {  	_ = 	snop  }
0x123: {  	[tilespmem:s24], [sflag:$0x2] =	stream.indirect_vreg.gather [hbm4b:s5+s2], $0x80, v4, vm1, $0xb8;
	[tilespmem:$0x18A00] =	vst v63  }
0x124: {  	_ = 	snop  }
0x125: {  	[tilespmem:s25], [sflag:$0x2] =	stream.indirect_vreg.gather [hbm4b:s3+s2], $0x80, v3, vm0, $0xb8;
	[tilespmem:$0x18A00] =	vst v63  }
0x126: {  	_ = 	snop  }
0x127: {  	[tilespmem:s26], [sflag:$0x2] =	stream.indirect_vreg.gather [hbm4b:s5+s2], $0x80, v3, vm1, $0xb8;
	[tilespmem:$0x18A00] =	vst v63  }
0x128: {  	_ =	swait.ge [sflag:s28], $0xC000  }
0x129: {  	p0 =	seq.s32 s1, $0x1B000;
	[sflag:s28] =	ssyncset.done $0x0  }
.Ltmp4:
0x12a: {  	s0 =	sadd.s32 s1, s8;
	[sflag:s28] =	ssyncadd.s32 $0xFFFF4000;
	(pc) =	sbr.rel @p0 .LBB2_4-.Ltmp4, $4  }
0x12b: {  	[hbm4b:s0+s2] =	stream.linear.scatter [tilespmem:s10], [sflag:$0x4], $0xC000, $0x38;
	[tilespmem:$0x18A00] =	vst v63  }
0x12c: {  	_ =	swait.ge [sflag:s29], $0xC000  }
0x12d: {  	[sflag:s29] =	ssyncset.done $0x0  }
0x12e: {  	[sflag:s29] =	ssyncadd.s32 $0xFFFF4000  }
0x12f: {  	v3 =	vld [tilespmem:s31+$0x40];
	_ =	sdelay $0x4  }
0x130: {  	v4 =	vshrl.u32 v3, $0x3  }
0x131: {  	v4 =	vmul.u32 $0x18, v4  }
0x132: {  	v3 =	vand.u32 $0x7, v3  }
0x133: {  	v3 =	vor.u32 v3, v4  }
0x134: {  	v4 =	vperm.xlane v3, v0;
	_ =	sdelay $0x1  }
0x135: {  	v4 =	vadd.s32 v1, v4;
	_ =	sdelay $0x1  }
0x136: {  	v3 =	vperm.xlane v3, v2;
	_ =	sdelay $0x1  }
0x137: {  	v3 =	vadd.s32 v1, v3  }
0x138: {  	[tilespmem:s10], [sflag:$0x1] =	stream.indirect_vreg.gather [hbm4b:s3+s2], $0x80, v4, vm0, $0xb8;
	[tilespmem:$0x18A00] =	vst v63  }
0x139: {  	s0 =	simm.s32 $0x1200  }
0x13a: {  	[tilespmem:s0], [sflag:$0x1] =	stream.indirect_vreg.gather [hbm4b:s5+s2], $0x80, v4, vm1, $0xb8;
	[tilespmem:$0x18A00] =	vst v63  }
0x13b: {  	s0 =	simm.s32 $0x1600  }
0x13c: {  	[tilespmem:s0], [sflag:$0x1] =	stream.indirect_vreg.gather [hbm4b:s3+s2], $0x80, v3, vm0, $0xb8;
	[tilespmem:$0x18A00] =	vst v63  }
0x13d: {  	s0 =	simm.s32 $0x1E00  }
0x13e: {  	[tilespmem:s0], [sflag:$0x1] =	stream.indirect_vreg.gather [hbm4b:s5+s2], $0x80, v3, vm1, $0xb8;
	[tilespmem:$0x18A00] =	vst v63  }
0x13f: {  	v3 =	vld [tilespmem:s31+$0x50];
	_ =	sdelay $0x4  }
0x140: {  	v57 =	vshrl.u32 v3, $0x3  }
0x141: {  	v4 =	vmul.u32 $0x18, v57  }
0x142: {  	v3 =	vand.u32 $0x7, v3  }
0x143: {  	v3 =	vor.u32 v3, v4  }
0x144: {  	v4 =	vperm.xlane v3, v0;
	_ =	sdelay $0x1  }
0x145: {  	v4 =	vadd.s32 v1, v4;
	_ =	sdelay $0x1  }
0x146: {  	v3 =	vperm.xlane v3, v2;
	_ =	sdelay $0x1  }
0x147: {  	s0 =	simm.s32 $0x2200;
	v3 =	vadd.s32 v1, v3  }
0x148: {  	[tilespmem:s0], [sflag:$0x1] =	stream.indirect_vreg.gather [hbm4b:s3+s2], $0x80, v4, vm0, $0xb8;
	[tilespmem:$0x18A00] =	vst v63  }
0x149: {  	s0 =	simm.s32 $0x2A00  }
0x14a: {  	[tilespmem:s0], [sflag:$0x1] =	stream.indirect_vreg.gather [hbm4b:s5+s2], $0x80, v4, vm1, $0xb8;
	[tilespmem:$0x18A00] =	vst v63  }
0x14b: {  	s0 =	simm.s32 $0x2E00  }
0x14c: {  	[tilespmem:s0], [sflag:$0x1] =	stream.indirect_vreg.gather [hbm4b:s3+s2], $0x80, v3, vm0, $0xb8;
	[tilespmem:$0x18A00] =	vst v63  }
0x14d: {  	s0 =	simm.s32 $0x3600  }
0x14e: {  	[tilespmem:s0], [sflag:$0x1] =	stream.indirect_vreg.gather [hbm4b:s5+s2], $0x80, v3, vm1, $0xb8;
	[tilespmem:$0x18A00] =	vst v63  }
0x14f: {  	v3 =	vld [tilespmem:s31+$0x60];
	_ =	sdelay $0x4  }
0x150: {  	v58 =	vshrl.u32 v3, $0x3  }
0x151: {  	v4 =	vmul.u32 $0x18, v58  }
0x152: {  	v3 =	vand.u32 $0x7, v3  }
0x153: {  	v3 =	vor.u32 v3, v4  }
0x154: {  	v4 =	vperm.xlane v3, v0;
	_ =	sdelay $0x1  }
0x155: {  	v4 =	vadd.s32 v1, v4;
	_ =	sdelay $0x1  }
0x156: {  	v3 =	vperm.xlane v3, v2;
	_ =	sdelay $0x1  }
0x157: {  	s0 =	simm.s32 $0x3A00;
	v3 =	vadd.s32 v1, v3  }
0x158: {  	[tilespmem:s0], [sflag:$0x1] =	stream.indirect_vreg.gather [hbm4b:s3+s2], $0x80, v4, vm0, $0xb8;
	[tilespmem:$0x18A00] =	vst v63  }
0x159: {  	s0 =	simm.s32 $0x4200  }
0x15a: {  	[tilespmem:s0], [sflag:$0x1] =	stream.indirect_vreg.gather [hbm4b:s5+s2], $0x80, v4, vm1, $0xb8;
	[tilespmem:$0x18A00] =	vst v63  }
0x15b: {  	s0 =	simm.s32 $0x4600  }
0x15c: {  	[tilespmem:s0], [sflag:$0x1] =	stream.indirect_vreg.gather [hbm4b:s3+s2], $0x80, v3, vm0, $0xb8;
	[tilespmem:$0x18A00] =	vst v63  }
0x15d: {  	s0 =	simm.s32 $0x4E00  }
0x15e: {  	[tilespmem:s0], [sflag:$0x1] =	stream.indirect_vreg.gather [hbm4b:s5+s2], $0x80, v3, vm1, $0xb8;
	[tilespmem:$0x18A00] =	vst v63  }
0x15f: {  	v3 =	vld [tilespmem:s31+$0x70];
	_ =	sdelay $0x4  }
0x160: {  	v59 =	vshrl.u32 v3, $0x3  }
0x161: {  	v4 =	vmul.u32 $0x18, v59  }
0x162: {  	v3 =	vand.u32 $0x7, v3  }
0x163: {  	v3 =	vor.u32 v3, v4  }
0x164: {  	v4 =	vperm.xlane v3, v0;
	_ =	sdelay $0x1  }
0x165: {  	v4 =	vadd.s32 v1, v4;
	_ =	sdelay $0x1  }
0x166: {  	v3 =	vperm.xlane v3, v2;
	_ =	sdelay $0x1  }
0x167: {  	s0 =	simm.s32 $0x5200;
	v3 =	vadd.s32 v1, v3  }
0x168: {  	[tilespmem:s0], [sflag:$0x1] =	stream.indirect_vreg.gather [hbm4b:s3+s2], $0x80, v4, vm0, $0xb8;
	[tilespmem:$0x18A00] =	vst v63  }
0x169: {  	s0 =	simm.s32 $0x5A00  }
0x16a: {  	[tilespmem:s0], [sflag:$0x1] =	stream.indirect_vreg.gather [hbm4b:s5+s2], $0x80, v4, vm1, $0xb8;
	[tilespmem:$0x18A00] =	vst v63  }
0x16b: {  	s0 =	simm.s32 $0x5E00  }
0x16c: {  	[tilespmem:s0], [sflag:$0x1] =	stream.indirect_vreg.gather [hbm4b:s3+s2], $0x80, v3, vm0, $0xb8;
	[tilespmem:$0x18A00] =	vst v63  }
0x16d: {  	s0 =	simm.s32 $0x6600  }
0x16e: {  	[tilespmem:s0], [sflag:$0x1] =	stream.indirect_vreg.gather [hbm4b:s5+s2], $0x80, v3, vm1, $0xb8;
	[tilespmem:$0x18A00] =	vst v63  }
0x16f: {  	v3 =	vld [tilespmem:s31+$0x80];
	_ =	sdelay $0x4  }
0x170: {  	v60 =	vshrl.u32 v3, $0x3  }
0x171: {  	v4 =	vmul.u32 $0x18, v60  }
0x172: {  	v3 =	vand.u32 $0x7, v3  }
0x173: {  	v3 =	vor.u32 v3, v4  }
0x174: {  	v4 =	vperm.xlane v3, v0;
	_ =	sdelay $0x1  }
0x175: {  	v4 =	vadd.s32 v1, v4;
	_ =	sdelay $0x1  }
0x176: {  	v3 =	vperm.xlane v3, v2;
	_ =	sdelay $0x1  }
0x177: {  	s0 =	simm.s32 $0x6A00;
	v3 =	vadd.s32 v1, v3  }
0x178: {  	[tilespmem:s0], [sflag:$0x1] =	stream.indirect_vreg.gather [hbm4b:s3+s2], $0x80, v4, vm0, $0xb8;
	[tilespmem:$0x18A00] =	vst v63  }
0x179: {  	s0 =	simm.s32 $0x7200  }
0x17a: {  	[tilespmem:s0], [sflag:$0x1] =	stream.indirect_vreg.gather [hbm4b:s5+s2], $0x80, v4, vm1, $0xb8;
	[tilespmem:$0x18A00] =	vst v63  }
0x17b: {  	s0 =	simm.s32 $0x7600  }
0x17c: {  	[tilespmem:s0], [sflag:$0x1] =	stream.indirect_vreg.gather [hbm4b:s3+s2], $0x80, v3, vm0, $0xb8;
	[tilespmem:$0x18A00] =	vst v63  }
0x17d: {  	s0 =	simm.s32 $0x7E00  }
0x17e: {  	[tilespmem:s0], [sflag:$0x1] =	stream.indirect_vreg.gather [hbm4b:s5+s2], $0x80, v3, vm1, $0xb8;
	[tilespmem:$0x18A00] =	vst v63  }
0x17f: {  	v3 =	vld [tilespmem:s31+$0x90];
	_ =	sdelay $0x4  }
0x180: {  	v61 =	vshrl.u32 v3, $0x3  }
0x181: {  	v4 =	vmul.u32 $0x18, v61  }
0x182: {  	v3 =	vand.u32 $0x7, v3  }
0x183: {  	v3 =	vor.u32 v3, v4  }
0x184: {  	v4 =	vperm.xlane v3, v0;
	_ =	sdelay $0x1  }
0x185: {  	v4 =	vadd.s32 v1, v4;
	_ =	sdelay $0x1  }
0x186: {  	v3 =	vperm.xlane v3, v2;
	_ =	sdelay $0x1  }
0x187: {  	s0 =	simm.s32 $0x8200;
	v3 =	vadd.s32 v1, v3  }
0x188: {  	[tilespmem:s0], [sflag:$0x1] =	stream.indirect_vreg.gather [hbm4b:s3+s2], $0x80, v4, vm0, $0xb8;
	[tilespmem:$0x18A00] =	vst v63  }
0x189: {  	s0 =	simm.s32 $0x8A00  }
0x18a: {  	[tilespmem:s0], [sflag:$0x1] =	stream.indirect_vreg.gather [hbm4b:s5+s2], $0x80, v4, vm1, $0xb8;
	[tilespmem:$0x18A00] =	vst v63  }
0x18b: {  	s0 =	simm.s32 $0x8E00  }
0x18c: {  	[tilespmem:s0], [sflag:$0x1] =	stream.indirect_vreg.gather [hbm4b:s3+s2], $0x80, v3, vm0, $0xb8;
	[tilespmem:$0x18A00] =	vst v63  }
0x18d: {  	s0 =	simm.s32 $0x9600  }
0x18e: {  	[tilespmem:s0], [sflag:$0x1] =	stream.indirect_vreg.gather [hbm4b:s5+s2], $0x80, v3, vm1, $0xb8;
	[tilespmem:$0x18A00] =	vst v63  }
0x18f: {  	v3 =	vld [tilespmem:s31+$0xA0];
	_ =	sdelay $0x4  }
0x190: {  	v62 =	vshrl.u32 v3, $0x3  }
0x191: {  	v4 =	vmul.u32 $0x18, v62  }
0x192: {  	v3 =	vand.u32 $0x7, v3  }
0x193: {  	v3 =	vor.u32 v3, v4  }
0x194: {  	v4 =	vperm.xlane v3, v0;
	_ =	sdelay $0x1  }
0x195: {  	v4 =	vadd.s32 v1, v4;
	_ =	sdelay $0x1  }
0x196: {  	v3 =	vperm.xlane v3, v2;
	_ =	sdelay $0x1  }
0x197: {  	s0 =	simm.s32 $0x9A00;
	v3 =	vadd.s32 v1, v3  }
0x198: {  	[tilespmem:s0], [sflag:$0x1] =	stream.indirect_vreg.gather [hbm4b:s3+s2], $0x80, v4, vm0, $0xb8;
	[tilespmem:$0x18A00] =	vst v63  }
0x199: {  	s0 =	simm.s32 $0xA200  }
0x19a: {  	[tilespmem:s0], [sflag:$0x1] =	stream.indirect_vreg.gather [hbm4b:s5+s2], $0x80, v4, vm1, $0xb8;
	[tilespmem:$0x18A00] =	vst v63  }
0x19b: {  	s0 =	simm.s32 $0xA600  }
0x19c: {  	[tilespmem:s0], [sflag:$0x1] =	stream.indirect_vreg.gather [hbm4b:s3+s2], $0x80, v3, vm0, $0xb8;
	[tilespmem:$0x18A00] =	vst v63  }
0x19d: {  	s0 =	simm.s32 $0xAE00  }
0x19e: {  	[tilespmem:s0], [sflag:$0x1] =	stream.indirect_vreg.gather [hbm4b:s5+s2], $0x80, v3, vm1, $0xb8;
	[tilespmem:$0x18A00] =	vst v63  }
0x19f: {  	v3 =	vld [tilespmem:s31+$0xB0];
	_ =	sdelay $0x4  }
0x1a0: {  	v63 =	vshrl.u32 v3, $0x3  }
0x1a1: {  	v4 =	vmul.u32 $0x18, v63  }
0x1a2: {  	v3 =	vand.u32 $0x7, v3  }
0x1a3: {  	v3 =	vor.u32 v3, v4  }
0x1a4: {  	v4 =	vperm.xlane v3, v0;
	_ =	sdelay $0x1  }
0x1a5: {  	v4 =	vadd.s32 v1, v4;
	_ =	sdelay $0x2  }
0x1a6: {  	v3 =	vperm.xlane v3, v2  }
0x1a7: {  	s0 =	simm.s32 $0xB200  }
0x1a8: {  	v3 =	vadd.s32 v1, v3;
	[tilespmem:s0], [sflag:$0x1] =	stream.indirect_vreg.gather [hbm4b:s3+s2], $0x80, v4, vm0, $0xb8;
	[tilespmem:$0x18A00] =	vst v63  }
0x1a9: {  	s0 =	simm.s32 $0xBA00  }
0x1aa: {  	[tilespmem:s0], [sflag:$0x1] =	stream.indirect_vreg.gather [hbm4b:s5+s2], $0x80, v4, vm1, $0xb8;
	[tilespmem:$0x18A00] =	vst v63  }
.Ltmp5:
0x1ab: {  	_ = 	snop;
	(pc) =	sbr.rel .LBB2_4-.Ltmp5, $4  }
0x1ac: {  	s0 =	simm.s32 $0xBE00  }
0x1ad: {  	[tilespmem:s0], [sflag:$0x1] =	stream.indirect_vreg.gather [hbm4b:s3+s2], $0x80, v3, vm0, $0xb8;
	[tilespmem:$0x18A00] =	vst v63  }
0x1ae: {  	s0 =	simm.s32 $0xC600  }
0x1af: {  	[tilespmem:s0], [sflag:$0x1] =	stream.indirect_vreg.gather [hbm4b:s5+s2], $0x80, v3, vm1, $0xb8;
	[tilespmem:$0x18A00] =	vst v63  }
.LBB2_6:
0x1b0: {  	_ =	sfence.sel $0x180000  }
0x1b1: {  	[bflag:$0x0] =	sbarrier.arrive $0xFFFF  }
0x1b2: {  	_ =	strace $0x90000047  }
0x1b3: {  	s0 =	stileid.u32;
	[bflag:$0x2] =	sbarrier.arrive $0xFFFF  }
0x1b4: {  	p0 =	sne.s32 s0, $0x0;
	s0 =	rddreg [dreg:$0x1]  }
0x1b5: {  	s0 =	sadd.s32 @!p0 $0x100000, s0  }
0x1b6: {  	[sflag:s0] =	ssyncadd.tile.s32 @!p0 $0x1;
	_ =	shalt  }
.Lfunc_end2:
_tile_overlayer_lowered:
.L_overlay_start_2:
0x1b7: {  	(tag) =	ssettag $0x2  }
0x1b8: {  	s0 =	rddreg [dreg:$0x0];
	s2 =	stileid.u32  }
0x1b9: {  	s1 =	rddreg [dreg:$0x1];
	p0 =	sne.s32 s2, $0x0  }
0x1ba: {  	s3 =	rddreg [dreg:$0x2];
	[bflag:$0x3] =	sbarrier.arrive $0xFFFF;
	s2 =	simm.s32 @!p0 $0x1C03  }
0x1bb: {  	[timem:s3], [sflag:s2] =	dma.local @!p0 [hbm:s0], s1  }
0x1bc: {  	s0 =	simm.s32 @!p0 $0x3  }
0x1bd: {  	_ =	swait.ge @!p0 [sflag:s0], s1  }
0x1be: {  	s1 =	ssub.s32 @!p0 $0x0, s1;
	[sflag:s0] =	ssyncset.done @!p0 $0x0  }
0x1bf: {  	[sflag:s0] =	ssyncadd.s32 @!p0 s1  }
0x1c0: {  	[bflag:$0x3] =	sbarrier.arrive $0xFFFF  }
0x1c1: {  	_ =	shalt  }

// kernel: kernel.14.cloned.1.call-start
scs
__scs_entry_jumppad:
0x0: {  	(pc) =	sbr.rel $0x88, $3  }
0x1: {  	(tag) =	ssettag $0x0;
	lr =	simm.s32 $0x1  }
0x2: {  	[smem:$0x3F8B] =	sst lr;
	_ =	strace $0xD0000000  }
0x3: {  	_ = 	snop  }
0x4: {  	_ = 	snop  }
0x5: {  	_ = 	snop  }
0x6: {  	_ = 	snop  }
0x7: {  	_ = 	snop  }
__scs_overlays_trampoline_lowered:
0x8: {  	[smem:$0x3F9A] =	sst s0  }
0x9: {  	[smem:$0x3F9B] =	sst s1  }
0xa: {  	[smem:$0x3F9C] =	sst s2  }
0xb: {  	[smem:$0x3F9D] =	sst s3  }
0xc: {  	[smem:$0x3F9E] =	sst s4  }
0xd: {  	[smem:$0x3F9F] =	sst s5  }
0xe: {  	[smem:$0x3FA0] =	sst s6  }
0xf: {  	[smem:$0x3FA1] =	sst s7  }
0x10: {  	[smem:$0x3FA2] =	sst s8  }
0x11: {  	[smem:$0x3FA3] =	sst s9;
	s0 =	simm.s32 @!p0 $0x0  }
0x12: {  	s1 =	sld [smem:$0x3F89];
	s0 =	simm.s32 @p0 $0x1  }
0x13: {  	[smem:$0x3FA4] =	sst s0;
	s0 =	simm.s32 @!p1 $0x0  }
0x14: {  	s2 =	sld [smem:$0x3F88];
	s0 =	simm.s32 @p1 $0x1  }
0x15: {  	[smem:$0x3FA5] =	sst s0;
	s0 =	simm.s32 @!p2 $0x0  }
0x16: {  	s3 =	sld [smem:$0x3FDB];
	s0 =	simm.s32 @p2 $0x1  }
0x17: {  	s4 =	simm.s32 $0x1BF5;
	[smem:$0x3FA7] =	sst s0  }
0x18: {  	s0 =	sld [smem:$0x3F8A];
	_ =	swait.ge [sflag:s4], $0x0  }
0x19: {  	s7 =	sld [smem:$0x3F8B]  }
0x1a: {  	s8 =	sadd.s32 $0xFFFFE003, lr  }
0x1b: {  	s9 =	sadd.s32 $0xFFFFFEF7, lr;
	s5 =	simm.s32 $0xFFFFFFFF;
	p2 =	slt.u32 s8, $0xFFFFF086  }
0x1c: {  	p1 =	slt.u32 s9, $0xF7A;
	s5 =	simm.s32 @!p2 $0x0  }
0x1d: {  	s5 =	simm.s32 @p1 $0x1;
	p0 =	seq.s32 s7, s2  }
0x1e: {  	s7 =	smul.u32 @!p0 $0xF7A, s2;
	p2 =	seq.s32 @!p0 s5, $0x0  }
0x1f: {  	s9 =	smul.u32 $0xF7A, s1;
	s8 =	simm.s32 @!p0 $0x1BF5;
	p2 =	por !p2, p0  }
0x20: {  	[sflag:s8] =	ssyncset.s32 @!p0 $0xFFFFF086;
	s6 =	sadd.s32 @!p0 s3, s7;
	s7 =	simm.s32 @!p0 $0x108  }
0x21: {  	s3 =	sadd.s32 s3, s9;
	s6 =	sadd.s32 @!p0 $0x88, s6;
	s7 =	simm.s32 @p2 $0x1082  }
0x22: {  	[simem:s7], [sflag:s8] =	dma.local @!p0 [hbm:s6], $0xF7A  }
0x23: {  	s9 =	sor.u32 $0xD0000000, s2;
	s6 =	simm.s32 $0x108;
	_ =	swait.ge @!p0 [sflag:s8], $0x0  }
0x24: {  	s3 =	sadd.s32 $0x88, s3;
	s6 =	simm.s32 @!p1 $0x1082;
	[sflag:s4] =	ssyncset.s32 $0xFFFFF086  }
0x25: {  	[simem:s6], [sflag:s4] =	dma.local [hbm:s3], $0xF7A  }
0x26: {  	[smem:$0x3F8B] =	sst s1;
	(tag) =	ssettag s2;
	_ =	strace s9  }
0x27: {  	s1 =	sld [smem:$0x3F9B]  }
0x28: {  	s2 =	sld [smem:$0x3F9C]  }
0x29: {  	s4 =	sld [smem:$0x3F9E]  }
0x2a: {  	p0 =	seq.s32 s5, $0x0;
	s5 =	sld [smem:$0x3F9F]  }
0x2b: {  	s6 =	sld [smem:$0x3FA0]  }
0x2c: {  	s7 =	sld [smem:$0x3FA1]  }
0x2d: {  	s3 =	simm.s32 $0x108;
	s8 =	sld [smem:$0x3FA2]  }
0x2e: {  	s3 =	simm.s32 @!p0 $0x1082;
	s9 =	sld [smem:$0x3FA3]  }
0x2f: {  	lr =	sadd.s32 s0, s3;
	s0 =	sld [smem:$0x3F9A]  }
0x30: {  	s3 =	sld [smem:$0x3F9D]  }
0x31: {  	[smem:$0x3FA6] =	sst s10  }
0x32: {  	s10 =	sld [smem:$0x3FA4];
	_ =	sdelay $0x3  }
0x33: {  	p0 =	seq.s32 s10, $0x1;
	s10 =	sld [smem:$0x3FA6];
	_ =	sdelay $0x3  }
0x34: {  	[smem:$0x3FA6] =	sst s10  }
0x35: {  	s10 =	sld [smem:$0x3FA5];
	_ =	sdelay $0x3  }
0x36: {  	p1 =	seq.s32 s10, $0x1;
	s10 =	sld [smem:$0x3FA6];
	_ =	sdelay $0x3  }
0x37: {  	[smem:$0x3FA6] =	sst s10  }
0x38: {  	s10 =	sld [smem:$0x3FA7]  }
0x39: {  	_ = 	snop;
	(pc) =	sbr.ind lr, $3  }
0x3a: {  	_ = 	snop  }
0x3b: {  	_ = 	snop  }
0x3c: {  	p2 =	seq.s32 s10, $0x1;
	s10 =	sld [smem:$0x3FA6]  }
0x3d: {  	_ =	shalt  }
0x3e: {  	_ =	shalt  }
0x3f: {  	_ =	shalt  }
0x40: {  	_ =	shalt  }
0x41: {  	_ =	shalt  }
0x42: {  	_ =	shalt  }
0x43: {  	_ =	shalt  }
0x44: {  	_ =	shalt  }
0x45: {  	_ =	shalt  }
0x46: {  	_ =	shalt  }
0x47: {  	_ =	shalt  }
0x48: {  	_ =	shalt  }
0x49: {  	_ =	shalt  }
0x4a: {  	_ =	shalt  }
0x4b: {  	_ =	shalt  }
0x4c: {  	_ =	shalt  }
0x4d: {  	_ =	shalt  }
0x4e: {  	_ =	shalt  }
0x4f: {  	_ =	shalt  }
0x50: {  	_ =	shalt  }
0x51: {  	_ =	shalt  }
0x52: {  	_ =	shalt  }
0x53: {  	_ =	shalt  }
0x54: {  	_ =	shalt  }
0x55: {  	_ =	shalt  }
0x56: {  	_ =	shalt  }
0x57: {  	_ =	shalt  }
0x58: {  	_ =	shalt  }
0x59: {  	_ =	shalt  }
0x5a: {  	_ =	shalt  }
0x5b: {  	_ =	shalt  }
0x5c: {  	_ =	shalt  }
0x5d: {  	_ =	shalt  }
0x5e: {  	_ =	shalt  }
0x5f: {  	_ =	shalt  }
0x60: {  	_ =	shalt  }
0x61: {  	_ =	shalt  }
0x62: {  	_ =	shalt  }
0x63: {  	_ =	shalt  }
0x64: {  	_ =	shalt  }
0x65: {  	_ =	shalt  }
0x66: {  	_ =	shalt  }
0x67: {  	_ =	shalt  }
0x68: {  	_ =	shalt  }
0x69: {  	_ =	shalt  }
0x6a: {  	_ =	shalt  }
0x6b: {  	_ =	shalt  }
0x6c: {  	_ =	shalt  }
0x6d: {  	_ =	shalt  }
0x6e: {  	_ =	shalt  }
0x6f: {  	_ =	shalt  }
0x70: {  	_ =	shalt  }
0x71: {  	_ =	shalt  }
0x72: {  	_ =	shalt  }
0x73: {  	_ =	shalt  }
0x74: {  	_ =	shalt  }
0x75: {  	_ =	shalt  }
0x76: {  	_ =	shalt  }
0x77: {  	_ =	shalt  }
0x78: {  	_ =	shalt  }
0x79: {  	_ =	shalt  }
0x7a: {  	_ =	shalt  }
0x7b: {  	_ =	shalt  }
0x7c: {  	_ =	shalt  }
0x7d: {  	_ =	shalt  }
0x7e: {  	_ =	shalt  }
0x7f: {  	_ =	shalt  }
0x80: {  	_ =	shalt  }
0x81: {  	_ =	shalt  }
0x82: {  	_ =	shalt  }
0x83: {  	_ =	shalt  }
0x84: {  	_ =	shalt  }
0x85: {  	_ =	shalt  }
0x86: {  	_ =	shalt  }
0x87: {  	_ =	shalt  }
.Lfunc_end0:
.L_simem_size_0:
called_computation.1_lowered:
.L_overlay_start_0:
0x88: {  	s2 =	sld [smem:$0x3FD9]  }
0x89: {  	s3 =	sld [smem:$0x3FFE];
	_ =	sdelay $0x1  }
0x8a: {  	s1 =	srdreg.scid  }
0x8b: {  	s0 =	sand.u32 $0x1, s1  }
0x8c: {  	s17 =	sshll.u32 s0, $0xA;
	s2 =	sadd.s32 s3, s2  }
0x8d: {  	s2 =	sadd.s32 s2, s17  }
0x8e: {  	[smem:$0x3FB2] =	sst s2  }
0x8f: {  	_ = 	snop  }
0x90: {  	s18 =	sld [smem:$0x3FD0];
	(tm) =	ssettm $0x1  }
0x91: {  	s19 =	sld [smem:$0x3FFB];
	_ =	sdelay $0x3  }
0x92: {  	_ =	strace s19  }
0x93: {  	s2 =	sld [smem:$0x3FFC];
	_ =	sdelay $0x3  }
0x94: {  	_ =	strace s2  }
0x95: {  	s2 =	sld [smem:$0x3FFD];
	_ =	sdelay $0x3  }
0x96: {  	_ =	strace s2  }
0x97: {  	_ =	strace $0x8FFFFFFF  }
0x98: {  	s20 =	sld [smem:$0x3FDB];
	_ =	sdelay $0x1  }
0x99: {  	s4 =	simm.s32 $_scs_section_size  }
0x9a: {  	s5 =	simm.s32 $_size__tile_overlayer_lowered;
	s6 =	simm.s32 $_tile_overlayer_lowered  }
0x9b: {  	s7 =	simm.s32 $0x1BFF;
	s21 =	sshll.u32 s6, $0x1;
	s4 =	sadd.s32 s4, s20  }
0x9c: {  	s22 =	simm.s32 $0x0;
	s5 =	sshll.u32 s5, $0x1;
	s6 =	sadd.s32 s21, s4  }
0x9d: {  	[timem:s22], [sflag:s7] =	dma.local [hbm:s6], s5  }
0x9e: {  	_ =	swait.ge [sflag:s7], s5  }
0x9f: {  	s5 =	ssub.s32 $0x0, s5;
	[sflag:s7] =	ssyncset.done $0x0  }
0xa0: {  	[sflag:s7] =	ssyncadd.s32 s5;
	_ =	sdelay $0x1  }
0xa1: {  	s23 =	simm.s32 $0x1B8B  }
0xa2: {  	_ =	swait.ge [sflag:s23], $0x1  }
0xa3: {  	[sflag:s23] =	ssyncset.done $0x0  }
0xa4: {  	[sflag:s23] =	ssyncadd.s32 $0xFFFFFFFF  }
0xa5: {  	s5 =	sld [smem:$0x0]  }
0xa6: {  	s6 =	sand.u32 $0xFFFFFFFE, s1  }
0xa7: {  	p0 =	sne.s32 s1, s6  }
0xa8: {  	s6 =	sshll.u32 @p0 s6, $0xE  }
0xa9: {  	s6 =	sadd.s32 @p0 $0x11B8D, s6;
	s7 =	sshll.u32 @p0 s5, $0x11  }
0xaa: {  	s6 =	sor.u32 @p0 s7, s6  }
0xab: {  	[sflag:s6] =	ssyncadd.remote.s32 @p0 $0x1;
	_ =	sdelay $0x1  }
0xac: {  	s6 =	simm.s32 @p0 $0x1B8D  }
0xad: {  	_ =	swait.eq @p0 [sflag:s6], $0x1  }
0xae: {  	[sflag:s6] =	ssyncadd.s32 @p0 $0xFFFFFFFF  }
0xaf: {  	s7 =	sshll.u32 @!p0 s1, $0xE  }
0xb0: {  	s7 =	sor.u32 @!p0 $0x4000, s7;
	s6 =	simm.s32 @!p0 $0x1B8D  }
0xb1: {  	s5 =	sshll.u32 @!p0 s5, $0x11;
	s7 =	sadd.s32 @!p0 $0x11B8D, s7;
	_ =	swait.eq @!p0 [sflag:s6], $0x1  }
0xb2: {  	s5 =	sor.u32 @!p0 s5, s7;
	[sflag:s6] =	ssyncadd.s32 @!p0 $0xFFFFFFFF  }
0xb3: {  	s25 =	simm.s32 $0x1B8E;
	s24 =	sld [smem:$0x3FFE];
	[sflag:s5] =	ssyncadd.remote.s32 @!p0 $0x1  }
0xb4: {  	s26 =	simm.s32 $execute0_lowered;
	[smem:$0x3FD2] =	sst s25  }
0xb5: {  	s6 =	sshll.u32 s26, $0x1;
	_ =	strace $0x80000049;
	[dreg:$0x1] =	wrdreg $0xFFFFFFFF  }
0xb6: {  	s28 =	simm.s32 $_size_execute0_lowered;
	s4 =	sadd.s32 s4, s6;
	[dreg:$0x0] =	wrdreg $0x0  }
0xb7: {  	s6 =	sshll.u32 s28, $0x1;
	[dreg:$0x2] =	wrdreg s4  }
0xb8: {  	[dreg:$0x3] =	wrdreg s6  }
0xb9: {  	[dreg:$0x4] =	wrdreg $0xC0  }
0xba: {  	_ =	task [dreg:s22], $0x5FFFF  }
0xbb: {  	[dreg:$0x1] =	wrdreg $0xFFFFFFFF  }
0xbc: {  	[dreg:$0x0] =	wrdreg $0x60  }
0xbd: {  	[dreg:$0x2] =	wrdreg s24  }
0xbe: {  	[dreg:$0x3] =	wrdreg s18  }
0xbf: {  	[dreg:$0x4] =	wrdreg $0xA  }
0xc0: {  	_ =	task.clear_ibuf [dreg:s22], $0x5FFFF;
	_ =	strace $0x90000049  }
0xc1: {  	s29 =	simm.s32 $0xA;
	_ =	strace $0x8000004B  }
0xc2: {  	_ =	swait.ge [sflag:s29], $0x1  }
0xc3: {  	[sflag:s29] =	ssyncadd.s32 $0xFFFFFFFF  }
0xc4: {  	_ =	strace $0x9000004B  }
0xc5: {  	_ =	sfence  }
0xc6: {  	s30 =	sld [smem:$0x0];
	_ =	sdelay $0x2  }
0xc7: {  	s31 =	sshll.u32 s1, $0xD;
	s1 =	sshrl.u32 s1, $0x2  }
0xc8: {  	s4 =	sand.u32 $0x4000, s31;
	s1 =	sadd.s32 s1, s30  }
0xc9: {  	s0 =	sor.u32 s4, s0;
	s1 =	sshll.u32 s1, $0x11  }
0xca: {  	s0 =	sor.u32 s1, s0  }
0xcb: {  	s0 =	sadd.s32 $0x8F2B, s0  }
0xcc: {  	[sflag:s0] =	ssyncadd.remote.s32 $0x1  }
0xcd: {  	_ =	sfence.sel $0xFFFF  }
0xce: {  	[dreg:$0x0] =	wrdreg $0xFFFFFFFF;
	(pc) =	sbr.abs _section_cstart, $3  }
0xcf: {  	[dreg:$0x1] =	wrdreg $0xFFFFFFFF  }
0xd0: {  	_ =	task.clear_ibuf [dreg:s22], $0x2FFFF;
	_ =	strace $0x9FFFFFFF  }
0xd1: {  	(tm) =	ssettm $0x7FFFFFFF  }
tec
execute0_lowered:
.L_overlay_start_1:
0x0: {  	(tag) =	ssettag $0x1  }
0x1: {  	s0 =	rddreg [dreg:$0x0]  }
0x2: {  	s1 =	srdreg.scid;
	s6 =	stileid.u32  }
0x3: {  	s4 =	rddreg [dreg:$0x1];
	s2 =	simm.s32 $0x0;
	s18 =	simm.s32 $0xCA00  }
0x4: {  	s11 =	simm.s32 $0x13200;
	s12 =	simm.s32 $0x13600;
	s13 =	simm.s32 $0x13E00  }
0x5: {  	s14 =	simm.s32 $0x14200;
	s15 =	simm.s32 $0x14A00;
	s16 =	simm.s32 $0x14E00  }
0x6: {  	s17 =	simm.s32 $0x15600;
	s19 =	simm.s32 $0x15A00;
	s20 =	simm.s32 $0x16200  }
0x7: {  	s21 =	simm.s32 $0x16600;
	s22 =	simm.s32 $0x16E00;
	s23 =	simm.s32 $0x17200  }
0x8: {  	s24 =	simm.s32 $0x17A00;
	s25 =	simm.s32 $0x17E00;
	s26 =	simm.s32 $0x18600  }
0x9: {  	s28 =	simm.s32 $0x1;
	s29 =	simm.s32 $0x4;
	s30 =	simm.s32 $0x2  }
0xa: {  	s1 =	sand.u32 $0x1, s1;
	s3 =	smul.u32 $0x1400, s6;
	[smem:$0x7FF] =	sst s2  }
0xb: {  	s6 =	sshll.u32 s6, $0x1;
	s8 =	sadd.s32 $0x467C00, s0;
	s5 =	smul.u32 $0xA00, s1  }
0xc: {  	_ =	strace $0x8000004A;
	s6 =	sor.u32 s1, s6;
	s1 =	ssub.s32 $0x2, s1  }
0xd: {  	s6 =	smul.u32 $0xA00, s6;
	s9 =	sshrl.u32 s1, $0x1;
	s5 =	sadd.s32 s5, s3  }
0xe: {  	s3 =	sadd.s32 $0x7C00, s0;
	s1 =	ssub.s32 s1, s9;
	s9 =	simm.s32 $0x3  }
0xf: {  	s7 =	sor.u32 $0x80, s5;
	s5 =	sshrl.u32 s5, $0x3;
	s6 =	sshrl.u32 s6, $0x3  }
.Ltmp0:
0x10: {  	s31 =	smax.u32 s1, $0x1;
	s1 =	simm.s32 $0x0;
	(pc) =	sbr.rel .LBB2_1-.Ltmp0, $4  }
0x11: {  	s7 =	sshrl.u32 s7, $0x3;
	s10 =	smul.u32 $0x180, s5;
	s4 =	sadd.s32 s4, s6  }
0x12: {  	v2 =	vlaneseq.u32;
	s5 =	sadd.s32 $0x7D00, s0;
	[dreg:$0x4] =	wrdreg s31;
	s7 =	smul.u32 $0x180, s7  }
0x13: {  	vm0 =	vmmov $0xffff;
	vm1 =	vmmov $0xff;
	v1 =	vshrl.u32 v2, $0x3;
	s6 =	simm.s32 $0x12A00;
	[dreg:$0x3] =	wrdreg s4;
	s4 =	simm.s32 $0x12600  }
0x14: {  	v0 =	vand.u32 $0x7, v2;
	v2 =	vor.u32 $0x8, v2;
	v1 =	vmul.u32 $0x8, v1;
	s7 =	sadd.s32 s7, s8;
	s8 =	sadd.s32 s10, s8;
	s10 =	simm.s32 $0xA00  }
.LBB2_5:
0x15: {  	s1 =	rddreg [dreg:$0x5]  }
0x16: {  	s0 =	rddreg [dreg:$0x4];
	s1 =	sadd.s32 $0x1, s1  }
0x17: {  	p0 =	sne.s32 s1, s0  }
.Ltmp1:
0x18: {  	_ = 	snop;
	(pc) =	sbr.rel @!p0 .LBB2_6-.Ltmp1, $1  }
0x19: {  	_ =	sdelay $0x3  }
.LBB2_1:
0x1a: {  	[dreg:$0x5] =	wrdreg s1  }
0x1b: {  	s0 =	rddreg [dreg:$0x3]  }
0x1c: {  	[tilespmem:s2], [sflag:$0x3] =	stream.linear.gather [hbm4b:s0+s2], $0xA00, $0x38;
	[tilespmem:$0x18A00] =	vst v63  }
0x1d: {  	_ =	swait.ge [sflag:s9], $0xA00  }
0x1e: {  	[sflag:s9] =	ssyncset.done $0x0  }
0x1f: {  	[sflag:s9] =	ssyncadd.s32 $0xFFFFF600  }
0x20: {  	v3 =	vld [tilespmem:$0x0];
	_ =	sdelay $0x4  }
0x21: {  	v4 =	vshrl.u32 v3, $0x3  }
0x22: {  	v4 =	vmul.u32 $0x18, v4  }
0x23: {  	v3 =	vand.u32 $0x7, v3  }
0x24: {  	v3 =	vor.u32 v3, v4  }
0x25: {  	v4 =	vperm.xlane v3, v0;
	_ =	sdelay $0x1  }
0x26: {  	v4 =	vadd.s32 v1, v4;
	_ =	sdelay $0x1  }
0x27: {  	v3 =	vperm.xlane v3, v2;
	_ =	sdelay $0x1  }
0x28: {  	v3 =	vadd.s32 v1, v3  }
0x29: {  	[tilespmem:s10], [sflag:$0x1] =	stream.indirect_vreg.gather [hbm4b:s3+s2], $0x80, v4, vm0, $0xb8;
	[tilespmem:$0x18A00] =	vst v63  }
0x2a: {  	s1 =	simm.s32 $0x1200  }
0x2b: {  	[tilespmem:s1], [sflag:$0x1] =	stream.indirect_vreg.gather [hbm4b:s5+s2], $0x80, v4, vm1, $0xb8;
	[tilespmem:$0x18A00] =	vst v63  }
0x2c: {  	s1 =	simm.s32 $0x1600  }
0x2d: {  	[tilespmem:s1], [sflag:$0x1] =	stream.indirect_vreg.gather [hbm4b:s3+s2], $0x80, v3, vm0, $0xb8;
	[tilespmem:$0x18A00] =	vst v63  }
0x2e: {  	s1 =	simm.s32 $0x1E00  }
0x2f: {  	[tilespmem:s1], [sflag:$0x1] =	stream.indirect_vreg.gather [hbm4b:s5+s2], $0x80, v3, vm1, $0xb8;
	[tilespmem:$0x18A00] =	vst v63  }
0x30: {  	v3 =	vld [tilespmem:$0x10];
	_ =	sdelay $0x4  }
0x31: {  	v57 =	vshrl.u32 v3, $0x3  }
0x32: {  	v4 =	vmul.u32 $0x18, v57  }
0x33: {  	v3 =	vand.u32 $0x7, v3  }
0x34: {  	v3 =	vor.u32 v3, v4  }
0x35: {  	v4 =	vperm.xlane v3, v0;
	_ =	sdelay $0x1  }
0x36: {  	v4 =	vadd.s32 v1, v4;
	_ =	sdelay $0x1  }
0x37: {  	v3 =	vperm.xlane v3, v2;
	_ =	sdelay $0x1  }
0x38: {  	s1 =	simm.s32 $0x2200;
	v3 =	vadd.s32 v1, v3  }
0x39: {  	[tilespmem:s1], [sflag:$0x1] =	stream.indirect_vreg.gather [hbm4b:s3+s2], $0x80, v4, vm0, $0xb8;
	[tilespmem:$0x18A00] =	vst v63  }
0x3a: {  	s1 =	simm.s32 $0x2A00  }
0x3b: {  	[tilespmem:s1], [sflag:$0x1] =	stream.indirect_vreg.gather [hbm4b:s5+s2], $0x80, v4, vm1, $0xb8;
	[tilespmem:$0x18A00] =	vst v63  }
0x3c: {  	s1 =	simm.s32 $0x2E00  }
0x3d: {  	[tilespmem:s1], [sflag:$0x1] =	stream.indirect_vreg.gather [hbm4b:s3+s2], $0x80, v3, vm0, $0xb8;
	[tilespmem:$0x18A00] =	vst v63  }
0x3e: {  	s1 =	simm.s32 $0x3600  }
0x3f: {  	[tilespmem:s1], [sflag:$0x1] =	stream.indirect_vreg.gather [hbm4b:s5+s2], $0x80, v3, vm1, $0xb8;
	[tilespmem:$0x18A00] =	vst v63  }
0x40: {  	v3 =	vld [tilespmem:$0x20];
	_ =	sdelay $0x4  }
0x41: {  	v58 =	vshrl.u32 v3, $0x3  }
0x42: {  	v4 =	vmul.u32 $0x18, v58  }
0x43: {  	v3 =	vand.u32 $0x7, v3  }
0x44: {  	v3 =	vor.u32 v3, v4  }
0x45: {  	v4 =	vperm.xlane v3, v0;
	_ =	sdelay $0x1  }
0x46: {  	v4 =	vadd.s32 v1, v4;
	_ =	sdelay $0x1  }
0x47: {  	v3 =	vperm.xlane v3, v2;
	_ =	sdelay $0x1  }
0x48: {  	s1 =	simm.s32 $0x3A00;
	v3 =	vadd.s32 v1, v3  }
0x49: {  	[tilespmem:s1], [sflag:$0x1] =	stream.indirect_vreg.gather [hbm4b:s3+s2], $0x80, v4, vm0, $0xb8;
	[tilespmem:$0x18A00] =	vst v63  }
0x4a: {  	s1 =	simm.s32 $0x4200  }
0x4b: {  	[tilespmem:s1], [sflag:$0x1] =	stream.indirect_vreg.gather [hbm4b:s5+s2], $0x80, v4, vm1, $0xb8;
	[tilespmem:$0x18A00] =	vst v63  }
0x4c: {  	s1 =	simm.s32 $0x4600  }
0x4d: {  	[tilespmem:s1], [sflag:$0x1] =	stream.indirect_vreg.gather [hbm4b:s3+s2], $0x80, v3, vm0, $0xb8;
	[tilespmem:$0x18A00] =	vst v63  }
0x4e: {  	s1 =	simm.s32 $0x4E00  }
0x4f: {  	[tilespmem:s1], [sflag:$0x1] =	stream.indirect_vreg.gather [hbm4b:s5+s2], $0x80, v3, vm1, $0xb8;
	[tilespmem:$0x18A00] =	vst v63  }
0x50: {  	v3 =	vld [tilespmem:$0x30];
	_ =	sdelay $0x4  }
0x51: {  	v59 =	vshrl.u32 v3, $0x3  }
0x52: {  	v4 =	vmul.u32 $0x18, v59  }
0x53: {  	v3 =	vand.u32 $0x7, v3  }
0x54: {  	v3 =	vor.u32 v3, v4  }
0x55: {  	v4 =	vperm.xlane v3, v0;
	_ =	sdelay $0x1  }
0x56: {  	v4 =	vadd.s32 v1, v4;
	_ =	sdelay $0x1  }
0x57: {  	v3 =	vperm.xlane v3, v2;
	_ =	sdelay $0x1  }
0x58: {  	s1 =	simm.s32 $0x5200;
	v3 =	vadd.s32 v1, v3  }
0x59: {  	[tilespmem:s1], [sflag:$0x1] =	stream.indirect_vreg.gather [hbm4b:s3+s2], $0x80, v4, vm0, $0xb8;
	[tilespmem:$0x18A00] =	vst v63  }
0x5a: {  	s1 =	simm.s32 $0x5A00  }
0x5b: {  	[tilespmem:s1], [sflag:$0x1] =	stream.indirect_vreg.gather [hbm4b:s5+s2], $0x80, v4, vm1, $0xb8;
	[tilespmem:$0x18A00] =	vst v63  }
0x5c: {  	s1 =	simm.s32 $0x5E00  }
0x5d: {  	[tilespmem:s1], [sflag:$0x1] =	stream.indirect_vreg.gather [hbm4b:s3+s2], $0x80, v3, vm0, $0xb8;
	[tilespmem:$0x18A00] =	vst v63  }
0x5e: {  	s1 =	simm.s32 $0x6600  }
0x5f: {  	[tilespmem:s1], [sflag:$0x1] =	stream.indirect_vreg.gather [hbm4b:s5+s2], $0x80, v3, vm1, $0xb8;
	[tilespmem:$0x18A00] =	vst v63  }
0x60: {  	v3 =	vld [tilespmem:$0x40];
	_ =	sdelay $0x4  }
0x61: {  	v60 =	vshrl.u32 v3, $0x3  }
0x62: {  	v4 =	vmul.u32 $0x18, v60  }
0x63: {  	v3 =	vand.u32 $0x7, v3  }
0x64: {  	v3 =	vor.u32 v3, v4  }
0x65: {  	v4 =	vperm.xlane v3, v0;
	_ =	sdelay $0x1  }
0x66: {  	v4 =	vadd.s32 v1, v4;
	_ =	sdelay $0x1  }
0x67: {  	v3 =	vperm.xlane v3, v2;
	_ =	sdelay $0x1  }
0x68: {  	s1 =	simm.s32 $0x6A00;
	v3 =	vadd.s32 v1, v3  }
0x69: {  	[tilespmem:s1], [sflag:$0x1] =	stream.indirect_vreg.gather [hbm4b:s3+s2], $0x80, v4, vm0, $0xb8;
	[tilespmem:$0x18A00] =	vst v63  }
0x6a: {  	s1 =	simm.s32 $0x7200  }
0x6b: {  	[tilespmem:s1], [sflag:$0x1] =	stream.indirect_vreg.gather [hbm4b:s5+s2], $0x80, v4, vm1, $0xb8;
	[tilespmem:$0x18A00] =	vst v63  }
0x6c: {  	s1 =	simm.s32 $0x7600  }
0x6d: {  	[tilespmem:s1], [sflag:$0x1] =	stream.indirect_vreg.gather [hbm4b:s3+s2], $0x80, v3, vm0, $0xb8;
	[tilespmem:$0x18A00] =	vst v63  }
0x6e: {  	s1 =	simm.s32 $0x7E00  }
0x6f: {  	[tilespmem:s1], [sflag:$0x1] =	stream.indirect_vreg.gather [hbm4b:s5+s2], $0x80, v3, vm1, $0xb8;
	[tilespmem:$0x18A00] =	vst v63  }
0x70: {  	v3 =	vld [tilespmem:$0x50];
	_ =	sdelay $0x4  }
0x71: {  	v61 =	vshrl.u32 v3, $0x3  }
0x72: {  	v4 =	vmul.u32 $0x18, v61  }
0x73: {  	v3 =	vand.u32 $0x7, v3  }
0x74: {  	v3 =	vor.u32 v3, v4  }
0x75: {  	v4 =	vperm.xlane v3, v0;
	_ =	sdelay $0x1  }
0x76: {  	v4 =	vadd.s32 v1, v4;
	_ =	sdelay $0x1  }
0x77: {  	v3 =	vperm.xlane v3, v2;
	_ =	sdelay $0x1  }
0x78: {  	s1 =	simm.s32 $0x8200;
	v3 =	vadd.s32 v1, v3  }
0x79: {  	[tilespmem:s1], [sflag:$0x1] =	stream.indirect_vreg.gather [hbm4b:s3+s2], $0x80, v4, vm0, $0xb8;
	[tilespmem:$0x18A00] =	vst v63  }
0x7a: {  	s1 =	simm.s32 $0x8A00  }
0x7b: {  	[tilespmem:s1], [sflag:$0x1] =	stream.indirect_vreg.gather [hbm4b:s5+s2], $0x80, v4, vm1, $0xb8;
	[tilespmem:$0x18A00] =	vst v63  }
0x7c: {  	s1 =	simm.s32 $0x8E00  }
0x7d: {  	[tilespmem:s1], [sflag:$0x1] =	stream.indirect_vreg.gather [hbm4b:s3+s2], $0x80, v3, vm0, $0xb8;
	[tilespmem:$0x18A00] =	vst v63  }
0x7e: {  	s1 =	simm.s32 $0x9600  }
0x7f: {  	[tilespmem:s1], [sflag:$0x1] =	stream.indirect_vreg.gather [hbm4b:s5+s2], $0x80, v3, vm1, $0xb8;
	[tilespmem:$0x18A00] =	vst v63  }
0x80: {  	v3 =	vld [tilespmem:$0x60];
	_ =	sdelay $0x4  }
0x81: {  	v62 =	vshrl.u32 v3, $0x3  }
0x82: {  	v4 =	vmul.u32 $0x18, v62  }
0x83: {  	v3 =	vand.u32 $0x7, v3  }
0x84: {  	v3 =	vor.u32 v3, v4  }
0x85: {  	v4 =	vperm.xlane v3, v0;
	_ =	sdelay $0x1  }
0x86: {  	v4 =	vadd.s32 v1, v4;
	_ =	sdelay $0x1  }
0x87: {  	v3 =	vperm.xlane v3, v2;
	_ =	sdelay $0x1  }
0x88: {  	s1 =	simm.s32 $0x9A00;
	v3 =	vadd.s32 v1, v3  }
0x89: {  	[tilespmem:s1], [sflag:$0x1] =	stream.indirect_vreg.gather [hbm4b:s3+s2], $0x80, v4, vm0, $0xb8;
	[tilespmem:$0x18A00] =	vst v63  }
0x8a: {  	s1 =	simm.s32 $0xA200  }
0x8b: {  	[tilespmem:s1], [sflag:$0x1] =	stream.indirect_vreg.gather [hbm4b:s5+s2], $0x80, v4, vm1, $0xb8;
	[tilespmem:$0x18A00] =	vst v63  }
0x8c: {  	s1 =	simm.s32 $0xA600  }
0x8d: {  	[tilespmem:s1], [sflag:$0x1] =	stream.indirect_vreg.gather [hbm4b:s3+s2], $0x80, v3, vm0, $0xb8;
	[tilespmem:$0x18A00] =	vst v63  }
0x8e: {  	s1 =	simm.s32 $0xAE00  }
0x8f: {  	[tilespmem:s1], [sflag:$0x1] =	stream.indirect_vreg.gather [hbm4b:s5+s2], $0x80, v3, vm1, $0xb8;
	[tilespmem:$0x18A00] =	vst v63  }
0x90: {  	v3 =	vld [tilespmem:$0x70];
	_ =	sdelay $0x4  }
0x91: {  	v63 =	vshrl.u32 v3, $0x3  }
0x92: {  	v4 =	vmul.u32 $0x18, v63  }
0x93: {  	v3 =	vand.u32 $0x7, v3  }
0x94: {  	v3 =	vor.u32 v3, v4  }
0x95: {  	v4 =	vperm.xlane v3, v0;
	_ =	sdelay $0x1  }
0x96: {  	v4 =	vadd.s32 v1, v4;
	_ =	sdelay $0x1  }
0x97: {  	v3 =	vperm.xlane v3, v2;
	_ =	sdelay $0x1  }
0x98: {  	s1 =	simm.s32 $0xB200;
	v3 =	vadd.s32 v1, v3  }
0x99: {  	[tilespmem:s1], [sflag:$0x1] =	stream.indirect_vreg.gather [hbm4b:s3+s2], $0x80, v4, vm0, $0xb8;
	[tilespmem:$0x18A00] =	vst v63  }
0x9a: {  	s1 =	simm.s32 $0xBA00  }
0x9b: {  	[tilespmem:s1], [sflag:$0x1] =	stream.indirect_vreg.gather [hbm4b:s5+s2], $0x80, v4, vm1, $0xb8;
	[tilespmem:$0x18A00] =	vst v63  }
.Ltmp2:
0x9c: {  	s1 =	simm.s32 $0xBE00;
	(pc) =	sbr.rel .LBB2_2-.Ltmp2, $4  }
0x9d: {  	[tilespmem:s1], [sflag:$0x1] =	stream.indirect_vreg.gather [hbm4b:s3+s2], $0x80, v3, vm0, $0xb8;
	[tilespmem:$0x18A00] =	vst v63  }
0x9e: {  	s1 =	simm.s32 $0xC600  }
0x9f: {  	[tilespmem:s1], [sflag:$0x1] =	stream.indirect_vreg.gather [hbm4b:s5+s2], $0x80, v3, vm1, $0xb8;
	[tilespmem:$0x18A00] =	vst v63  }
0xa0: {  	s31 =	simm.s32 $0xC0;
	s1 =	simm.s32 $0x0  }
.LBB2_4:
0xa1: {  	_ =	swait.ge [sflag:s30], $0xC000;
	s0 =	sadd.s32 s1, s7;
	s1 =	sadd.s32 $0x3000, s1  }
0xa2: {  	[sflag:s30] =	ssyncset.done $0x0;
	p0 =	sne.s32 s1, $0x1E000  }
.Ltmp3:
0xa3: {  	[sflag:s30] =	ssyncadd.s32 $0xFFFF4000;
	(pc) =	sbr.rel @!p0 .LBB2_5-.Ltmp3, $4  }
0xa4: {  	[hbm4b:s0+s2] =	stream.linear.scatter [tilespmem:s18], [sflag:$0x3], $0xC000, $0x38;
	[tilespmem:$0x18A00] =	vst v63  }
0xa5: {  	_ =	swait.ge [sflag:s9], $0xC000  }
0xa6: {  	[sflag:s9] =	ssyncset.done $0x0  }
0xa7: {  	s31 =	sadd.s32 $0x100, s31;
	[sflag:s9] =	ssyncadd.s32 $0xFFFF4000  }
.LBB2_2:
0xa8: {  	v3 =	vld [tilespmem:s31+$0xFFFFFFC0];
	_ =	sdelay $0x4  }
0xa9: {  	v4 =	vshrl.u32 v3, $0x3  }
0xaa: {  	v4 =	vmul.u32 $0x18, v4  }
0xab: {  	v3 =	vand.u32 $0x7, v3  }
0xac: {  	v3 =	vor.u32 v3, v4  }
0xad: {  	v4 =	vperm.xlane v3, v0;
	_ =	sdelay $0x1  }
0xae: {  	v4 =	vadd.s32 v1, v4;
	_ =	sdelay $0x1  }
0xaf: {  	v3 =	vperm.xlane v3, v2;
	_ =	sdelay $0x1  }
0xb0: {  	v3 =	vadd.s32 v1, v3  }
0xb1: {  	[tilespmem:s18], [sflag:$0x2] =	stream.indirect_vreg.gather [hbm4b:s3+s2], $0x80, v4, vm0, $0xb8;
	[tilespmem:$0x18A00] =	vst v63  }
0xb2: {  	s0 =	simm.s32 $0xD200  }
0xb3: {  	[tilespmem:s0], [sflag:$0x2] =	stream.indirect_vreg.gather [hbm4b:s5+s2], $0x80, v4, vm1, $0xb8;
	[tilespmem:$0x18A00] =	vst v63  }
0xb4: {  	s0 =	simm.s32 $0xD600  }
0xb5: {  	[tilespmem:s0], [sflag:$0x2] =	stream.indirect_vreg.gather [hbm4b:s3+s2], $0x80, v3, vm0, $0xb8;
	[tilespmem:$0x18A00] =	vst v63  }
0xb6: {  	s0 =	simm.s32 $0xDE00  }
0xb7: {  	[tilespmem:s0], [sflag:$0x2] =	stream.indirect_vreg.gather [hbm4b:s5+s2], $0x80, v3, vm1, $0xb8;
	[tilespmem:$0x18A00] =	vst v63  }
0xb8: {  	v3 =	vld [tilespmem:s31+$0xFFFFFFD0];
	_ =	sdelay $0x4  }
0xb9: {  	v57 =	vshrl.u32 v3, $0x3  }
0xba: {  	v4 =	vmul.u32 $0x18, v57  }
0xbb: {  	v3 =	vand.u32 $0x7, v3  }
0xbc: {  	v3 =	vor.u32 v3, v4  }
0xbd: {  	v4 =	vperm.xlane v3, v0;
	_ =	sdelay $0x1  }
0xbe: {  	v4 =	vadd.s32 v1, v4;
	_ =	sdelay $0x1  }
0xbf: {  	v3 =	vperm.xlane v3, v2;
	_ =	sdelay $0x1  }
0xc0: {  	s0 =	simm.s32 $0xE200;
	v3 =	vadd.s32 v1, v3  }
0xc1: {  	[tilespmem:s0], [sflag:$0x2] =	stream.indirect_vreg.gather [hbm4b:s3+s2], $0x80, v4, vm0, $0xb8;
	[tilespmem:$0x18A00] =	vst v63  }
0xc2: {  	s0 =	simm.s32 $0xEA00  }
0xc3: {  	[tilespmem:s0], [sflag:$0x2] =	stream.indirect_vreg.gather [hbm4b:s5+s2], $0x80, v4, vm1, $0xb8;
	[tilespmem:$0x18A00] =	vst v63  }
0xc4: {  	s0 =	simm.s32 $0xEE00  }
0xc5: {  	[tilespmem:s0], [sflag:$0x2] =	stream.indirect_vreg.gather [hbm4b:s3+s2], $0x80, v3, vm0, $0xb8;
	[tilespmem:$0x18A00] =	vst v63  }
0xc6: {  	s0 =	simm.s32 $0xF600  }
0xc7: {  	[tilespmem:s0], [sflag:$0x2] =	stream.indirect_vreg.gather [hbm4b:s5+s2], $0x80, v3, vm1, $0xb8;
	[tilespmem:$0x18A00] =	vst v63  }
0xc8: {  	v3 =	vld [tilespmem:s31+$0xFFFFFFE0];
	_ =	sdelay $0x4  }
0xc9: {  	v58 =	vshrl.u32 v3, $0x3  }
0xca: {  	v4 =	vmul.u32 $0x18, v58  }
0xcb: {  	v3 =	vand.u32 $0x7, v3  }
0xcc: {  	v3 =	vor.u32 v3, v4  }
0xcd: {  	v4 =	vperm.xlane v3, v0;
	_ =	sdelay $0x1  }
0xce: {  	v4 =	vadd.s32 v1, v4;
	_ =	sdelay $0x1  }
0xcf: {  	v3 =	vperm.xlane v3, v2;
	_ =	sdelay $0x1  }
0xd0: {  	s0 =	simm.s32 $0xFA00;
	v3 =	vadd.s32 v1, v3  }
0xd1: {  	[tilespmem:s0], [sflag:$0x2] =	stream.indirect_vreg.gather [hbm4b:s3+s2], $0x80, v4, vm0, $0xb8;
	[tilespmem:$0x18A00] =	vst v63  }
0xd2: {  	s0 =	simm.s32 $0x10200  }
0xd3: {  	[tilespmem:s0], [sflag:$0x2] =	stream.indirect_vreg.gather [hbm4b:s5+s2], $0x80, v4, vm1, $0xb8;
	[tilespmem:$0x18A00] =	vst v63  }
0xd4: {  	s0 =	simm.s32 $0x10600  }
0xd5: {  	[tilespmem:s0], [sflag:$0x2] =	stream.indirect_vreg.gather [hbm4b:s3+s2], $0x80, v3, vm0, $0xb8;
	[tilespmem:$0x18A00] =	vst v63  }
0xd6: {  	s0 =	simm.s32 $0x10E00  }
0xd7: {  	[tilespmem:s0], [sflag:$0x2] =	stream.indirect_vreg.gather [hbm4b:s5+s2], $0x80, v3, vm1, $0xb8;
	[tilespmem:$0x18A00] =	vst v63  }
0xd8: {  	v3 =	vld [tilespmem:s31+$0xFFFFFFF0];
	_ =	sdelay $0x4  }
0xd9: {  	v59 =	vshrl.u32 v3, $0x3  }
0xda: {  	v4 =	vmul.u32 $0x18, v59  }
0xdb: {  	v3 =	vand.u32 $0x7, v3  }
0xdc: {  	v3 =	vor.u32 v3, v4  }
0xdd: {  	v4 =	vperm.xlane v3, v0;
	_ =	sdelay $0x1  }
0xde: {  	v4 =	vadd.s32 v1, v4;
	_ =	sdelay $0x1  }
0xdf: {  	v3 =	vperm.xlane v3, v2;
	_ =	sdelay $0x1  }
0xe0: {  	s0 =	simm.s32 $0x11200;
	v3 =	vadd.s32 v1, v3  }
0xe1: {  	[tilespmem:s0], [sflag:$0x2] =	stream.indirect_vreg.gather [hbm4b:s3+s2], $0x80, v4, vm0, $0xb8;
	[tilespmem:$0x18A00] =	vst v63  }
0xe2: {  	s0 =	simm.s32 $0x11A00  }
0xe3: {  	[tilespmem:s0], [sflag:$0x2] =	stream.indirect_vreg.gather [hbm4b:s5+s2], $0x80, v4, vm1, $0xb8;
	[tilespmem:$0x18A00] =	vst v63  }
0xe4: {  	s0 =	simm.s32 $0x11E00  }
0xe5: {  	[tilespmem:s0], [sflag:$0x2] =	stream.indirect_vreg.gather [hbm4b:s3+s2], $0x80, v3, vm0, $0xb8;
	[tilespmem:$0x18A00] =	vst v63  }
0xe6: {  	_ = 	snop  }
0xe7: {  	[tilespmem:s4], [sflag:$0x2] =	stream.indirect_vreg.gather [hbm4b:s5+s2], $0x80, v3, vm1, $0xb8;
	[tilespmem:$0x18A00] =	vst v63  }
0xe8: {  	v3 =	vld [tilespmem:s31+$0x0];
	_ =	sdelay $0x4  }
0xe9: {  	v60 =	vshrl.u32 v3, $0x3  }
0xea: {  	v4 =	vmul.u32 $0x18, v60  }
0xeb: {  	v3 =	vand.u32 $0x7, v3  }
0xec: {  	v3 =	vor.u32 v3, v4  }
0xed: {  	v4 =	vperm.xlane v3, v0;
	_ =	sdelay $0x1  }
0xee: {  	v4 =	vadd.s32 v1, v4;
	_ =	sdelay $0x1  }
0xef: {  	v3 =	vperm.xlane v3, v2;
	_ =	sdelay $0x1  }
0xf0: {  	v3 =	vadd.s32 v1, v3  }
0xf1: {  	[tilespmem:s6], [sflag:$0x2] =	stream.indirect_vreg.gather [hbm4b:s3+s2], $0x80, v4, vm0, $0xb8;
	[tilespmem:$0x18A00] =	vst v63  }
0xf2: {  	_ = 	snop  }
0xf3: {  	[tilespmem:s11], [sflag:$0x2] =	stream.indirect_vreg.gather [hbm4b:s5+s2], $0x80, v4, vm1, $0xb8;
	[tilespmem:$0x18A00] =	vst v63  }
0xf4: {  	_ = 	snop  }
0xf5: {  	[tilespmem:s12], [sflag:$0x2] =	stream.indirect_vreg.gather [hbm4b:s3+s2], $0x80, v3, vm0, $0xb8;
	[tilespmem:$0x18A00] =	vst v63  }
0xf6: {  	_ = 	snop  }
0xf7: {  	[tilespmem:s13], [sflag:$0x2] =	stream.indirect_vreg.gather [hbm4b:s5+s2], $0x80, v3, vm1, $0xb8;
	[tilespmem:$0x18A00] =	vst v63  }
0xf8: {  	v3 =	vld [tilespmem:s31+$0x10];
	_ =	sdelay $0x4  }
0xf9: {  	v61 =	vshrl.u32 v3, $0x3  }
0xfa: {  	v4 =	vmul.u32 $0x18, v61  }
0xfb: {  	v3 =	vand.u32 $0x7, v3  }
0xfc: {  	v3 =	vor.u32 v3, v4  }
0xfd: {  	v4 =	vperm.xlane v3, v0;
	_ =	sdelay $0x1  }
0xfe: {  	v4 =	vadd.s32 v1, v4;
	_ =	sdelay $0x1  }
0xff: {  	v3 =	vperm.xlane v3, v2;
	_ =	sdelay $0x1  }
0x100: {  	v3 =	vadd.s32 v1, v3  }
0x101: {  	[tilespmem:s14], [sflag:$0x2] =	stream.indirect_vreg.gather [hbm4b:s3+s2], $0x80, v4, vm0, $0xb8;
	[tilespmem:$0x18A00] =	vst v63  }
0x102: {  	_ = 	snop  }
0x103: {  	[tilespmem:s15], [sflag:$0x2] =	stream.indirect_vreg.gather [hbm4b:s5+s2], $0x80, v4, vm1, $0xb8;
	[tilespmem:$0x18A00] =	vst v63  }
0x104: {  	_ = 	snop  }
0x105: {  	[tilespmem:s16], [sflag:$0x2] =	stream.indirect_vreg.gather [hbm4b:s3+s2], $0x80, v3, vm0, $0xb8;
	[tilespmem:$0x18A00] =	vst v63  }
0x106: {  	_ = 	snop  }
0x107: {  	[tilespmem:s17], [sflag:$0x2] =	stream.indirect_vreg.gather [hbm4b:s5+s2], $0x80, v3, vm1, $0xb8;
	[tilespmem:$0x18A00] =	vst v63  }
0x108: {  	v3 =	vld [tilespmem:s31+$0x20];
	_ =	sdelay $0x4  }
0x109: {  	v62 =	vshrl.u32 v3, $0x3  }
0x10a: {  	v4 =	vmul.u32 $0x18, v62  }
0x10b: {  	v3 =	vand.u32 $0x7, v3  }
0x10c: {  	v3 =	vor.u32 v3, v4  }
0x10d: {  	v4 =	vperm.xlane v3, v0;
	_ =	sdelay $0x1  }
0x10e: {  	v4 =	vadd.s32 v1, v4;
	_ =	sdelay $0x1  }
0x10f: {  	v3 =	vperm.xlane v3, v2;
	_ =	sdelay $0x1  }
0x110: {  	v3 =	vadd.s32 v1, v3  }
0x111: {  	[tilespmem:s19], [sflag:$0x2] =	stream.indirect_vreg.gather [hbm4b:s3+s2], $0x80, v4, vm0, $0xb8;
	[tilespmem:$0x18A00] =	vst v63  }
0x112: {  	_ = 	snop  }
0x113: {  	[tilespmem:s20], [sflag:$0x2] =	stream.indirect_vreg.gather [hbm4b:s5+s2], $0x80, v4, vm1, $0xb8;
	[tilespmem:$0x18A00] =	vst v63  }
0x114: {  	_ = 	snop  }
0x115: {  	[tilespmem:s21], [sflag:$0x2] =	stream.indirect_vreg.gather [hbm4b:s3+s2], $0x80, v3, vm0, $0xb8;
	[tilespmem:$0x18A00] =	vst v63  }
0x116: {  	_ = 	snop  }
0x117: {  	[tilespmem:s22], [sflag:$0x2] =	stream.indirect_vreg.gather [hbm4b:s5+s2], $0x80, v3, vm1, $0xb8;
	[tilespmem:$0x18A00] =	vst v63  }
0x118: {  	v3 =	vld [tilespmem:s31+$0x30];
	_ =	sdelay $0x4  }
0x119: {  	v63 =	vshrl.u32 v3, $0x3  }
0x11a: {  	v4 =	vmul.u32 $0x18, v63  }
0x11b: {  	v3 =	vand.u32 $0x7, v3  }
0x11c: {  	v3 =	vor.u32 v3, v4  }
0x11d: {  	v4 =	vperm.xlane v3, v0;
	_ =	sdelay $0x1  }
0x11e: {  	v4 =	vadd.s32 v1, v4;
	_ =	sdelay $0x1  }
0x11f: {  	v3 =	vperm.xlane v3, v2;
	_ =	sdelay $0x1  }
0x120: {  	v3 =	vadd.s32 v1, v3  }
0x121: {  	[tilespmem:s23], [sflag:$0x2] =	stream.indirect_vreg.gather [hbm4b:s3+s2], $0x80, v4, vm0, $0xb8;
	[tilespmem:$0x18A00] =	vst v63  }
0x122: {  	_ = 	snop  }
0x123: {  	[tilespmem:s24], [sflag:$0x2] =	stream.indirect_vreg.gather [hbm4b:s5+s2], $0x80, v4, vm1, $0xb8;
	[tilespmem:$0x18A00] =	vst v63  }
0x124: {  	_ = 	snop  }
0x125: {  	[tilespmem:s25], [sflag:$0x2] =	stream.indirect_vreg.gather [hbm4b:s3+s2], $0x80, v3, vm0, $0xb8;
	[tilespmem:$0x18A00] =	vst v63  }
0x126: {  	_ = 	snop  }
0x127: {  	[tilespmem:s26], [sflag:$0x2] =	stream.indirect_vreg.gather [hbm4b:s5+s2], $0x80, v3, vm1, $0xb8;
	[tilespmem:$0x18A00] =	vst v63  }
0x128: {  	_ =	swait.ge [sflag:s28], $0xC000  }
0x129: {  	p0 =	seq.s32 s1, $0x1B000;
	[sflag:s28] =	ssyncset.done $0x0  }
.Ltmp4:
0x12a: {  	s0 =	sadd.s32 s1, s8;
	[sflag:s28] =	ssyncadd.s32 $0xFFFF4000;
	(pc) =	sbr.rel @p0 .LBB2_4-.Ltmp4, $4  }
0x12b: {  	[hbm4b:s0+s2] =	stream.linear.scatter [tilespmem:s10], [sflag:$0x4], $0xC000, $0x38;
	[tilespmem:$0x18A00] =	vst v63  }
0x12c: {  	_ =	swait.ge [sflag:s29], $0xC000  }
0x12d: {  	[sflag:s29] =	ssyncset.done $0x0  }
0x12e: {  	[sflag:s29] =	ssyncadd.s32 $0xFFFF4000  }
0x12f: {  	v3 =	vld [tilespmem:s31+$0x40];
	_ =	sdelay $0x4  }
0x130: {  	v4 =	vshrl.u32 v3, $0x3  }
0x131: {  	v4 =	vmul.u32 $0x18, v4  }
0x132: {  	v3 =	vand.u32 $0x7, v3  }
0x133: {  	v3 =	vor.u32 v3, v4  }
0x134: {  	v4 =	vperm.xlane v3, v0;
	_ =	sdelay $0x1  }
0x135: {  	v4 =	vadd.s32 v1, v4;
	_ =	sdelay $0x1  }
0x136: {  	v3 =	vperm.xlane v3, v2;
	_ =	sdelay $0x1  }
0x137: {  	v3 =	vadd.s32 v1, v3  }
0x138: {  	[tilespmem:s10], [sflag:$0x1] =	stream.indirect_vreg.gather [hbm4b:s3+s2], $0x80, v4, vm0, $0xb8;
	[tilespmem:$0x18A00] =	vst v63  }
0x139: {  	s0 =	simm.s32 $0x1200  }
0x13a: {  	[tilespmem:s0], [sflag:$0x1] =	stream.indirect_vreg.gather [hbm4b:s5+s2], $0x80, v4, vm1, $0xb8;
	[tilespmem:$0x18A00] =	vst v63  }
0x13b: {  	s0 =	simm.s32 $0x1600  }
0x13c: {  	[tilespmem:s0], [sflag:$0x1] =	stream.indirect_vreg.gather [hbm4b:s3+s2], $0x80, v3, vm0, $0xb8;
	[tilespmem:$0x18A00] =	vst v63  }
0x13d: {  	s0 =	simm.s32 $0x1E00  }
0x13e: {  	[tilespmem:s0], [sflag:$0x1] =	stream.indirect_vreg.gather [hbm4b:s5+s2], $0x80, v3, vm1, $0xb8;
	[tilespmem:$0x18A00] =	vst v63  }
0x13f: {  	v3 =	vld [tilespmem:s31+$0x50];
	_ =	sdelay $0x4  }
0x140: {  	v57 =	vshrl.u32 v3, $0x3  }
0x141: {  	v4 =	vmul.u32 $0x18, v57  }
0x142: {  	v3 =	vand.u32 $0x7, v3  }
0x143: {  	v3 =	vor.u32 v3, v4  }
0x144: {  	v4 =	vperm.xlane v3, v0;
	_ =	sdelay $0x1  }
0x145: {  	v4 =	vadd.s32 v1, v4;
	_ =	sdelay $0x1  }
0x146: {  	v3 =	vperm.xlane v3, v2;
	_ =	sdelay $0x1  }
0x147: {  	s0 =	simm.s32 $0x2200;
	v3 =	vadd.s32 v1, v3  }
0x148: {  	[tilespmem:s0], [sflag:$0x1] =	stream.indirect_vreg.gather [hbm4b:s3+s2], $0x80, v4, vm0, $0xb8;
	[tilespmem:$0x18A00] =	vst v63  }
0x149: {  	s0 =	simm.s32 $0x2A00  }
0x14a: {  	[tilespmem:s0], [sflag:$0x1] =	stream.indirect_vreg.gather [hbm4b:s5+s2], $0x80, v4, vm1, $0xb8;
	[tilespmem:$0x18A00] =	vst v63  }
0x14b: {  	s0 =	simm.s32 $0x2E00  }
0x14c: {  	[tilespmem:s0], [sflag:$0x1] =	stream.indirect_vreg.gather [hbm4b:s3+s2], $0x80, v3, vm0, $0xb8;
	[tilespmem:$0x18A00] =	vst v63  }
0x14d: {  	s0 =	simm.s32 $0x3600  }
0x14e: {  	[tilespmem:s0], [sflag:$0x1] =	stream.indirect_vreg.gather [hbm4b:s5+s2], $0x80, v3, vm1, $0xb8;
	[tilespmem:$0x18A00] =	vst v63  }
0x14f: {  	v3 =	vld [tilespmem:s31+$0x60];
	_ =	sdelay $0x4  }
0x150: {  	v58 =	vshrl.u32 v3, $0x3  }
0x151: {  	v4 =	vmul.u32 $0x18, v58  }
0x152: {  	v3 =	vand.u32 $0x7, v3  }
0x153: {  	v3 =	vor.u32 v3, v4  }
0x154: {  	v4 =	vperm.xlane v3, v0;
	_ =	sdelay $0x1  }
0x155: {  	v4 =	vadd.s32 v1, v4;
	_ =	sdelay $0x1  }
0x156: {  	v3 =	vperm.xlane v3, v2;
	_ =	sdelay $0x1  }
0x157: {  	s0 =	simm.s32 $0x3A00;
	v3 =	vadd.s32 v1, v3  }
0x158: {  	[tilespmem:s0], [sflag:$0x1] =	stream.indirect_vreg.gather [hbm4b:s3+s2], $0x80, v4, vm0, $0xb8;
	[tilespmem:$0x18A00] =	vst v63  }
0x159: {  	s0 =	simm.s32 $0x4200  }
0x15a: {  	[tilespmem:s0], [sflag:$0x1] =	stream.indirect_vreg.gather [hbm4b:s5+s2], $0x80, v4, vm1, $0xb8;
	[tilespmem:$0x18A00] =	vst v63  }
0x15b: {  	s0 =	simm.s32 $0x4600  }
0x15c: {  	[tilespmem:s0], [sflag:$0x1] =	stream.indirect_vreg.gather [hbm4b:s3+s2], $0x80, v3, vm0, $0xb8;
	[tilespmem:$0x18A00] =	vst v63  }
0x15d: {  	s0 =	simm.s32 $0x4E00  }
0x15e: {  	[tilespmem:s0], [sflag:$0x1] =	stream.indirect_vreg.gather [hbm4b:s5+s2], $0x80, v3, vm1, $0xb8;
	[tilespmem:$0x18A00] =	vst v63  }
0x15f: {  	v3 =	vld [tilespmem:s31+$0x70];
	_ =	sdelay $0x4  }
0x160: {  	v59 =	vshrl.u32 v3, $0x3  }
0x161: {  	v4 =	vmul.u32 $0x18, v59  }
0x162: {  	v3 =	vand.u32 $0x7, v3  }
0x163: {  	v3 =	vor.u32 v3, v4  }
0x164: {  	v4 =	vperm.xlane v3, v0;
	_ =	sdelay $0x1  }
0x165: {  	v4 =	vadd.s32 v1, v4;
	_ =	sdelay $0x1  }
0x166: {  	v3 =	vperm.xlane v3, v2;
	_ =	sdelay $0x1  }
0x167: {  	s0 =	simm.s32 $0x5200;
	v3 =	vadd.s32 v1, v3  }
0x168: {  	[tilespmem:s0], [sflag:$0x1] =	stream.indirect_vreg.gather [hbm4b:s3+s2], $0x80, v4, vm0, $0xb8;
	[tilespmem:$0x18A00] =	vst v63  }
0x169: {  	s0 =	simm.s32 $0x5A00  }
0x16a: {  	[tilespmem:s0], [sflag:$0x1] =	stream.indirect_vreg.gather [hbm4b:s5+s2], $0x80, v4, vm1, $0xb8;
	[tilespmem:$0x18A00] =	vst v63  }
0x16b: {  	s0 =	simm.s32 $0x5E00  }
0x16c: {  	[tilespmem:s0], [sflag:$0x1] =	stream.indirect_vreg.gather [hbm4b:s3+s2], $0x80, v3, vm0, $0xb8;
	[tilespmem:$0x18A00] =	vst v63  }
0x16d: {  	s0 =	simm.s32 $0x6600  }
0x16e: {  	[tilespmem:s0], [sflag:$0x1] =	stream.indirect_vreg.gather [hbm4b:s5+s2], $0x80, v3, vm1, $0xb8;
	[tilespmem:$0x18A00] =	vst v63  }
0x16f: {  	v3 =	vld [tilespmem:s31+$0x80];
	_ =	sdelay $0x4  }
0x170: {  	v60 =	vshrl.u32 v3, $0x3  }
0x171: {  	v4 =	vmul.u32 $0x18, v60  }
0x172: {  	v3 =	vand.u32 $0x7, v3  }
0x173: {  	v3 =	vor.u32 v3, v4  }
0x174: {  	v4 =	vperm.xlane v3, v0;
	_ =	sdelay $0x1  }
0x175: {  	v4 =	vadd.s32 v1, v4;
	_ =	sdelay $0x1  }
0x176: {  	v3 =	vperm.xlane v3, v2;
	_ =	sdelay $0x1  }
0x177: {  	s0 =	simm.s32 $0x6A00;
	v3 =	vadd.s32 v1, v3  }
0x178: {  	[tilespmem:s0], [sflag:$0x1] =	stream.indirect_vreg.gather [hbm4b:s3+s2], $0x80, v4, vm0, $0xb8;
	[tilespmem:$0x18A00] =	vst v63  }
0x179: {  	s0 =	simm.s32 $0x7200  }
0x17a: {  	[tilespmem:s0], [sflag:$0x1] =	stream.indirect_vreg.gather [hbm4b:s5+s2], $0x80, v4, vm1, $0xb8;
	[tilespmem:$0x18A00] =	vst v63  }
0x17b: {  	s0 =	simm.s32 $0x7600  }
0x17c: {  	[tilespmem:s0], [sflag:$0x1] =	stream.indirect_vreg.gather [hbm4b:s3+s2], $0x80, v3, vm0, $0xb8;
	[tilespmem:$0x18A00] =	vst v63  }
0x17d: {  	s0 =	simm.s32 $0x7E00  }
0x17e: {  	[tilespmem:s0], [sflag:$0x1] =	stream.indirect_vreg.gather [hbm4b:s5+s2], $0x80, v3, vm1, $0xb8;
	[tilespmem:$0x18A00] =	vst v63  }
0x17f: {  	v3 =	vld [tilespmem:s31+$0x90];
	_ =	sdelay $0x4  }
0x180: {  	v61 =	vshrl.u32 v3, $0x3  }
0x181: {  	v4 =	vmul.u32 $0x18, v61  }
0x182: {  	v3 =	vand.u32 $0x7, v3  }
0x183: {  	v3 =	vor.u32 v3, v4  }
0x184: {  	v4 =	vperm.xlane v3, v0;
	_ =	sdelay $0x1  }
0x185: {  	v4 =	vadd.s32 v1, v4;
	_ =	sdelay $0x1  }
0x186: {  	v3 =	vperm.xlane v3, v2;
	_ =	sdelay $0x1  }
0x187: {  	s0 =	simm.s32 $0x8200;
	v3 =	vadd.s32 v1, v3  }
0x188: {  	[tilespmem:s0], [sflag:$0x1] =	stream.indirect_vreg.gather [hbm4b:s3+s2], $0x80, v4, vm0, $0xb8;
	[tilespmem:$0x18A00] =	vst v63  }
0x189: {  	s0 =	simm.s32 $0x8A00  }
0x18a: {  	[tilespmem:s0], [sflag:$0x1] =	stream.indirect_vreg.gather [hbm4b:s5+s2], $0x80, v4, vm1, $0xb8;
	[tilespmem:$0x18A00] =	vst v63  }
0x18b: {  	s0 =	simm.s32 $0x8E00  }
0x18c: {  	[tilespmem:s0], [sflag:$0x1] =	stream.indirect_vreg.gather [hbm4b:s3+s2], $0x80, v3, vm0, $0xb8;
	[tilespmem:$0x18A00] =	vst v63  }
0x18d: {  	s0 =	simm.s32 $0x9600  }
0x18e: {  	[tilespmem:s0], [sflag:$0x1] =	stream.indirect_vreg.gather [hbm4b:s5+s2], $0x80, v3, vm1, $0xb8;
	[tilespmem:$0x18A00] =	vst v63  }
0x18f: {  	v3 =	vld [tilespmem:s31+$0xA0];
	_ =	sdelay $0x4  }
0x190: {  	v62 =	vshrl.u32 v3, $0x3  }
0x191: {  	v4 =	vmul.u32 $0x18, v62  }
0x192: {  	v3 =	vand.u32 $0x7, v3  }
0x193: {  	v3 =	vor.u32 v3, v4  }
0x194: {  	v4 =	vperm.xlane v3, v0;
	_ =	sdelay $0x1  }
0x195: {  	v4 =	vadd.s32 v1, v4;
	_ =	sdelay $0x1  }
0x196: {  	v3 =	vperm.xlane v3, v2;
	_ =	sdelay $0x1  }
0x197: {  	s0 =	simm.s32 $0x9A00;
	v3 =	vadd.s32 v1, v3  }
0x198: {  	[tilespmem:s0], [sflag:$0x1] =	stream.indirect_vreg.gather [hbm4b:s3+s2], $0x80, v4, vm0, $0xb8;
	[tilespmem:$0x18A00] =	vst v63  }
0x199: {  	s0 =	simm.s32 $0xA200  }
0x19a: {  	[tilespmem:s0], [sflag:$0x1] =	stream.indirect_vreg.gather [hbm4b:s5+s2], $0x80, v4, vm1, $0xb8;
	[tilespmem:$0x18A00] =	vst v63  }
0x19b: {  	s0 =	simm.s32 $0xA600  }
0x19c: {  	[tilespmem:s0], [sflag:$0x1] =	stream.indirect_vreg.gather [hbm4b:s3+s2], $0x80, v3, vm0, $0xb8;
	[tilespmem:$0x18A00] =	vst v63  }
0x19d: {  	s0 =	simm.s32 $0xAE00  }
0x19e: {  	[tilespmem:s0], [sflag:$0x1] =	stream.indirect_vreg.gather [hbm4b:s5+s2], $0x80, v3, vm1, $0xb8;
	[tilespmem:$0x18A00] =	vst v63  }
0x19f: {  	v3 =	vld [tilespmem:s31+$0xB0];
	_ =	sdelay $0x4  }
0x1a0: {  	v63 =	vshrl.u32 v3, $0x3  }
0x1a1: {  	v4 =	vmul.u32 $0x18, v63  }
0x1a2: {  	v3 =	vand.u32 $0x7, v3  }
0x1a3: {  	v3 =	vor.u32 v3, v4  }
0x1a4: {  	v4 =	vperm.xlane v3, v0;
	_ =	sdelay $0x1  }
0x1a5: {  	v4 =	vadd.s32 v1, v4;
	_ =	sdelay $0x2  }
0x1a6: {  	v3 =	vperm.xlane v3, v2  }
0x1a7: {  	s0 =	simm.s32 $0xB200  }
0x1a8: {  	v3 =	vadd.s32 v1, v3;
	[tilespmem:s0], [sflag:$0x1] =	stream.indirect_vreg.gather [hbm4b:s3+s2], $0x80, v4, vm0, $0xb8;
	[tilespmem:$0x18A00] =	vst v63  }
0x1a9: {  	s0 =	simm.s32 $0xBA00  }
0x1aa: {  	[tilespmem:s0], [sflag:$0x1] =	stream.indirect_vreg.gather [hbm4b:s5+s2], $0x80, v4, vm1, $0xb8;
	[tilespmem:$0x18A00] =	vst v63  }
.Ltmp5:
0x1ab: {  	_ = 	snop;
	(pc) =	sbr.rel .LBB2_4-.Ltmp5, $4  }
0x1ac: {  	s0 =	simm.s32 $0xBE00  }
0x1ad: {  	[tilespmem:s0], [sflag:$0x1] =	stream.indirect_vreg.gather [hbm4b:s3+s2], $0x80, v3, vm0, $0xb8;
	[tilespmem:$0x18A00] =	vst v63  }
0x1ae: {  	s0 =	simm.s32 $0xC600  }
0x1af: {  	[tilespmem:s0], [sflag:$0x1] =	stream.indirect_vreg.gather [hbm4b:s5+s2], $0x80, v3, vm1, $0xb8;
	[tilespmem:$0x18A00] =	vst v63  }
.LBB2_6:
0x1b0: {  	_ =	sfence.sel $0x180000  }
0x1b1: {  	[bflag:$0x0] =	sbarrier.arrive $0xFFFF  }
0x1b2: {  	_ =	strace $0x9000004A  }
0x1b3: {  	s0 =	stileid.u32;
	[bflag:$0x2] =	sbarrier.arrive $0xFFFF  }
0x1b4: {  	p0 =	sne.s32 s0, $0x0;
	s0 =	rddreg [dreg:$0x2]  }
0x1b5: {  	s0 =	sadd.s32 @!p0 $0x100000, s0  }
0x1b6: {  	[sflag:s0] =	ssyncadd.tile.s32 @!p0 $0x1;
	_ =	shalt  }
.Lfunc_end2:
_tile_overlayer_lowered:
.L_overlay_start_2:
0x1b7: {  	(tag) =	ssettag $0x2  }
0x1b8: {  	s0 =	rddreg [dreg:$0x0];
	s2 =	stileid.u32  }
0x1b9: {  	s1 =	rddreg [dreg:$0x1];
	p0 =	sne.s32 s2, $0x0  }
0x1ba: {  	s3 =	rddreg [dreg:$0x2];
	[bflag:$0x3] =	sbarrier.arrive $0xFFFF;
	s2 =	simm.s32 @!p0 $0x1C03  }
0x1bb: {  	[timem:s3], [sflag:s2] =	dma.local @!p0 [hbm:s0], s1  }
0x1bc: {  	s0 =	simm.s32 @!p0 $0x3  }
0x1bd: {  	_ =	swait.ge @!p0 [sflag:s0], s1  }
0x1be: {  	s1 =	ssub.s32 @!p0 $0x0, s1;
	[sflag:s0] =	ssyncset.done @!p0 $0x0  }
0x1bf: {  	[sflag:s0] =	ssyncadd.s32 @!p0 s1  }
0x1c0: {  	[bflag:$0x3] =	sbarrier.arrive $0xFFFF  }
0x1c1: {  	_ =	shalt  }

</sc_bundles>
